<compile_context>
chip_gen: v7x
topology: tpu7x:2x2x1
jax: 0.10.2.dev20260603
libtpu: 0.0.44.dev20260713+nightly
codegen_flags: <defaults>
</compile_context>

<pallas_src>
import functools

import jax
import jax.numpy as jnp
from jax import lax
from jax.experimental import pallas as pl
from jax.experimental.pallas import tpu as pltpu
from jax.experimental.pallas import tpu_sc as plsc

NN = 10000
EE = 320000
HH = 128
GG = 64
NC = 2
NS = 16
CH = 128
SEG = 8
SPP = 20
Q0 = 15
TOT_SEG = NS * SPP
E_PAD = TOT_SEG * SEG * CH
N_ACC = 10240
RPT = N_ACC // NS
DW = 16

_mesh = lambda: plsc.VectorSubcoreMesh(core_axis_name="c", subcore_axis_name="s")


@functools.cache
def _make_deg_kernel():
    return pl.kernel(
        _deg_body,
        out_type=jax.ShapeDtypeStruct((NC, N_ACC, HH), jnp.float32),
        mesh=_mesh(),
        scratch_types=[
            pltpu.VMEM((SEG, CH), jnp.int32),
            pltpu.VMEM((CH, HH), jnp.float32),
            pltpu.VMEM_SHARED((N_ACC, HH), jnp.float32),
        ],
    )


def _deg_body(dst_hbm, zeros_hbm, ones_hbm, out_hbm, idx_v, val_v, acc):
    c = lax.axis_index("c")
    s = lax.axis_index("s")
    sb = s * SPP + c * (SPP // 2)

    pltpu.sync_copy(zeros_hbm, val_v)
    base = s * RPT

    def zchunk(k, carry):
        pltpu.sync_copy(val_v, acc.at[pl.ds(base + k * CH, CH)])
        return carry

    lax.fori_loop(0, RPT // CH, zchunk, 0)
    pltpu.sync_copy(ones_hbm, val_v)
    plsc.subcore_barrier()

    def seg_body(g, carry):
        pltpu.sync_copy(dst_hbm.at[sb + g], idx_v)

        def body(j, carry2):
            pltpu.sync_copy(val_v, acc.at[idx_v.at[j]], add=True)
            return carry2

        lax.fori_loop(0, SEG, body, 0)
        return carry

    lax.fori_loop(0, SPP // 2, seg_body, 0)
    plsc.subcore_barrier()

    def wb(k, carry):
        pltpu.sync_copy(
            acc.at[pl.ds(base + k * CH, CH)],
            out_hbm.at[c, pl.ds(base + k * CH, CH)],
        )
        return carry

    lax.fori_loop(0, RPT // CH, wb, 0)


@functools.cache
def _make_scatter_kernel():
    return pl.kernel(
        _scatter_body,
        out_type=jax.ShapeDtypeStruct((NC, N_ACC, HH), jnp.float32),
        mesh=_mesh(),
        scratch_types=[
            pltpu.VMEM((SEG, CH), jnp.int32),
            pltpu.VMEM((SEG, CH), jnp.int32),
            pltpu.VMEM((CH, HH), jnp.float32),
            pltpu.VMEM((CH, HH), jnp.float32),
            pltpu.VMEM_SHARED((N_ACC, HH), jnp.float32),
            pltpu.SemaphoreType.DMA,
            pltpu.SemaphoreType.DMA,
        ],
    )


def _scatter_body(m_hbm, src_hbm, dst_hbm, zeros_hbm, out_hbm, si_v, di_v,
                  buf_a, buf_b, acc, sem_a, sem_b):
    c = lax.axis_index("c")
    s = lax.axis_index("s")
    nseg = jnp.where(c == 0, Q0, SPP - Q0)
    sb = s * SPP + c * Q0

    pltpu.sync_copy(zeros_hbm, buf_a)
    base = s * RPT

    def zchunk(k, carry):
        pltpu.sync_copy(buf_a, acc.at[pl.ds(base + k * CH, CH)])
        return carry

    lax.fori_loop(0, RPT // CH, zchunk, 0)
    plsc.subcore_barrier()

    def seg_body(g, carry):
        pltpu.sync_copy(src_hbm.at[sb + g], si_v)
        pltpu.sync_copy(dst_hbm.at[sb + g], di_v)
        pltpu.async_copy(m_hbm.at[si_v.at[0]], buf_a, sem_a)

        def body(j2, carry2):
            a = 2 * j2
            b = a + 1
            pltpu.async_copy(m_hbm.at[si_v.at[b]], buf_b, sem_b)
            pltpu.make_async_copy(m_hbm.at[si_v.at[a]], buf_a, sem_a).wait()
            pltpu.sync_copy(buf_a, acc.at[di_v.at[a]], add=True)

            @pl.when(b + 1 < SEG)
            def _():
                pltpu.async_copy(m_hbm.at[si_v.at[b + 1]], buf_a, sem_a)

            pltpu.make_async_copy(m_hbm.at[si_v.at[b]], buf_b, sem_b).wait()
            pltpu.sync_copy(buf_b, acc.at[di_v.at[b]], add=True)
            return carry2

        lax.fori_loop(0, SEG // 2, body, 0)
        return carry

    lax.fori_loop(0, nseg, seg_body, 0)
    plsc.subcore_barrier()

    def wb(k, carry):
        pltpu.sync_copy(
            acc.at[pl.ds(base + k * CH, CH)],
            out_hbm.at[c, pl.ds(base + k * CH, CH)],
        )
        return carry

    lax.fori_loop(0, RPT // CH, wb, 0)


def _k0_body(x_ref, we_ref, be_ref, w0_ref, p_ref, m_ref, dinv_ref):
    h = jnp.maximum(
        jnp.dot(x_ref[...], we_ref[...], preferred_element_type=jnp.float32)
        + be_ref[...], 0.0)
    deg = p_ref[0, :NN, :1] + p_ref[1, :NN, :1] + 1.0
    dinv = lax.rsqrt(deg)
    dinv_ref[...] = dinv
    m_ref[...] = dinv * jnp.dot(h, w0_ref[...],
                                preferred_element_type=jnp.float32)


def _kmid_body(s_ref, m_ref, dinv_ref, b_ref, w_ref, mo_ref):
    ssum = s_ref[0, :NN, :] + s_ref[1, :NN, :]
    dinv = dinv_ref[...]
    h = jnp.maximum(dinv * (ssum + m_ref[...]) + b_ref[...], 0.0)
    mo_ref[...] = dinv * jnp.dot(h, w_ref[...],
                                 preferred_element_type=jnp.float32)


def _kpost_body(s_ref, m_ref, dinv_ref, b_ref, batch_ref, wa_ref, ba_ref,
                wt_ref, bt_ref, wm_ref, bm_ref, h_ref, act_ref, tgt_ref,
                atom_ref):
    ssum = s_ref[0, :NN, :] + s_ref[1, :NN, :]
    dinv = dinv_ref[...]
    h = jnp.maximum(dinv * (ssum + m_ref[...]) + b_ref[...], 0.0)
    h_ref[...] = h
    seg = lax.broadcasted_iota(jnp.int32, (1, GG), 1)
    oh = (batch_ref[...] == seg).astype(jnp.float32)
    gsum = lax.dot_general(oh, h, (((0,), (0,)), ((), ())),
                           preferred_element_type=jnp.float32)
    counts = lax.dot_general(oh, jnp.ones((NN, 1), jnp.float32),
                             (((0,), (0,)), ((), ())),
                             preferred_element_type=jnp.float32)
    ge = gsum / jnp.maximum(counts, 1.0)
    act_ref[...] = jnp.dot(ge, wa_ref[...],
                           preferred_element_type=jnp.float32) + ba_ref[...]
    atom_ref[...] = jnp.dot(ge, wm_ref[...],
                            preferred_element_type=jnp.float32) + bm_ref[...]
    tgt_ref[...] = jnp.dot(h, wt_ref[...],
                           preferred_element_type=jnp.float32) + bt_ref[...]


_k0 = pl.pallas_call(
    _k0_body,
    out_shape=(
        jax.ShapeDtypeStruct((NN, HH), jnp.float32),
        jax.ShapeDtypeStruct((NN, 1), jnp.float32),
    ),
)

_kmid = pl.pallas_call(
    _kmid_body,
    out_shape=jax.ShapeDtypeStruct((NN, HH), jnp.float32),
)

_kpost = pl.pallas_call(
    _kpost_body,
    out_shape=(
        jax.ShapeDtypeStruct((NN, HH), jnp.float32),
        jax.ShapeDtypeStruct((GG, 4), jnp.float32),
        jax.ShapeDtypeStruct((NN, 1), jnp.float32),
        jax.ShapeDtypeStruct((GG, 16), jnp.float32),
    ),
)


def kernel(x, edge_index, batch, W_emb, b_emb, W0, b0, W1, b1, W2, b2,
           W_act, b_act, W_tgt, b_tgt, W_atom, b_atom):
    pad = E_PAD - EE
    srcp = jnp.concatenate(
        [edge_index[0], jnp.zeros((pad,), jnp.int32)]).reshape(
            TOT_SEG, SEG, CH)
    dstp = jnp.concatenate(
        [edge_index[1], jnp.full((pad,), NN, jnp.int32)]).reshape(
            TOT_SEG, SEG, CH)

    deg_k = _make_deg_kernel()
    scat_k = _make_scatter_kernel()
    zeros128 = jnp.zeros((CH, HH), jnp.float32)
    ones128 = jnp.ones((CH, HH), jnp.float32)
    degp = deg_k(dstp, zeros128, ones128)
    m0, dinv = _k0(x, W_emb, b_emb.reshape(1, HH), W0, degp)
    s0 = scat_k(m0, srcp, dstp, zeros128)
    m1 = _kmid(s0, m0, dinv, b0.reshape(1, HH), W1)
    s1 = scat_k(m1, srcp, dstp, zeros128)
    m2 = _kmid(s1, m1, dinv, b1.reshape(1, HH), W2)
    s2 = scat_k(m2, srcp, dstp, zeros128)
    h, act, tgt, atom = _kpost(
        s2, m2, dinv, b2.reshape(1, HH), batch.reshape(NN, 1),
        W_act, b_act.reshape(1, 4), W_tgt, b_tgt.reshape(1, 1),
        W_atom, b_atom.reshape(1, 16))
    return act, tgt[:, 0], atom, h

# --- scband reference (transcript-rebuilt; emitter-appended) ---
"""Pipeline reference for scband-actor-gnn-39779987095909 (READ-ONLY COPY).

The authoritative reference and input builder live on the scoring server;
editing this copy changes nothing except your own understanding.
"""

import jax, jax.numpy as jnp
import numpy as np

N = 10000
E = 320000
D_IN = 128
H = 128
G = 64
NUM_ATOM_TYPES = 16
NUM_ACTION_TYPES = 4


def setup_inputs(seed: int = 0) -> dict:
    key = jax.random.key(seed)
    ks = jax.random.split(key, 20)
    x = jax.random.normal(ks[0], (N, D_IN), dtype=jnp.float32)
    edge_index = jax.random.randint(ks[1], (2, E), 0, N, dtype=jnp.int32)
    batch = jnp.sort(jax.random.randint(ks[2], (N,), 0, G, dtype=jnp.int32))
    s_in = 1.0 / np.sqrt(D_IN)
    s_h = 1.0 / np.sqrt(H)
    inp = {
        'x': x,
        'edge_index': edge_index,
        'batch': batch,
        'W_emb': jax.random.uniform(ks[3], (D_IN, H), jnp.float32, -s_in, s_in),
        'b_emb': jnp.zeros((H,), jnp.float32),
        'W0': jax.random.uniform(ks[4], (H, H), jnp.float32, -s_h, s_h),
        'b0': jnp.zeros((H,), jnp.float32),
        'W1': jax.random.uniform(ks[5], (H, H), jnp.float32, -s_h, s_h),
        'b1': jnp.zeros((H,), jnp.float32),
        'W2': jax.random.uniform(ks[6], (H, H), jnp.float32, -s_h, s_h),
        'b2': jnp.zeros((H,), jnp.float32),
        'W_act': jax.random.uniform(ks[7], (H, NUM_ACTION_TYPES), jnp.float32, -s_h, s_h),
        'b_act': jnp.zeros((NUM_ACTION_TYPES,), jnp.float32),
        'W_tgt': jax.random.uniform(ks[8], (H, 1), jnp.float32, -s_h, s_h),
        'b_tgt': jnp.zeros((1,), jnp.float32),
        'W_atom': jax.random.uniform(ks[9], (H, NUM_ATOM_TYPES), jnp.float32, -s_h, s_h),
        'b_atom': jnp.zeros((NUM_ATOM_TYPES,), jnp.float32),
    }
    return inp


def _gcn_conv(h, edge_index, W, b):
    # GCNConv: D^{-1/2} (A + I) D^{-1/2} (H W) + b
    loop = jnp.arange(N, dtype=edge_index.dtype)
    src = jnp.concatenate([edge_index[0], loop])
    dst = jnp.concatenate([edge_index[1], loop])
    deg = jnp.zeros((N,), h.dtype).at[dst].add(1.0)
    dinv = jax.lax.rsqrt(deg)
    norm = dinv[src] * dinv[dst]
    hw = h @ W
    msg = hw[src] * norm[:, None]
    out = jnp.zeros((N, W.shape[1]), h.dtype).at[dst].add(msg)
    return out + b


def reference(x, edge_index, batch, W_emb, b_emb, W0, b0, W1, b1, W2, b2,
              W_act, b_act, W_tgt, b_tgt, W_atom, b_atom):
    h = jax.nn.relu(x @ W_emb + b_emb)
    for W, b in ((W0, b0), (W1, b1), (W2, b2)):
        h = jax.nn.relu(_gcn_conv(h, edge_index, W, b))
    # global_mean_pool
    counts = jnp.zeros((G,), h.dtype).at[batch].add(1.0)
    gsum = jax.ops.segment_sum(h, batch, num_segments=G)
    graph_embedding = gsum / jnp.maximum(counts, 1.0)[:, None]
    action_type_logits = graph_embedding @ W_act + b_act
    target_node_logits = (h @ W_tgt + b_tgt).squeeze(-1)
    new_atom_type_logits = graph_embedding @ W_atom + b_atom
    return (action_type_logits, target_node_logits, new_atom_type_logits, h)

if __name__ == "__main__":
    import jax
    _d = setup_inputs()
    print(jax.jit(kernel)(*tuple(_d.values())))

</pallas_src>

<mosaic_0001>
#map = affine_map<(d0, d1) -> (0, 0, 0)>
#map1 = affine_map<(d0, d1) -> (0, 0)>
module attributes {stable_mosaic.version = 14 : i64} {
  func.func @_deg_body(%arg0: i32, %arg1: i32, %arg2: memref<320x8x128xi32, #tpu.memory_space<hbm>>, %arg3: memref<128x128xf32, #tpu.memory_space<hbm>>, %arg4: memref<128x128xf32, #tpu.memory_space<hbm>>, %arg5: memref<2x10240x128xf32, #tpu.memory_space<hbm>>, %arg6: memref<8x128xi32, #tpu.memory_space<vmem>>, %arg7: memref<128x128xf32, #tpu.memory_space<vmem>>, %arg8: memref<10240x128xf32, #tpu.memory_space<vmem_shared>>) attributes {dimension_semantics = [#tpu.dimension_semantics<core_parallel>, #tpu.dimension_semantics<subcore_parallel>], iteration_bounds = array<i64: 2, 16>, scalar_prefetch = 0 : i64, scratch_operands = 3 : i64, tpu.core_type = #tpu.core_type<sc_vector_subcore>, window_params = [{transform_indices = #map}, {transform_indices = #map1}, {transform_indices = #map1}, {transform_indices = #map}]} {
    %mul3A = arith.constant 20 : i32
    %mul3A_0 = arith.muli %arg1, %mul3A : i32
    %mul3A_1 = arith.constant 10 : i32
    %mul3A_2 = arith.muli %arg0, %mul3A_1 : i32
    %add3A = arith.addi %mul3A_0, %mul3A_2 : i32
    "tpu.region"() ({
      %run_scoped3A = tpu.sem_alloc : memref<!tpu.dma_semaphore, #tpu.memory_space<semaphore_mem>>
      tpu.enqueue_dma source(%arg3 : memref<128x128xf32, #tpu.memory_space<hbm>>) target(%arg7 : memref<128x128xf32, #tpu.memory_space<vmem>>) target_semaphore(%run_scoped3A : memref<!tpu.dma_semaphore, #tpu.memory_space<semaphore_mem>>)
      tpu.wait_dma2 semaphore(%run_scoped3A : memref<!tpu.dma_semaphore, #tpu.memory_space<semaphore_mem>>) src(%arg3 : memref<128x128xf32, #tpu.memory_space<hbm>>) dst(%arg7 : memref<128x128xf32, #tpu.memory_space<vmem>>)
      tpu.yield
    }) : () -> ()
    %mul3A_3 = arith.constant 640 : i32
    %mul3A_4 = arith.muli %arg1, %mul3A_3 : i32
    %scan3A = arith.constant 0 : i32
    %scan3A_5 = arith.constant 0 : i32
    %scan3A_6 = arith.constant 5 : i32
    %scan3A_7 = arith.addi %scan3A_5, %scan3A_6 : i32
    %scan3A_8 = arith.constant 1 : i32
    scf.for %scan3A_23 = %scan3A_5 to %scan3A_7 step %scan3A_8  : i32 {
      %mul3A_24 = arith.constant 128 : i32
      %mul3A_25 = arith.muli %scan3A_23, %mul3A_24 : i32
      %add3A_26 = arith.addi %mul3A_4, %mul3A_25 : i32
      "tpu.region"() ({
        %run_scoped3A = tpu.sem_alloc : memref<!tpu.dma_semaphore, #tpu.memory_space<semaphore_mem>>
        %dma_start3A = arith.constant 0 : i32
        %dma_start3A_27 = tpu.memref_slice %arg8[%add3A_26, %dma_start3A] : memref<10240x128xf32, #tpu.memory_space<vmem_shared>> -> memref<128x128xf32, #tpu.memory_space<vmem_shared>>
        %dma_start3A_28 = arith.constant 0 : i32
        %dma_start3A_29 = tpu.memref_slice %arg8[%add3A_26, %dma_start3A_28] : memref<10240x128xf32, #tpu.memory_space<vmem_shared>> -> memref<128x128xf32, #tpu.memory_space<vmem_shared>>
        tpu.enqueue_dma source(%arg7 : memref<128x128xf32, #tpu.memory_space<vmem>>) target(%dma_start3A_29 : memref<128x128xf32, #tpu.memory_space<vmem_shared>>) target_semaphore(%run_scoped3A : memref<!tpu.dma_semaphore, #tpu.memory_space<semaphore_mem>>)
        %dma_wait3A = arith.constant 0 : i32
        %dma_wait3A_30 = tpu.memref_slice %arg8[%add3A_26, %dma_wait3A] : memref<10240x128xf32, #tpu.memory_space<vmem_shared>> -> memref<128x128xf32, #tpu.memory_space<vmem_shared>>
        %dma_wait3A_31 = arith.constant 0 : i32
        %dma_wait3A_32 = tpu.memref_slice %arg8[%add3A_26, %dma_wait3A_31] : memref<10240x128xf32, #tpu.memory_space<vmem_shared>> -> memref<128x128xf32, #tpu.memory_space<vmem_shared>>
        tpu.wait_dma2 semaphore(%run_scoped3A : memref<!tpu.dma_semaphore, #tpu.memory_space<semaphore_mem>>) src(%arg7 : memref<128x128xf32, #tpu.memory_space<vmem>>) dst(%dma_wait3A_32 : memref<128x128xf32, #tpu.memory_space<vmem_shared>>)
        tpu.yield
      }) : () -> ()
    }
    %scan3A_9 = arith.constant 5 : i32
    "tpu.region"() ({
      %run_scoped3A = tpu.sem_alloc : memref<!tpu.dma_semaphore, #tpu.memory_space<semaphore_mem>>
      tpu.enqueue_dma source(%arg4 : memref<128x128xf32, #tpu.memory_space<hbm>>) target(%arg7 : memref<128x128xf32, #tpu.memory_space<vmem>>) target_semaphore(%run_scoped3A : memref<!tpu.dma_semaphore, #tpu.memory_space<semaphore_mem>>)
      tpu.wait_dma2 semaphore(%run_scoped3A : memref<!tpu.dma_semaphore, #tpu.memory_space<semaphore_mem>>) src(%arg4 : memref<128x128xf32, #tpu.memory_space<hbm>>) dst(%arg7 : memref<128x128xf32, #tpu.memory_space<vmem>>)
      tpu.yield
    }) : () -> ()
    %barrier3A = arith.constant 0 : index
    tpu.barrier barrier_id(%barrier3A)
    %scan3A_10 = arith.constant 0 : i32
    %scan3A_11 = arith.constant 0 : i32
    %scan3A_12 = arith.constant 10 : i32
    %scan3A_13 = arith.addi %scan3A_11, %scan3A_12 : i32
    %scan3A_14 = arith.constant 1 : i32
    scf.for %scan3A_23 = %scan3A_11 to %scan3A_13 step %scan3A_14  : i32 {
      %add3A_24 = arith.addi %add3A, %scan3A_23 : i32
      "tpu.region"() ({
        %run_scoped3A = tpu.sem_alloc : memref<!tpu.dma_semaphore, #tpu.memory_space<semaphore_mem>>
        %dma_start3A = arith.constant 0 : i32
        %dma_start3A_31 = arith.constant 0 : i32
        %dma_start3A_32 = tpu.memref_slice %arg2[%add3A_24, %dma_start3A, %dma_start3A_31] : memref<320x8x128xi32, #tpu.memory_space<hbm>> -> memref<1x8x128xi32, #tpu.memory_space<hbm>>
        %dma_start3A_33 = tpu.memref_squeeze %dma_start3A_32 : memref<1x8x128xi32, #tpu.memory_space<hbm>> -> memref<8x128xi32, #tpu.memory_space<hbm>>
        %dma_start3A_34 = arith.constant 0 : i32
        %dma_start3A_35 = arith.constant 0 : i32
        %dma_start3A_36 = tpu.memref_slice %arg2[%add3A_24, %dma_start3A_34, %dma_start3A_35] : memref<320x8x128xi32, #tpu.memory_space<hbm>> -> memref<1x8x128xi32, #tpu.memory_space<hbm>>
        %dma_start3A_37 = tpu.memref_squeeze %dma_start3A_36 : memref<1x8x128xi32, #tpu.memory_space<hbm>> -> memref<8x128xi32, #tpu.memory_space<hbm>>
        tpu.enqueue_dma source(%dma_start3A_37 : memref<8x128xi32, #tpu.memory_space<hbm>>) target(%arg6 : memref<8x128xi32, #tpu.memory_space<vmem>>) target_semaphore(%run_scoped3A : memref<!tpu.dma_semaphore, #tpu.memory_space<semaphore_mem>>)
        %dma_wait3A = arith.constant 0 : i32
        %dma_wait3A_38 = arith.constant 0 : i32
        %dma_wait3A_39 = tpu.memref_slice %arg2[%add3A_24, %dma_wait3A, %dma_wait3A_38] : memref<320x8x128xi32, #tpu.memory_space<hbm>> -> memref<1x8x128xi32, #tpu.memory_space<hbm>>
        %dma_wait3A_40 = tpu.memref_squeeze %dma_wait3A_39 : memref<1x8x128xi32, #tpu.memory_space<hbm>> -> memref<8x128xi32, #tpu.memory_space<hbm>>
        %dma_wait3A_41 = arith.constant 0 : i32
        %dma_wait3A_42 = arith.constant 0 : i32
        %dma_wait3A_43 = tpu.memref_slice %arg2[%add3A_24, %dma_wait3A_41, %dma_wait3A_42] : memref<320x8x128xi32, #tpu.memory_space<hbm>> -> memref<1x8x128xi32, #tpu.memory_space<hbm>>
        %dma_wait3A_44 = tpu.memref_squeeze %dma_wait3A_43 : memref<1x8x128xi32, #tpu.memory_space<hbm>> -> memref<8x128xi32, #tpu.memory_space<hbm>>
        tpu.wait_dma2 semaphore(%run_scoped3A : memref<!tpu.dma_semaphore, #tpu.memory_space<semaphore_mem>>) src(%dma_wait3A_44 : memref<8x128xi32, #tpu.memory_space<hbm>>) dst(%arg6 : memref<8x128xi32, #tpu.memory_space<vmem>>)
        tpu.yield
      }) : () -> ()
      %scan3A_25 = arith.constant 0 : i32
      %scan3A_26 = arith.constant 0 : i32
      %scan3A_27 = arith.constant 8 : i32
      %scan3A_28 = arith.addi %scan3A_26, %scan3A_27 : i32
      %scan3A_29 = arith.constant 1 : i32
      scf.for %scan3A_31 = %scan3A_26 to %scan3A_28 step %scan3A_29  : i32 {
        "tpu.region"() ({
          %run_scoped3A = tpu.sem_alloc : memref<!tpu.dma_semaphore, #tpu.memory_space<semaphore_mem>>
          %dma_start3A = arith.constant 0 : i32
          %dma_start3A_32 = tpu.memref_slice %arg6[%scan3A_31, %dma_start3A] : memref<8x128xi32, #tpu.memory_space<vmem>> -> memref<1x128xi32, #tpu.memory_space<vmem>>
          %dma_start3A_33 = tpu.memref_squeeze %dma_start3A_32 : memref<1x128xi32, #tpu.memory_space<vmem>> -> memref<128xi32, #tpu.memory_space<vmem>>
          %dma_start3A_34 = arith.constant 0 : i32
          %dma_start3A_35 = arith.constant 0 : i32
          %dma_start3A_36 = tpu.memref_slice %arg8[%dma_start3A_34, %dma_start3A_35] : memref<10240x128xf32, #tpu.memory_space<vmem_shared>> -> memref<10240x128xf32, #tpu.memory_space<vmem_shared>>
          tpu.enqueue_indirect_dma source(%arg7 : memref<128x128xf32, #tpu.memory_space<vmem>>) target(%dma_start3A_36 : memref<10240x128xf32, #tpu.memory_space<vmem_shared>>) offsets(%dma_start3A_33 : memref<128xi32, #tpu.memory_space<vmem>>) semaphore(%run_scoped3A : memref<!tpu.dma_semaphore, #tpu.memory_space<semaphore_mem>>) {add = true}
          %dma_wait3A = arith.constant 0 : i32
          %dma_wait3A_37 = tpu.memref_slice %arg6[%scan3A_31, %dma_wait3A] : memref<8x128xi32, #tpu.memory_space<vmem>> -> memref<1x128xi32, #tpu.memory_space<vmem>>
          %dma_wait3A_38 = tpu.memref_squeeze %dma_wait3A_37 : memref<1x128xi32, #tpu.memory_space<vmem>> -> memref<128xi32, #tpu.memory_space<vmem>>
          %dma_wait3A_39 = arith.constant 0 : i32
          %dma_wait3A_40 = arith.constant 0 : i32
          %dma_wait3A_41 = tpu.memref_slice %arg8[%dma_wait3A_39, %dma_wait3A_40] : memref<10240x128xf32, #tpu.memory_space<vmem_shared>> -> memref<10240x128xf32, #tpu.memory_space<vmem_shared>>
          tpu.wait_indirect_dma semaphore(%run_scoped3A : memref<!tpu.dma_semaphore, #tpu.memory_space<semaphore_mem>>) src(%arg7 : memref<128x128xf32, #tpu.memory_space<vmem>>) dst(%dma_wait3A_41 : memref<10240x128xf32, #tpu.memory_space<vmem_shared>>)
          tpu.yield
        }) : () -> ()
      }
      %scan3A_30 = arith.constant 8 : i32
    }
    %scan3A_15 = arith.constant 10 : i32
    %barrier3A_16 = arith.constant 0 : index
    tpu.barrier barrier_id(%barrier3A_16)
    %scan3A_17 = arith.constant 0 : i32
    %scan3A_18 = arith.constant 0 : i32
    %scan3A_19 = arith.constant 5 : i32
    %scan3A_20 = arith.addi %scan3A_18, %scan3A_19 : i32
    %scan3A_21 = arith.constant 1 : i32
    scf.for %scan3A_23 = %scan3A_18 to %scan3A_20 step %scan3A_21  : i32 {
      %mul3A_24 = arith.constant 128 : i32
      %mul3A_25 = arith.muli %scan3A_23, %mul3A_24 : i32
      %add3A_26 = arith.addi %mul3A_4, %mul3A_25 : i32
      %mul3A_27 = arith.constant 128 : i32
      %mul3A_28 = arith.muli %scan3A_23, %mul3A_27 : i32
      %add3A_29 = arith.addi %mul3A_4, %mul3A_28 : i32
      "tpu.region"() ({
        %run_scoped3A = tpu.sem_alloc : memref<!tpu.dma_semaphore, #tpu.memory_space<semaphore_mem>>
        %dma_start3A = arith.constant 0 : i32
        %dma_start3A_30 = tpu.memref_slice %arg5[%arg0, %add3A_29, %dma_start3A] : memref<2x10240x128xf32, #tpu.memory_space<hbm>> -> memref<1x128x128xf32, #tpu.memory_space<hbm>>
        %dma_start3A_31 = tpu.memref_squeeze %dma_start3A_30 : memref<1x128x128xf32, #tpu.memory_space<hbm>> -> memref<128x128xf32, #tpu.memory_space<hbm>>
        %dma_start3A_32 = arith.constant 0 : i32
        %dma_start3A_33 = tpu.memref_slice %arg8[%add3A_26, %dma_start3A_32] : memref<10240x128xf32, #tpu.memory_space<vmem_shared>> -> memref<128x128xf32, #tpu.memory_space<vmem_shared>>
        tpu.enqueue_dma source(%dma_start3A_33 : memref<128x128xf32, #tpu.memory_space<vmem_shared>>) target(%dma_start3A_31 : memref<128x128xf32, #tpu.memory_space<hbm>>) target_semaphore(%run_scoped3A : memref<!tpu.dma_semaphore, #tpu.memory_space<semaphore_mem>>)
        %dma_wait3A = arith.constant 0 : i32
        %dma_wait3A_34 = tpu.memref_slice %arg5[%arg0, %add3A_29, %dma_wait3A] : memref<2x10240x128xf32, #tpu.memory_space<hbm>> -> memref<1x128x128xf32, #tpu.memory_space<hbm>>
        %dma_wait3A_35 = tpu.memref_squeeze %dma_wait3A_34 : memref<1x128x128xf32, #tpu.memory_space<hbm>> -> memref<128x128xf32, #tpu.memory_space<hbm>>
        %dma_wait3A_36 = arith.constant 0 : i32
        %dma_wait3A_37 = tpu.memref_slice %arg8[%add3A_26, %dma_wait3A_36] : memref<10240x128xf32, #tpu.memory_space<vmem_shared>> -> memref<128x128xf32, #tpu.memory_space<vmem_shared>>
        tpu.wait_dma2 semaphore(%run_scoped3A : memref<!tpu.dma_semaphore, #tpu.memory_space<semaphore_mem>>) src(%dma_wait3A_37 : memref<128x128xf32, #tpu.memory_space<vmem_shared>>) dst(%dma_wait3A_35 : memref<128x128xf32, #tpu.memory_space<hbm>>)
        tpu.yield
      }) : () -> ()
    }
    %scan3A_22 = arith.constant 5 : i32
    return
  }
}

#map = affine_map<(d0, d1) -> (0, 0)>
#map1 = affine_map<(d0, d1) -> (0, 0, 0)>
module attributes {stable_mosaic.version = 14 : i64} {
  func.func @_scatter_body(%arg0: i32, %arg1: i32, %arg2: memref<10000x128xf32, #tpu.memory_space<hbm>>, %arg3: memref<320x8x128xi32, #tpu.memory_space<hbm>>, %arg4: memref<320x8x128xi32, #tpu.memory_space<hbm>>, %arg5: memref<128x128xf32, #tpu.memory_space<hbm>>, %arg6: memref<2x10240x128xf32, #tpu.memory_space<hbm>>, %arg7: memref<8x128xi32, #tpu.memory_space<vmem>>, %arg8: memref<8x128xi32, #tpu.memory_space<vmem>>, %arg9: memref<128x128xf32, #tpu.memory_space<vmem>>, %arg10: memref<128x128xf32, #tpu.memory_space<vmem>>, %arg11: memref<10240x128xf32, #tpu.memory_space<vmem_shared>>, %arg12: memref<!tpu.dma_semaphore, #tpu.memory_space<semaphore_mem>>, %arg13: memref<!tpu.dma_semaphore, #tpu.memory_space<semaphore_mem>>) attributes {dimension_semantics = [#tpu.dimension_semantics<core_parallel>, #tpu.dimension_semantics<subcore_parallel>], iteration_bounds = array<i64: 2, 16>, scalar_prefetch = 0 : i64, scratch_operands = 7 : i64, tpu.core_type = #tpu.core_type<sc_vector_subcore>, window_params = [{transform_indices = #map}, {transform_indices = #map1}, {transform_indices = #map1}, {transform_indices = #map}, {transform_indices = #map1}]} {
    %eq3A = arith.constant 0 : i32
    %eq3A_0 = arith.cmpi eq, %arg0, %eq3A : i32
    %jit3A = arith.constant 15 : i32
    %jit3A_1 = arith.constant 5 : i32
    %select_n3A = arith.select %eq3A_0, %jit3A, %jit3A_1 : i32
    %mul3A = arith.constant 20 : i32
    %mul3A_2 = arith.muli %arg1, %mul3A : i32
    %mul3A_3 = arith.constant 15 : i32
    %mul3A_4 = arith.muli %arg0, %mul3A_3 : i32
    %add3A = arith.addi %mul3A_2, %mul3A_4 : i32
    "tpu.region"() ({
      %run_scoped3A = tpu.sem_alloc : memref<!tpu.dma_semaphore, #tpu.memory_space<semaphore_mem>>
      tpu.enqueue_dma source(%arg5 : memref<128x128xf32, #tpu.memory_space<hbm>>) target(%arg9 : memref<128x128xf32, #tpu.memory_space<vmem>>) target_semaphore(%run_scoped3A : memref<!tpu.dma_semaphore, #tpu.memory_space<semaphore_mem>>)
      tpu.wait_dma2 semaphore(%run_scoped3A : memref<!tpu.dma_semaphore, #tpu.memory_space<semaphore_mem>>) src(%arg5 : memref<128x128xf32, #tpu.memory_space<hbm>>) dst(%arg9 : memref<128x128xf32, #tpu.memory_space<vmem>>)
      tpu.yield
    }) : () -> ()
    %mul3A_5 = arith.constant 640 : i32
    %mul3A_6 = arith.muli %arg1, %mul3A_5 : i32
    %scan3A = arith.constant 0 : i32
    %scan3A_7 = arith.constant 0 : i32
    %scan3A_8 = arith.constant 5 : i32
    %scan3A_9 = arith.addi %scan3A_7, %scan3A_8 : i32
    %scan3A_10 = arith.constant 1 : i32
    scf.for %scan3A_28 = %scan3A_7 to %scan3A_9 step %scan3A_10  : i32 {
      %mul3A_29 = arith.constant 128 : i32
      %mul3A_30 = arith.muli %scan3A_28, %mul3A_29 : i32
      %add3A_31 = arith.addi %mul3A_6, %mul3A_30 : i32
      "tpu.region"() ({
        %run_scoped3A = tpu.sem_alloc : memref<!tpu.dma_semaphore, #tpu.memory_space<semaphore_mem>>
        %dma_start3A = arith.constant 0 : i32
        %dma_start3A_32 = tpu.memref_slice %arg11[%add3A_31, %dma_start3A] : memref<10240x128xf32, #tpu.memory_space<vmem_shared>> -> memref<128x128xf32, #tpu.memory_space<vmem_shared>>
        %dma_start3A_33 = arith.constant 0 : i32
        %dma_start3A_34 = tpu.memref_slice %arg11[%add3A_31, %dma_start3A_33] : memref<10240x128xf32, #tpu.memory_space<vmem_shared>> -> memref<128x128xf32, #tpu.memory_space<vmem_shared>>
        tpu.enqueue_dma source(%arg9 : memref<128x128xf32, #tpu.memory_space<vmem>>) target(%dma_start3A_34 : memref<128x128xf32, #tpu.memory_space<vmem_shared>>) target_semaphore(%run_scoped3A : memref<!tpu.dma_semaphore, #tpu.memory_space<semaphore_mem>>)
        %dma_wait3A = arith.constant 0 : i32
        %dma_wait3A_35 = tpu.memref_slice %arg11[%add3A_31, %dma_wait3A] : memref<10240x128xf32, #tpu.memory_space<vmem_shared>> -> memref<128x128xf32, #tpu.memory_space<vmem_shared>>
        %dma_wait3A_36 = arith.constant 0 : i32
        %dma_wait3A_37 = tpu.memref_slice %arg11[%add3A_31, %dma_wait3A_36] : memref<10240x128xf32, #tpu.memory_space<vmem_shared>> -> memref<128x128xf32, #tpu.memory_space<vmem_shared>>
        tpu.wait_dma2 semaphore(%run_scoped3A : memref<!tpu.dma_semaphore, #tpu.memory_space<semaphore_mem>>) src(%arg9 : memref<128x128xf32, #tpu.memory_space<vmem>>) dst(%dma_wait3A_37 : memref<128x128xf32, #tpu.memory_space<vmem_shared>>)
        tpu.yield
      }) : () -> ()
    }
    %scan3A_11 = arith.constant 5 : i32
    %barrier3A = arith.constant 0 : index
    tpu.barrier barrier_id(%barrier3A)
    %while3A = arith.constant 0 : i32
    %while3A_12 = arith.constant 0 : i32
    %while3A_13 = arith.subi %select_n3A, %while3A_12 : i32
    %while3A_14 = arith.addi %while3A_12, %while3A_13 : i32
    %while3A_15 = arith.constant 1 : i32
    %while3A_16 = arith.divsi %while3A_13, %while3A_15 : i32
    %while3A_17 = arith.muli %while3A_16, %while3A_15 : i32
    %while3A_18 = arith.addi %while3A_12, %while3A_17 : i32
    %while3A_19 = arith.constant 1 : i32
    scf.for %while3A_28 = %while3A_12 to %while3A_18 step %while3A_19  : i32 {
      %add3A_29 = arith.addi %add3A, %while3A_28 : i32
      "tpu.region"() ({
        %run_scoped3A = tpu.sem_alloc : memref<!tpu.dma_semaphore, #tpu.memory_space<semaphore_mem>>
        %dma_start3A_43 = arith.constant 0 : i32
        %dma_start3A_44 = arith.constant 0 : i32
        %dma_start3A_45 = tpu.memref_slice %arg3[%add3A_29, %dma_start3A_43, %dma_start3A_44] : memref<320x8x128xi32, #tpu.memory_space<hbm>> -> memref<1x8x128xi32, #tpu.memory_space<hbm>>
        %dma_start3A_46 = tpu.memref_squeeze %dma_start3A_45 : memref<1x8x128xi32, #tpu.memory_space<hbm>> -> memref<8x128xi32, #tpu.memory_space<hbm>>
        %dma_start3A_47 = arith.constant 0 : i32
        %dma_start3A_48 = arith.constant 0 : i32
        %dma_start3A_49 = tpu.memref_slice %arg3[%add3A_29, %dma_start3A_47, %dma_start3A_48] : memref<320x8x128xi32, #tpu.memory_space<hbm>> -> memref<1x8x128xi32, #tpu.memory_space<hbm>>
        %dma_start3A_50 = tpu.memref_squeeze %dma_start3A_49 : memref<1x8x128xi32, #tpu.memory_space<hbm>> -> memref<8x128xi32, #tpu.memory_space<hbm>>
        tpu.enqueue_dma source(%dma_start3A_50 : memref<8x128xi32, #tpu.memory_space<hbm>>) target(%arg7 : memref<8x128xi32, #tpu.memory_space<vmem>>) target_semaphore(%run_scoped3A : memref<!tpu.dma_semaphore, #tpu.memory_space<semaphore_mem>>)
        %dma_wait3A = arith.constant 0 : i32
        %dma_wait3A_51 = arith.constant 0 : i32
        %dma_wait3A_52 = tpu.memref_slice %arg3[%add3A_29, %dma_wait3A, %dma_wait3A_51] : memref<320x8x128xi32, #tpu.memory_space<hbm>> -> memref<1x8x128xi32, #tpu.memory_space<hbm>>
        %dma_wait3A_53 = tpu.memref_squeeze %dma_wait3A_52 : memref<1x8x128xi32, #tpu.memory_space<hbm>> -> memref<8x128xi32, #tpu.memory_space<hbm>>
        %dma_wait3A_54 = arith.constant 0 : i32
        %dma_wait3A_55 = arith.constant 0 : i32
        %dma_wait3A_56 = tpu.memref_slice %arg3[%add3A_29, %dma_wait3A_54, %dma_wait3A_55] : memref<320x8x128xi32, #tpu.memory_space<hbm>> -> memref<1x8x128xi32, #tpu.memory_space<hbm>>
        %dma_wait3A_57 = tpu.memref_squeeze %dma_wait3A_56 : memref<1x8x128xi32, #tpu.memory_space<hbm>> -> memref<8x128xi32, #tpu.memory_space<hbm>>
        tpu.wait_dma2 semaphore(%run_scoped3A : memref<!tpu.dma_semaphore, #tpu.memory_space<semaphore_mem>>) src(%dma_wait3A_57 : memref<8x128xi32, #tpu.memory_space<hbm>>) dst(%arg7 : memref<8x128xi32, #tpu.memory_space<vmem>>)
        tpu.yield
      }) : () -> ()
      %add3A_30 = arith.addi %add3A, %while3A_28 : i32
      "tpu.region"() ({
        %run_scoped3A = tpu.sem_alloc : memref<!tpu.dma_semaphore, #tpu.memory_space<semaphore_mem>>
        %dma_start3A_43 = arith.constant 0 : i32
        %dma_start3A_44 = arith.constant 0 : i32
        %dma_start3A_45 = tpu.memref_slice %arg4[%add3A_30, %dma_start3A_43, %dma_start3A_44] : memref<320x8x128xi32, #tpu.memory_space<hbm>> -> memref<1x8x128xi32, #tpu.memory_space<hbm>>
        %dma_start3A_46 = tpu.memref_squeeze %dma_start3A_45 : memref<1x8x128xi32, #tpu.memory_space<hbm>> -> memref<8x128xi32, #tpu.memory_space<hbm>>
        %dma_start3A_47 = arith.constant 0 : i32
        %dma_start3A_48 = arith.constant 0 : i32
        %dma_start3A_49 = tpu.memref_slice %arg4[%add3A_30, %dma_start3A_47, %dma_start3A_48] : memref<320x8x128xi32, #tpu.memory_space<hbm>> -> memref<1x8x128xi32, #tpu.memory_space<hbm>>
        %dma_start3A_50 = tpu.memref_squeeze %dma_start3A_49 : memref<1x8x128xi32, #tpu.memory_space<hbm>> -> memref<8x128xi32, #tpu.memory_space<hbm>>
        tpu.enqueue_dma source(%dma_start3A_50 : memref<8x128xi32, #tpu.memory_space<hbm>>) target(%arg8 : memref<8x128xi32, #tpu.memory_space<vmem>>) target_semaphore(%run_scoped3A : memref<!tpu.dma_semaphore, #tpu.memory_space<semaphore_mem>>)
        %dma_wait3A = arith.constant 0 : i32
        %dma_wait3A_51 = arith.constant 0 : i32
        %dma_wait3A_52 = tpu.memref_slice %arg4[%add3A_30, %dma_wait3A, %dma_wait3A_51] : memref<320x8x128xi32, #tpu.memory_space<hbm>> -> memref<1x8x128xi32, #tpu.memory_space<hbm>>
        %dma_wait3A_53 = tpu.memref_squeeze %dma_wait3A_52 : memref<1x8x128xi32, #tpu.memory_space<hbm>> -> memref<8x128xi32, #tpu.memory_space<hbm>>
        %dma_wait3A_54 = arith.constant 0 : i32
        %dma_wait3A_55 = arith.constant 0 : i32
        %dma_wait3A_56 = tpu.memref_slice %arg4[%add3A_30, %dma_wait3A_54, %dma_wait3A_55] : memref<320x8x128xi32, #tpu.memory_space<hbm>> -> memref<1x8x128xi32, #tpu.memory_space<hbm>>
        %dma_wait3A_57 = tpu.memref_squeeze %dma_wait3A_56 : memref<1x8x128xi32, #tpu.memory_space<hbm>> -> memref<8x128xi32, #tpu.memory_space<hbm>>
        tpu.wait_dma2 semaphore(%run_scoped3A : memref<!tpu.dma_semaphore, #tpu.memory_space<semaphore_mem>>) src(%dma_wait3A_57 : memref<8x128xi32, #tpu.memory_space<hbm>>) dst(%arg8 : memref<8x128xi32, #tpu.memory_space<vmem>>)
        tpu.yield
      }) : () -> ()
      %dma_start3A = arith.constant 0 : i32
      %dma_start3A_31 = arith.constant 0 : i32
      %dma_start3A_32 = tpu.memref_slice %arg7[%dma_start3A, %dma_start3A_31] : memref<8x128xi32, #tpu.memory_space<vmem>> -> memref<1x128xi32, #tpu.memory_space<vmem>>
      %dma_start3A_33 = tpu.memref_squeeze %dma_start3A_32 : memref<1x128xi32, #tpu.memory_space<vmem>> -> memref<128xi32, #tpu.memory_space<vmem>>
      %dma_start3A_34 = arith.constant 0 : i32
      %dma_start3A_35 = arith.constant 0 : i32
      %dma_start3A_36 = tpu.memref_slice %arg2[%dma_start3A_34, %dma_start3A_35] : memref<10000x128xf32, #tpu.memory_space<hbm>> -> memref<10000x128xf32, #tpu.memory_space<hbm>>
      tpu.enqueue_indirect_dma source(%dma_start3A_36 : memref<10000x128xf32, #tpu.memory_space<hbm>>) target(%arg9 : memref<128x128xf32, #tpu.memory_space<vmem>>) offsets(%dma_start3A_33 : memref<128xi32, #tpu.memory_space<vmem>>) semaphore(%arg12 : memref<!tpu.dma_semaphore, #tpu.memory_space<semaphore_mem>>)
      %scan3A_37 = arith.constant 0 : i32
      %scan3A_38 = arith.constant 0 : i32
      %scan3A_39 = arith.constant 4 : i32
      %scan3A_40 = arith.addi %scan3A_38, %scan3A_39 : i32
      %scan3A_41 = arith.constant 1 : i32
      scf.for %scan3A_43 = %scan3A_38 to %scan3A_40 step %scan3A_41  : i32 {
        %mul3A_44 = arith.constant 2 : i32
        %mul3A_45 = arith.muli %mul3A_44, %scan3A_43 : i32
        %add3A_46 = arith.constant 1 : i32
        %add3A_47 = arith.addi %mul3A_45, %add3A_46 : i32
        %dma_start3A_48 = arith.constant 0 : i32
        %dma_start3A_49 = tpu.memref_slice %arg7[%add3A_47, %dma_start3A_48] : memref<8x128xi32, #tpu.memory_space<vmem>> -> memref<1x128xi32, #tpu.memory_space<vmem>>
        %dma_start3A_50 = tpu.memref_squeeze %dma_start3A_49 : memref<1x128xi32, #tpu.memory_space<vmem>> -> memref<128xi32, #tpu.memory_space<vmem>>
        %dma_start3A_51 = arith.constant 0 : i32
        %dma_start3A_52 = arith.constant 0 : i32
        %dma_start3A_53 = tpu.memref_slice %arg2[%dma_start3A_51, %dma_start3A_52] : memref<10000x128xf32, #tpu.memory_space<hbm>> -> memref<10000x128xf32, #tpu.memory_space<hbm>>
        tpu.enqueue_indirect_dma source(%dma_start3A_53 : memref<10000x128xf32, #tpu.memory_space<hbm>>) target(%arg10 : memref<128x128xf32, #tpu.memory_space<vmem>>) offsets(%dma_start3A_50 : memref<128xi32, #tpu.memory_space<vmem>>) semaphore(%arg13 : memref<!tpu.dma_semaphore, #tpu.memory_space<semaphore_mem>>)
        %dma_wait3A = arith.constant 0 : i32
        %dma_wait3A_54 = tpu.memref_slice %arg7[%mul3A_45, %dma_wait3A] : memref<8x128xi32, #tpu.memory_space<vmem>> -> memref<1x128xi32, #tpu.memory_space<vmem>>
        %dma_wait3A_55 = tpu.memref_squeeze %dma_wait3A_54 : memref<1x128xi32, #tpu.memory_space<vmem>> -> memref<128xi32, #tpu.memory_space<vmem>>
        %dma_wait3A_56 = arith.constant 0 : i32
        %dma_wait3A_57 = arith.constant 0 : i32
        %dma_wait3A_58 = tpu.memref_slice %arg2[%dma_wait3A_56, %dma_wait3A_57] : memref<10000x128xf32, #tpu.memory_space<hbm>> -> memref<10000x128xf32, #tpu.memory_space<hbm>>
        tpu.wait_indirect_dma semaphore(%arg12 : memref<!tpu.dma_semaphore, #tpu.memory_space<semaphore_mem>>) src(%dma_wait3A_58 : memref<10000x128xf32, #tpu.memory_space<hbm>>) dst(%arg9 : memref<128x128xf32, #tpu.memory_space<vmem>>)
        "tpu.region"() ({
          %run_scoped3A = tpu.sem_alloc : memref<!tpu.dma_semaphore, #tpu.memory_space<semaphore_mem>>
          %dma_start3A_69 = arith.constant 0 : i32
          %dma_start3A_70 = tpu.memref_slice %arg8[%mul3A_45, %dma_start3A_69] : memref<8x128xi32, #tpu.memory_space<vmem>> -> memref<1x128xi32, #tpu.memory_space<vmem>>
          %dma_start3A_71 = tpu.memref_squeeze %dma_start3A_70 : memref<1x128xi32, #tpu.memory_space<vmem>> -> memref<128xi32, #tpu.memory_space<vmem>>
          %dma_start3A_72 = arith.constant 0 : i32
          %dma_start3A_73 = arith.constant 0 : i32
          %dma_start3A_74 = tpu.memref_slice %arg11[%dma_start3A_72, %dma_start3A_73] : memref<10240x128xf32, #tpu.memory_space<vmem_shared>> -> memref<10240x128xf32, #tpu.memory_space<vmem_shared>>
          tpu.enqueue_indirect_dma source(%arg9 : memref<128x128xf32, #tpu.memory_space<vmem>>) target(%dma_start3A_74 : memref<10240x128xf32, #tpu.memory_space<vmem_shared>>) offsets(%dma_start3A_71 : memref<128xi32, #tpu.memory_space<vmem>>) semaphore(%run_scoped3A : memref<!tpu.dma_semaphore, #tpu.memory_space<semaphore_mem>>) {add = true}
          %dma_wait3A_75 = arith.constant 0 : i32
          %dma_wait3A_76 = tpu.memref_slice %arg8[%mul3A_45, %dma_wait3A_75] : memref<8x128xi32, #tpu.memory_space<vmem>> -> memref<1x128xi32, #tpu.memory_space<vmem>>
          %dma_wait3A_77 = tpu.memref_squeeze %dma_wait3A_76 : memref<1x128xi32, #tpu.memory_space<vmem>> -> memref<128xi32, #tpu.memory_space<vmem>>
          %dma_wait3A_78 = arith.constant 0 : i32
          %dma_wait3A_79 = arith.constant 0 : i32
          %dma_wait3A_80 = tpu.memref_slice %arg11[%dma_wait3A_78, %dma_wait3A_79] : memref<10240x128xf32, #tpu.memory_space<vmem_shared>> -> memref<10240x128xf32, #tpu.memory_space<vmem_shared>>
          tpu.wait_indirect_dma semaphore(%run_scoped3A : memref<!tpu.dma_semaphore, #tpu.memory_space<semaphore_mem>>) src(%arg9 : memref<128x128xf32, #tpu.memory_space<vmem>>) dst(%dma_wait3A_80 : memref<10240x128xf32, #tpu.memory_space<vmem_shared>>)
          tpu.yield
        }) : () -> ()
        %add3A_59 = arith.constant 1 : i32
        %add3A_60 = arith.addi %add3A_47, %add3A_59 : i32
        %lt3A = arith.constant 8 : i32
        %lt3A_61 = arith.cmpi slt, %add3A_60, %lt3A : i32
        %convert_element_type3A = arith.extui %lt3A_61 : i1 to i32
        %cond3A = arith.constant 0 : i32
        %cond3A_62 = arith.cmpi ne, %convert_element_type3A, %cond3A : i32
        scf.if %cond3A_62 {
          %add3A_69 = arith.constant 1 : i32
          %add3A_70 = arith.addi %add3A_47, %add3A_69 : i32
          %dma_start3A_71 = arith.constant 0 : i32
          %dma_start3A_72 = tpu.memref_slice %arg7[%add3A_70, %dma_start3A_71] : memref<8x128xi32, #tpu.memory_space<vmem>> -> memref<1x128xi32, #tpu.memory_space<vmem>>
          %dma_start3A_73 = tpu.memref_squeeze %dma_start3A_72 : memref<1x128xi32, #tpu.memory_space<vmem>> -> memref<128xi32, #tpu.memory_space<vmem>>
          %dma_start3A_74 = arith.constant 0 : i32
          %dma_start3A_75 = arith.constant 0 : i32
          %dma_start3A_76 = tpu.memref_slice %arg2[%dma_start3A_74, %dma_start3A_75] : memref<10000x128xf32, #tpu.memory_space<hbm>> -> memref<10000x128xf32, #tpu.memory_space<hbm>>
          tpu.enqueue_indirect_dma source(%dma_start3A_76 : memref<10000x128xf32, #tpu.memory_space<hbm>>) target(%arg9 : memref<128x128xf32, #tpu.memory_space<vmem>>) offsets(%dma_start3A_73 : memref<128xi32, #tpu.memory_space<vmem>>) semaphore(%arg12 : memref<!tpu.dma_semaphore, #tpu.memory_space<semaphore_mem>>)
        } else {
        }
        %dma_wait3A_63 = arith.constant 0 : i32
        %dma_wait3A_64 = tpu.memref_slice %arg7[%add3A_47, %dma_wait3A_63] : memref<8x128xi32, #tpu.memory_space<vmem>> -> memref<1x128xi32, #tpu.memory_space<vmem>>
        %dma_wait3A_65 = tpu.memref_squeeze %dma_wait3A_64 : memref<1x128xi32, #tpu.memory_space<vmem>> -> memref<128xi32, #tpu.memory_space<vmem>>
        %dma_wait3A_66 = arith.constant 0 : i32
        %dma_wait3A_67 = arith.constant 0 : i32
        %dma_wait3A_68 = tpu.memref_slice %arg2[%dma_wait3A_66, %dma_wait3A_67] : memref<10000x128xf32, #tpu.memory_space<hbm>> -> memref<10000x128xf32, #tpu.memory_space<hbm>>
        tpu.wait_indirect_dma semaphore(%arg13 : memref<!tpu.dma_semaphore, #tpu.memory_space<semaphore_mem>>) src(%dma_wait3A_68 : memref<10000x128xf32, #tpu.memory_space<hbm>>) dst(%arg10 : memref<128x128xf32, #tpu.memory_space<vmem>>)
        "tpu.region"() ({
          %run_scoped3A = tpu.sem_alloc : memref<!tpu.dma_semaphore, #tpu.memory_space<semaphore_mem>>
          %dma_start3A_69 = arith.constant 0 : i32
          %dma_start3A_70 = tpu.memref_slice %arg8[%add3A_47, %dma_start3A_69] : memref<8x128xi32, #tpu.memory_space<vmem>> -> memref<1x128xi32, #tpu.memory_space<vmem>>
          %dma_start3A_71 = tpu.memref_squeeze %dma_start3A_70 : memref<1x128xi32, #tpu.memory_space<vmem>> -> memref<128xi32, #tpu.memory_space<vmem>>
          %dma_start3A_72 = arith.constant 0 : i32
          %dma_start3A_73 = arith.constant 0 : i32
          %dma_start3A_74 = tpu.memref_slice %arg11[%dma_start3A_72, %dma_start3A_73] : memref<10240x128xf32, #tpu.memory_space<vmem_shared>> -> memref<10240x128xf32, #tpu.memory_space<vmem_shared>>
          tpu.enqueue_indirect_dma source(%arg10 : memref<128x128xf32, #tpu.memory_space<vmem>>) target(%dma_start3A_74 : memref<10240x128xf32, #tpu.memory_space<vmem_shared>>) offsets(%dma_start3A_71 : memref<128xi32, #tpu.memory_space<vmem>>) semaphore(%run_scoped3A : memref<!tpu.dma_semaphore, #tpu.memory_space<semaphore_mem>>) {add = true}
          %dma_wait3A_75 = arith.constant 0 : i32
          %dma_wait3A_76 = tpu.memref_slice %arg8[%add3A_47, %dma_wait3A_75] : memref<8x128xi32, #tpu.memory_space<vmem>> -> memref<1x128xi32, #tpu.memory_space<vmem>>
          %dma_wait3A_77 = tpu.memref_squeeze %dma_wait3A_76 : memref<1x128xi32, #tpu.memory_space<vmem>> -> memref<128xi32, #tpu.memory_space<vmem>>
          %dma_wait3A_78 = arith.constant 0 : i32
          %dma_wait3A_79 = arith.constant 0 : i32
          %dma_wait3A_80 = tpu.memref_slice %arg11[%dma_wait3A_78, %dma_wait3A_79] : memref<10240x128xf32, #tpu.memory_space<vmem_shared>> -> memref<10240x128xf32, #tpu.memory_space<vmem_shared>>
          tpu.wait_indirect_dma semaphore(%run_scoped3A : memref<!tpu.dma_semaphore, #tpu.memory_space<semaphore_mem>>) src(%arg10 : memref<128x128xf32, #tpu.memory_space<vmem>>) dst(%dma_wait3A_80 : memref<10240x128xf32, #tpu.memory_space<vmem_shared>>)
          tpu.yield
        }) : () -> ()
      }
      %scan3A_42 = arith.constant 4 : i32
    }
    %while3A_20 = arith.constant 1 : i32
    scf.for %while3A_28 = %while3A_18 to %while3A_14 step %while3A_20  : i32 {
      %add3A_29 = arith.addi %add3A, %while3A_28 : i32
      "tpu.region"() ({
        %run_scoped3A = tpu.sem_alloc : memref<!tpu.dma_semaphore, #tpu.memory_space<semaphore_mem>>
        %dma_start3A_43 = arith.constant 0 : i32
        %dma_start3A_44 = arith.constant 0 : i32
        %dma_start3A_45 = tpu.memref_slice %arg3[%add3A_29, %dma_start3A_43, %dma_start3A_44] : memref<320x8x128xi32, #tpu.memory_space<hbm>> -> memref<1x8x128xi32, #tpu.memory_space<hbm>>
        %dma_start3A_46 = tpu.memref_squeeze %dma_start3A_45 : memref<1x8x128xi32, #tpu.memory_space<hbm>> -> memref<8x128xi32, #tpu.memory_space<hbm>>
        %dma_start3A_47 = arith.constant 0 : i32
        %dma_start3A_48 = arith.constant 0 : i32
        %dma_start3A_49 = tpu.memref_slice %arg3[%add3A_29, %dma_start3A_47, %dma_start3A_48] : memref<320x8x128xi32, #tpu.memory_space<hbm>> -> memref<1x8x128xi32, #tpu.memory_space<hbm>>
        %dma_start3A_50 = tpu.memref_squeeze %dma_start3A_49 : memref<1x8x128xi32, #tpu.memory_space<hbm>> -> memref<8x128xi32, #tpu.memory_space<hbm>>
        tpu.enqueue_dma source(%dma_start3A_50 : memref<8x128xi32, #tpu.memory_space<hbm>>) target(%arg7 : memref<8x128xi32, #tpu.memory_space<vmem>>) target_semaphore(%run_scoped3A : memref<!tpu.dma_semaphore, #tpu.memory_space<semaphore_mem>>)
        %dma_wait3A = arith.constant 0 : i32
        %dma_wait3A_51 = arith.constant 0 : i32
        %dma_wait3A_52 = tpu.memref_slice %arg3[%add3A_29, %dma_wait3A, %dma_wait3A_51] : memref<320x8x128xi32, #tpu.memory_space<hbm>> -> memref<1x8x128xi32, #tpu.memory_space<hbm>>
        %dma_wait3A_53 = tpu.memref_squeeze %dma_wait3A_52 : memref<1x8x128xi32, #tpu.memory_space<hbm>> -> memref<8x128xi32, #tpu.memory_space<hbm>>
        %dma_wait3A_54 = arith.constant 0 : i32
        %dma_wait3A_55 = arith.constant 0 : i32
        %dma_wait3A_56 = tpu.memref_slice %arg3[%add3A_29, %dma_wait3A_54, %dma_wait3A_55] : memref<320x8x128xi32, #tpu.memory_space<hbm>> -> memref<1x8x128xi32, #tpu.memory_space<hbm>>
        %dma_wait3A_57 = tpu.memref_squeeze %dma_wait3A_56 : memref<1x8x128xi32, #tpu.memory_space<hbm>> -> memref<8x128xi32, #tpu.memory_space<hbm>>
        tpu.wait_dma2 semaphore(%run_scoped3A : memref<!tpu.dma_semaphore, #tpu.memory_space<semaphore_mem>>) src(%dma_wait3A_57 : memref<8x128xi32, #tpu.memory_space<hbm>>) dst(%arg7 : memref<8x128xi32, #tpu.memory_space<vmem>>)
        tpu.yield
      }) : () -> ()
      %add3A_30 = arith.addi %add3A, %while3A_28 : i32
      "tpu.region"() ({
        %run_scoped3A = tpu.sem_alloc : memref<!tpu.dma_semaphore, #tpu.memory_space<semaphore_mem>>
        %dma_start3A_43 = arith.constant 0 : i32
        %dma_start3A_44 = arith.constant 0 : i32
        %dma_start3A_45 = tpu.memref_slice %arg4[%add3A_30, %dma_start3A_43, %dma_start3A_44] : memref<320x8x128xi32, #tpu.memory_space<hbm>> -> memref<1x8x128xi32, #tpu.memory_space<hbm>>
        %dma_start3A_46 = tpu.memref_squeeze %dma_start3A_45 : memref<1x8x128xi32, #tpu.memory_space<hbm>> -> memref<8x128xi32, #tpu.memory_space<hbm>>
        %dma_start3A_47 = arith.constant 0 : i32
        %dma_start3A_48 = arith.constant 0 : i32
        %dma_start3A_49 = tpu.memref_slice %arg4[%add3A_30, %dma_start3A_47, %dma_start3A_48] : memref<320x8x128xi32, #tpu.memory_space<hbm>> -> memref<1x8x128xi32, #tpu.memory_space<hbm>>
        %dma_start3A_50 = tpu.memref_squeeze %dma_start3A_49 : memref<1x8x128xi32, #tpu.memory_space<hbm>> -> memref<8x128xi32, #tpu.memory_space<hbm>>
        tpu.enqueue_dma source(%dma_start3A_50 : memref<8x128xi32, #tpu.memory_space<hbm>>) target(%arg8 : memref<8x128xi32, #tpu.memory_space<vmem>>) target_semaphore(%run_scoped3A : memref<!tpu.dma_semaphore, #tpu.memory_space<semaphore_mem>>)
        %dma_wait3A = arith.constant 0 : i32
        %dma_wait3A_51 = arith.constant 0 : i32
        %dma_wait3A_52 = tpu.memref_slice %arg4[%add3A_30, %dma_wait3A, %dma_wait3A_51] : memref<320x8x128xi32, #tpu.memory_space<hbm>> -> memref<1x8x128xi32, #tpu.memory_space<hbm>>
        %dma_wait3A_53 = tpu.memref_squeeze %dma_wait3A_52 : memref<1x8x128xi32, #tpu.memory_space<hbm>> -> memref<8x128xi32, #tpu.memory_space<hbm>>
        %dma_wait3A_54 = arith.constant 0 : i32
        %dma_wait3A_55 = arith.constant 0 : i32
        %dma_wait3A_56 = tpu.memref_slice %arg4[%add3A_30, %dma_wait3A_54, %dma_wait3A_55] : memref<320x8x128xi32, #tpu.memory_space<hbm>> -> memref<1x8x128xi32, #tpu.memory_space<hbm>>
        %dma_wait3A_57 = tpu.memref_squeeze %dma_wait3A_56 : memref<1x8x128xi32, #tpu.memory_space<hbm>> -> memref<8x128xi32, #tpu.memory_space<hbm>>
        tpu.wait_dma2 semaphore(%run_scoped3A : memref<!tpu.dma_semaphore, #tpu.memory_space<semaphore_mem>>) src(%dma_wait3A_57 : memref<8x128xi32, #tpu.memory_space<hbm>>) dst(%arg8 : memref<8x128xi32, #tpu.memory_space<vmem>>)
        tpu.yield
      }) : () -> ()
      %dma_start3A = arith.constant 0 : i32
      %dma_start3A_31 = arith.constant 0 : i32
      %dma_start3A_32 = tpu.memref_slice %arg7[%dma_start3A, %dma_start3A_31] : memref<8x128xi32, #tpu.memory_space<vmem>> -> memref<1x128xi32, #tpu.memory_space<vmem>>
      %dma_start3A_33 = tpu.memref_squeeze %dma_start3A_32 : memref<1x128xi32, #tpu.memory_space<vmem>> -> memref<128xi32, #tpu.memory_space<vmem>>
      %dma_start3A_34 = arith.constant 0 : i32
      %dma_start3A_35 = arith.constant 0 : i32
      %dma_start3A_36 = tpu.memref_slice %arg2[%dma_start3A_34, %dma_start3A_35] : memref<10000x128xf32, #tpu.memory_space<hbm>> -> memref<10000x128xf32, #tpu.memory_space<hbm>>
      tpu.enqueue_indirect_dma source(%dma_start3A_36 : memref<10000x128xf32, #tpu.memory_space<hbm>>) target(%arg9 : memref<128x128xf32, #tpu.memory_space<vmem>>) offsets(%dma_start3A_33 : memref<128xi32, #tpu.memory_space<vmem>>) semaphore(%arg12 : memref<!tpu.dma_semaphore, #tpu.memory_space<semaphore_mem>>)
      %scan3A_37 = arith.constant 0 : i32
      %scan3A_38 = arith.constant 0 : i32
      %scan3A_39 = arith.constant 4 : i32
      %scan3A_40 = arith.addi %scan3A_38, %scan3A_39 : i32
      %scan3A_41 = arith.constant 1 : i32
      scf.for %scan3A_43 = %scan3A_38 to %scan3A_40 step %scan3A_41  : i32 {
        %mul3A_44 = arith.constant 2 : i32
        %mul3A_45 = arith.muli %mul3A_44, %scan3A_43 : i32
        %add3A_46 = arith.constant 1 : i32
        %add3A_47 = arith.addi %mul3A_45, %add3A_46 : i32
        %dma_start3A_48 = arith.constant 0 : i32
        %dma_start3A_49 = tpu.memref_slice %arg7[%add3A_47, %dma_start3A_48] : memref<8x128xi32, #tpu.memory_space<vmem>> -> memref<1x128xi32, #tpu.memory_space<vmem>>
        %dma_start3A_50 = tpu.memref_squeeze %dma_start3A_49 : memref<1x128xi32, #tpu.memory_space<vmem>> -> memref<128xi32, #tpu.memory_space<vmem>>
        %dma_start3A_51 = arith.constant 0 : i32
        %dma_start3A_52 = arith.constant 0 : i32
        %dma_start3A_53 = tpu.memref_slice %arg2[%dma_start3A_51, %dma_start3A_52] : memref<10000x128xf32, #tpu.memory_space<hbm>> -> memref<10000x128xf32, #tpu.memory_space<hbm>>
        tpu.enqueue_indirect_dma source(%dma_start3A_53 : memref<10000x128xf32, #tpu.memory_space<hbm>>) target(%arg10 : memref<128x128xf32, #tpu.memory_space<vmem>>) offsets(%dma_start3A_50 : memref<128xi32, #tpu.memory_space<vmem>>) semaphore(%arg13 : memref<!tpu.dma_semaphore, #tpu.memory_space<semaphore_mem>>)
        %dma_wait3A = arith.constant 0 : i32
        %dma_wait3A_54 = tpu.memref_slice %arg7[%mul3A_45, %dma_wait3A] : memref<8x128xi32, #tpu.memory_space<vmem>> -> memref<1x128xi32, #tpu.memory_space<vmem>>
        %dma_wait3A_55 = tpu.memref_squeeze %dma_wait3A_54 : memref<1x128xi32, #tpu.memory_space<vmem>> -> memref<128xi32, #tpu.memory_space<vmem>>
        %dma_wait3A_56 = arith.constant 0 : i32
        %dma_wait3A_57 = arith.constant 0 : i32
        %dma_wait3A_58 = tpu.memref_slice %arg2[%dma_wait3A_56, %dma_wait3A_57] : memref<10000x128xf32, #tpu.memory_space<hbm>> -> memref<10000x128xf32, #tpu.memory_space<hbm>>
        tpu.wait_indirect_dma semaphore(%arg12 : memref<!tpu.dma_semaphore, #tpu.memory_space<semaphore_mem>>) src(%dma_wait3A_58 : memref<10000x128xf32, #tpu.memory_space<hbm>>) dst(%arg9 : memref<128x128xf32, #tpu.memory_space<vmem>>)
        "tpu.region"() ({
          %run_scoped3A = tpu.sem_alloc : memref<!tpu.dma_semaphore, #tpu.memory_space<semaphore_mem>>
          %dma_start3A_69 = arith.constant 0 : i32
          %dma_start3A_70 = tpu.memref_slice %arg8[%mul3A_45, %dma_start3A_69] : memref<8x128xi32, #tpu.memory_space<vmem>> -> memref<1x128xi32, #tpu.memory_space<vmem>>
          %dma_start3A_71 = tpu.memref_squeeze %dma_start3A_70 : memref<1x128xi32, #tpu.memory_space<vmem>> -> memref<128xi32, #tpu.memory_space<vmem>>
          %dma_start3A_72 = arith.constant 0 : i32
          %dma_start3A_73 = arith.constant 0 : i32
          %dma_start3A_74 = tpu.memref_slice %arg11[%dma_start3A_72, %dma_start3A_73] : memref<10240x128xf32, #tpu.memory_space<vmem_shared>> -> memref<10240x128xf32, #tpu.memory_space<vmem_shared>>
          tpu.enqueue_indirect_dma source(%arg9 : memref<128x128xf32, #tpu.memory_space<vmem>>) target(%dma_start3A_74 : memref<10240x128xf32, #tpu.memory_space<vmem_shared>>) offsets(%dma_start3A_71 : memref<128xi32, #tpu.memory_space<vmem>>) semaphore(%run_scoped3A : memref<!tpu.dma_semaphore, #tpu.memory_space<semaphore_mem>>) {add = true}
          %dma_wait3A_75 = arith.constant 0 : i32
          %dma_wait3A_76 = tpu.memref_slice %arg8[%mul3A_45, %dma_wait3A_75] : memref<8x128xi32, #tpu.memory_space<vmem>> -> memref<1x128xi32, #tpu.memory_space<vmem>>
          %dma_wait3A_77 = tpu.memref_squeeze %dma_wait3A_76 : memref<1x128xi32, #tpu.memory_space<vmem>> -> memref<128xi32, #tpu.memory_space<vmem>>
          %dma_wait3A_78 = arith.constant 0 : i32
          %dma_wait3A_79 = arith.constant 0 : i32
          %dma_wait3A_80 = tpu.memref_slice %arg11[%dma_wait3A_78, %dma_wait3A_79] : memref<10240x128xf32, #tpu.memory_space<vmem_shared>> -> memref<10240x128xf32, #tpu.memory_space<vmem_shared>>
          tpu.wait_indirect_dma semaphore(%run_scoped3A : memref<!tpu.dma_semaphore, #tpu.memory_space<semaphore_mem>>) src(%arg9 : memref<128x128xf32, #tpu.memory_space<vmem>>) dst(%dma_wait3A_80 : memref<10240x128xf32, #tpu.memory_space<vmem_shared>>)
          tpu.yield
        }) : () -> ()
        %add3A_59 = arith.constant 1 : i32
        %add3A_60 = arith.addi %add3A_47, %add3A_59 : i32
        %lt3A = arith.constant 8 : i32
        %lt3A_61 = arith.cmpi slt, %add3A_60, %lt3A : i32
        %convert_element_type3A = arith.extui %lt3A_61 : i1 to i32
        %cond3A = arith.constant 0 : i32
        %cond3A_62 = arith.cmpi ne, %convert_element_type3A, %cond3A : i32
        scf.if %cond3A_62 {
          %add3A_69 = arith.constant 1 : i32
          %add3A_70 = arith.addi %add3A_47, %add3A_69 : i32
          %dma_start3A_71 = arith.constant 0 : i32
          %dma_start3A_72 = tpu.memref_slice %arg7[%add3A_70, %dma_start3A_71] : memref<8x128xi32, #tpu.memory_space<vmem>> -> memref<1x128xi32, #tpu.memory_space<vmem>>
          %dma_start3A_73 = tpu.memref_squeeze %dma_start3A_72 : memref<1x128xi32, #tpu.memory_space<vmem>> -> memref<128xi32, #tpu.memory_space<vmem>>
          %dma_start3A_74 = arith.constant 0 : i32
          %dma_start3A_75 = arith.constant 0 : i32
          %dma_start3A_76 = tpu.memref_slice %arg2[%dma_start3A_74, %dma_start3A_75] : memref<10000x128xf32, #tpu.memory_space<hbm>> -> memref<10000x128xf32, #tpu.memory_space<hbm>>
          tpu.enqueue_indirect_dma source(%dma_start3A_76 : memref<10000x128xf32, #tpu.memory_space<hbm>>) target(%arg9 : memref<128x128xf32, #tpu.memory_space<vmem>>) offsets(%dma_start3A_73 : memref<128xi32, #tpu.memory_space<vmem>>) semaphore(%arg12 : memref<!tpu.dma_semaphore, #tpu.memory_space<semaphore_mem>>)
        } else {
        }
        %dma_wait3A_63 = arith.constant 0 : i32
        %dma_wait3A_64 = tpu.memref_slice %arg7[%add3A_47, %dma_wait3A_63] : memref<8x128xi32, #tpu.memory_space<vmem>> -> memref<1x128xi32, #tpu.memory_space<vmem>>
        %dma_wait3A_65 = tpu.memref_squeeze %dma_wait3A_64 : memref<1x128xi32, #tpu.memory_space<vmem>> -> memref<128xi32, #tpu.memory_space<vmem>>
        %dma_wait3A_66 = arith.constant 0 : i32
        %dma_wait3A_67 = arith.constant 0 : i32
        %dma_wait3A_68 = tpu.memref_slice %arg2[%dma_wait3A_66, %dma_wait3A_67] : memref<10000x128xf32, #tpu.memory_space<hbm>> -> memref<10000x128xf32, #tpu.memory_space<hbm>>
        tpu.wait_indirect_dma semaphore(%arg13 : memref<!tpu.dma_semaphore, #tpu.memory_space<semaphore_mem>>) src(%dma_wait3A_68 : memref<10000x128xf32, #tpu.memory_space<hbm>>) dst(%arg10 : memref<128x128xf32, #tpu.memory_space<vmem>>)
        "tpu.region"() ({
          %run_scoped3A = tpu.sem_alloc : memref<!tpu.dma_semaphore, #tpu.memory_space<semaphore_mem>>
          %dma_start3A_69 = arith.constant 0 : i32
          %dma_start3A_70 = tpu.memref_slice %arg8[%add3A_47, %dma_start3A_69] : memref<8x128xi32, #tpu.memory_space<vmem>> -> memref<1x128xi32, #tpu.memory_space<vmem>>
          %dma_start3A_71 = tpu.memref_squeeze %dma_start3A_70 : memref<1x128xi32, #tpu.memory_space<vmem>> -> memref<128xi32, #tpu.memory_space<vmem>>
          %dma_start3A_72 = arith.constant 0 : i32
          %dma_start3A_73 = arith.constant 0 : i32
          %dma_start3A_74 = tpu.memref_slice %arg11[%dma_start3A_72, %dma_start3A_73] : memref<10240x128xf32, #tpu.memory_space<vmem_shared>> -> memref<10240x128xf32, #tpu.memory_space<vmem_shared>>
          tpu.enqueue_indirect_dma source(%arg10 : memref<128x128xf32, #tpu.memory_space<vmem>>) target(%dma_start3A_74 : memref<10240x128xf32, #tpu.memory_space<vmem_shared>>) offsets(%dma_start3A_71 : memref<128xi32, #tpu.memory_space<vmem>>) semaphore(%run_scoped3A : memref<!tpu.dma_semaphore, #tpu.memory_space<semaphore_mem>>) {add = true}
          %dma_wait3A_75 = arith.constant 0 : i32
          %dma_wait3A_76 = tpu.memref_slice %arg8[%add3A_47, %dma_wait3A_75] : memref<8x128xi32, #tpu.memory_space<vmem>> -> memref<1x128xi32, #tpu.memory_space<vmem>>
          %dma_wait3A_77 = tpu.memref_squeeze %dma_wait3A_76 : memref<1x128xi32, #tpu.memory_space<vmem>> -> memref<128xi32, #tpu.memory_space<vmem>>
          %dma_wait3A_78 = arith.constant 0 : i32
          %dma_wait3A_79 = arith.constant 0 : i32
          %dma_wait3A_80 = tpu.memref_slice %arg11[%dma_wait3A_78, %dma_wait3A_79] : memref<10240x128xf32, #tpu.memory_space<vmem_shared>> -> memref<10240x128xf32, #tpu.memory_space<vmem_shared>>
          tpu.wait_indirect_dma semaphore(%run_scoped3A : memref<!tpu.dma_semaphore, #tpu.memory_space<semaphore_mem>>) src(%arg10 : memref<128x128xf32, #tpu.memory_space<vmem>>) dst(%dma_wait3A_80 : memref<10240x128xf32, #tpu.memory_space<vmem_shared>>)
          tpu.yield
        }) : () -> ()
      }
      %scan3A_42 = arith.constant 4 : i32
    }
    %barrier3A_21 = arith.constant 0 : index
    tpu.barrier barrier_id(%barrier3A_21)
    %scan3A_22 = arith.constant 0 : i32
    %scan3A_23 = arith.constant 0 : i32
    %scan3A_24 = arith.constant 5 : i32
    %scan3A_25 = arith.addi %scan3A_23, %scan3A_24 : i32
    %scan3A_26 = arith.constant 1 : i32
    scf.for %scan3A_28 = %scan3A_23 to %scan3A_25 step %scan3A_26  : i32 {
      %mul3A_29 = arith.constant 128 : i32
      %mul3A_30 = arith.muli %scan3A_28, %mul3A_29 : i32
      %add3A_31 = arith.addi %mul3A_6, %mul3A_30 : i32
      %mul3A_32 = arith.constant 128 : i32
      %mul3A_33 = arith.muli %scan3A_28, %mul3A_32 : i32
      %add3A_34 = arith.addi %mul3A_6, %mul3A_33 : i32
      "tpu.region"() ({
        %run_scoped3A = tpu.sem_alloc : memref<!tpu.dma_semaphore, #tpu.memory_space<semaphore_mem>>
        %dma_start3A = arith.constant 0 : i32
        %dma_start3A_35 = tpu.memref_slice %arg6[%arg0, %add3A_34, %dma_start3A] : memref<2x10240x128xf32, #tpu.memory_space<hbm>> -> memref<1x128x128xf32, #tpu.memory_space<hbm>>
        %dma_start3A_36 = tpu.memref_squeeze %dma_start3A_35 : memref<1x128x128xf32, #tpu.memory_space<hbm>> -> memref<128x128xf32, #tpu.memory_space<hbm>>
        %dma_start3A_37 = arith.constant 0 : i32
        %dma_start3A_38 = tpu.memref_slice %arg11[%add3A_31, %dma_start3A_37] : memref<10240x128xf32, #tpu.memory_space<vmem_shared>> -> memref<128x128xf32, #tpu.memory_space<vmem_shared>>
        tpu.enqueue_dma source(%dma_start3A_38 : memref<128x128xf32, #tpu.memory_space<vmem_shared>>) target(%dma_start3A_36 : memref<128x128xf32, #tpu.memory_space<hbm>>) target_semaphore(%run_scoped3A : memref<!tpu.dma_semaphore, #tpu.memory_space<semaphore_mem>>)
        %dma_wait3A = arith.constant 0 : i32
        %dma_wait3A_39 = tpu.memref_slice %arg6[%arg0, %add3A_34, %dma_wait3A] : memref<2x10240x128xf32, #tpu.memory_space<hbm>> -> memref<1x128x128xf32, #tpu.memory_space<hbm>>
        %dma_wait3A_40 = tpu.memref_squeeze %dma_wait3A_39 : memref<1x128x128xf32, #tpu.memory_space<hbm>> -> memref<128x128xf32, #tpu.memory_space<hbm>>
        %dma_wait3A_41 = arith.constant 0 : i32
        %dma_wait3A_42 = tpu.memref_slice %arg11[%add3A_31, %dma_wait3A_41] : memref<10240x128xf32, #tpu.memory_space<vmem_shared>> -> memref<128x128xf32, #tpu.memory_space<vmem_shared>>
        tpu.wait_dma2 semaphore(%run_scoped3A : memref<!tpu.dma_semaphore, #tpu.memory_space<semaphore_mem>>) src(%dma_wait3A_42 : memref<128x128xf32, #tpu.memory_space<vmem_shared>>) dst(%dma_wait3A_40 : memref<128x128xf32, #tpu.memory_space<hbm>>)
        tpu.yield
      }) : () -> ()
    }
    %scan3A_27 = arith.constant 5 : i32
    return
  }
}

#map = affine_map<(d0, d1) -> (0, 0)>
#map1 = affine_map<(d0, d1) -> (0, 0, 0)>
module attributes {stable_mosaic.version = 14 : i64} {
  func.func @_scatter_body(%arg0: i32, %arg1: i32, %arg2: memref<10000x128xf32, #tpu.memory_space<hbm>>, %arg3: memref<320x8x128xi32, #tpu.memory_space<hbm>>, %arg4: memref<320x8x128xi32, #tpu.memory_space<hbm>>, %arg5: memref<128x128xf32, #tpu.memory_space<hbm>>, %arg6: memref<2x10240x128xf32, #tpu.memory_space<hbm>>, %arg7: memref<8x128xi32, #tpu.memory_space<vmem>>, %arg8: memref<8x128xi32, #tpu.memory_space<vmem>>, %arg9: memref<128x128xf32, #tpu.memory_space<vmem>>, %arg10: memref<128x128xf32, #tpu.memory_space<vmem>>, %arg11: memref<10240x128xf32, #tpu.memory_space<vmem_shared>>, %arg12: memref<!tpu.dma_semaphore, #tpu.memory_space<semaphore_mem>>, %arg13: memref<!tpu.dma_semaphore, #tpu.memory_space<semaphore_mem>>) attributes {dimension_semantics = [#tpu.dimension_semantics<core_parallel>, #tpu.dimension_semantics<subcore_parallel>], iteration_bounds = array<i64: 2, 16>, scalar_prefetch = 0 : i64, scratch_operands = 7 : i64, tpu.core_type = #tpu.core_type<sc_vector_subcore>, window_params = [{transform_indices = #map}, {transform_indices = #map1}, {transform_indices = #map1}, {transform_indices = #map}, {transform_indices = #map1}]} {
    %eq3A = arith.constant 0 : i32
    %eq3A_0 = arith.cmpi eq, %arg0, %eq3A : i32
    %jit3A = arith.constant 15 : i32
    %jit3A_1 = arith.constant 5 : i32
    %select_n3A = arith.select %eq3A_0, %jit3A, %jit3A_1 : i32
    %mul3A = arith.constant 20 : i32
    %mul3A_2 = arith.muli %arg1, %mul3A : i32
    %mul3A_3 = arith.constant 15 : i32
    %mul3A_4 = arith.muli %arg0, %mul3A_3 : i32
    %add3A = arith.addi %mul3A_2, %mul3A_4 : i32
    "tpu.region"() ({
      %run_scoped3A = tpu.sem_alloc : memref<!tpu.dma_semaphore, #tpu.memory_space<semaphore_mem>>
      tpu.enqueue_dma source(%arg5 : memref<128x128xf32, #tpu.memory_space<hbm>>) target(%arg9 : memref<128x128xf32, #tpu.memory_space<vmem>>) target_semaphore(%run_scoped3A : memref<!tpu.dma_semaphore, #tpu.memory_space<semaphore_mem>>)
      tpu.wait_dma2 semaphore(%run_scoped3A : memref<!tpu.dma_semaphore, #tpu.memory_space<semaphore_mem>>) src(%arg5 : memref<128x128xf32, #tpu.memory_space<hbm>>) dst(%arg9 : memref<128x128xf32, #tpu.memory_space<vmem>>)
      tpu.yield
    }) : () -> ()
    %mul3A_5 = arith.constant 640 : i32
    %mul3A_6 = arith.muli %arg1, %mul3A_5 : i32
    %scan3A = arith.constant 0 : i32
    %scan3A_7 = arith.constant 0 : i32
    %scan3A_8 = arith.constant 5 : i32
    %scan3A_9 = arith.addi %scan3A_7, %scan3A_8 : i32
    %scan3A_10 = arith.constant 1 : i32
    scf.for %scan3A_28 = %scan3A_7 to %scan3A_9 step %scan3A_10  : i32 {
      %mul3A_29 = arith.constant 128 : i32
      %mul3A_30 = arith.muli %scan3A_28, %mul3A_29 : i32
      %add3A_31 = arith.addi %mul3A_6, %mul3A_30 : i32
      "tpu.region"() ({
        %run_scoped3A = tpu.sem_alloc : memref<!tpu.dma_semaphore, #tpu.memory_space<semaphore_mem>>
        %dma_start3A = arith.constant 0 : i32
        %dma_start3A_32 = tpu.memref_slice %arg11[%add3A_31, %dma_start3A] : memref<10240x128xf32, #tpu.memory_space<vmem_shared>> -> memref<128x128xf32, #tpu.memory_space<vmem_shared>>
        %dma_start3A_33 = arith.constant 0 : i32
        %dma_start3A_34 = tpu.memref_slice %arg11[%add3A_31, %dma_start3A_33] : memref<10240x128xf32, #tpu.memory_space<vmem_shared>> -> memref<128x128xf32, #tpu.memory_space<vmem_shared>>
        tpu.enqueue_dma source(%arg9 : memref<128x128xf32, #tpu.memory_space<vmem>>) target(%dma_start3A_34 : memref<128x128xf32, #tpu.memory_space<vmem_shared>>) target_semaphore(%run_scoped3A : memref<!tpu.dma_semaphore, #tpu.memory_space<semaphore_mem>>)
        %dma_wait3A = arith.constant 0 : i32
        %dma_wait3A_35 = tpu.memref_slice %arg11[%add3A_31, %dma_wait3A] : memref<10240x128xf32, #tpu.memory_space<vmem_shared>> -> memref<128x128xf32, #tpu.memory_space<vmem_shared>>
        %dma_wait3A_36 = arith.constant 0 : i32
        %dma_wait3A_37 = tpu.memref_slice %arg11[%add3A_31, %dma_wait3A_36] : memref<10240x128xf32, #tpu.memory_space<vmem_shared>> -> memref<128x128xf32, #tpu.memory_space<vmem_shared>>
        tpu.wait_dma2 semaphore(%run_scoped3A : memref<!tpu.dma_semaphore, #tpu.memory_space<semaphore_mem>>) src(%arg9 : memref<128x128xf32, #tpu.memory_space<vmem>>) dst(%dma_wait3A_37 : memref<128x128xf32, #tpu.memory_space<vmem_shared>>)
        tpu.yield
      }) : () -> ()
    }
    %scan3A_11 = arith.constant 5 : i32
    %barrier3A = arith.constant 0 : index
    tpu.barrier barrier_id(%barrier3A)
    %while3A = arith.constant 0 : i32
    %while3A_12 = arith.constant 0 : i32
    %while3A_13 = arith.subi %select_n3A, %while3A_12 : i32
    %while3A_14 = arith.addi %while3A_12, %while3A_13 : i32
    %while3A_15 = arith.constant 1 : i32
    %while3A_16 = arith.divsi %while3A_13, %while3A_15 : i32
    %while3A_17 = arith.muli %while3A_16, %while3A_15 : i32
    %while3A_18 = arith.addi %while3A_12, %while3A_17 : i32
    %while3A_19 = arith.constant 1 : i32
    scf.for %while3A_28 = %while3A_12 to %while3A_18 step %while3A_19  : i32 {
      %add3A_29 = arith.addi %add3A, %while3A_28 : i32
      "tpu.region"() ({
        %run_scoped3A = tpu.sem_alloc : memref<!tpu.dma_semaphore, #tpu.memory_space<semaphore_mem>>
        %dma_start3A_43 = arith.constant 0 : i32
        %dma_start3A_44 = arith.constant 0 : i32
        %dma_start3A_45 = tpu.memref_slice %arg3[%add3A_29, %dma_start3A_43, %dma_start3A_44] : memref<320x8x128xi32, #tpu.memory_space<hbm>> -> memref<1x8x128xi32, #tpu.memory_space<hbm>>
        %dma_start3A_46 = tpu.memref_squeeze %dma_start3A_45 : memref<1x8x128xi32, #tpu.memory_space<hbm>> -> memref<8x128xi32, #tpu.memory_space<hbm>>
        %dma_start3A_47 = arith.constant 0 : i32
        %dma_start3A_48 = arith.constant 0 : i32
        %dma_start3A_49 = tpu.memref_slice %arg3[%add3A_29, %dma_start3A_47, %dma_start3A_48] : memref<320x8x128xi32, #tpu.memory_space<hbm>> -> memref<1x8x128xi32, #tpu.memory_space<hbm>>
        %dma_start3A_50 = tpu.memref_squeeze %dma_start3A_49 : memref<1x8x128xi32, #tpu.memory_space<hbm>> -> memref<8x128xi32, #tpu.memory_space<hbm>>
        tpu.enqueue_dma source(%dma_start3A_50 : memref<8x128xi32, #tpu.memory_space<hbm>>) target(%arg7 : memref<8x128xi32, #tpu.memory_space<vmem>>) target_semaphore(%run_scoped3A : memref<!tpu.dma_semaphore, #tpu.memory_space<semaphore_mem>>)
        %dma_wait3A = arith.constant 0 : i32
        %dma_wait3A_51 = arith.constant 0 : i32
        %dma_wait3A_52 = tpu.memref_slice %arg3[%add3A_29, %dma_wait3A, %dma_wait3A_51] : memref<320x8x128xi32, #tpu.memory_space<hbm>> -> memref<1x8x128xi32, #tpu.memory_space<hbm>>
        %dma_wait3A_53 = tpu.memref_squeeze %dma_wait3A_52 : memref<1x8x128xi32, #tpu.memory_space<hbm>> -> memref<8x128xi32, #tpu.memory_space<hbm>>
        %dma_wait3A_54 = arith.constant 0 : i32
        %dma_wait3A_55 = arith.constant 0 : i32
        %dma_wait3A_56 = tpu.memref_slice %arg3[%add3A_29, %dma_wait3A_54, %dma_wait3A_55] : memref<320x8x128xi32, #tpu.memory_space<hbm>> -> memref<1x8x128xi32, #tpu.memory_space<hbm>>
        %dma_wait3A_57 = tpu.memref_squeeze %dma_wait3A_56 : memref<1x8x128xi32, #tpu.memory_space<hbm>> -> memref<8x128xi32, #tpu.memory_space<hbm>>
        tpu.wait_dma2 semaphore(%run_scoped3A : memref<!tpu.dma_semaphore, #tpu.memory_space<semaphore_mem>>) src(%dma_wait3A_57 : memref<8x128xi32, #tpu.memory_space<hbm>>) dst(%arg7 : memref<8x128xi32, #tpu.memory_space<vmem>>)
        tpu.yield
      }) : () -> ()
      %add3A_30 = arith.addi %add3A, %while3A_28 : i32
      "tpu.region"() ({
        %run_scoped3A = tpu.sem_alloc : memref<!tpu.dma_semaphore, #tpu.memory_space<semaphore_mem>>
        %dma_start3A_43 = arith.constant 0 : i32
        %dma_start3A_44 = arith.constant 0 : i32
        %dma_start3A_45 = tpu.memref_slice %arg4[%add3A_30, %dma_start3A_43, %dma_start3A_44] : memref<320x8x128xi32, #tpu.memory_space<hbm>> -> memref<1x8x128xi32, #tpu.memory_space<hbm>>
        %dma_start3A_46 = tpu.memref_squeeze %dma_start3A_45 : memref<1x8x128xi32, #tpu.memory_space<hbm>> -> memref<8x128xi32, #tpu.memory_space<hbm>>
        %dma_start3A_47 = arith.constant 0 : i32
        %dma_start3A_48 = arith.constant 0 : i32
        %dma_start3A_49 = tpu.memref_slice %arg4[%add3A_30, %dma_start3A_47, %dma_start3A_48] : memref<320x8x128xi32, #tpu.memory_space<hbm>> -> memref<1x8x128xi32, #tpu.memory_space<hbm>>
        %dma_start3A_50 = tpu.memref_squeeze %dma_start3A_49 : memref<1x8x128xi32, #tpu.memory_space<hbm>> -> memref<8x128xi32, #tpu.memory_space<hbm>>
        tpu.enqueue_dma source(%dma_start3A_50 : memref<8x128xi32, #tpu.memory_space<hbm>>) target(%arg8 : memref<8x128xi32, #tpu.memory_space<vmem>>) target_semaphore(%run_scoped3A : memref<!tpu.dma_semaphore, #tpu.memory_space<semaphore_mem>>)
        %dma_wait3A = arith.constant 0 : i32
        %dma_wait3A_51 = arith.constant 0 : i32
        %dma_wait3A_52 = tpu.memref_slice %arg4[%add3A_30, %dma_wait3A, %dma_wait3A_51] : memref<320x8x128xi32, #tpu.memory_space<hbm>> -> memref<1x8x128xi32, #tpu.memory_space<hbm>>
        %dma_wait3A_53 = tpu.memref_squeeze %dma_wait3A_52 : memref<1x8x128xi32, #tpu.memory_space<hbm>> -> memref<8x128xi32, #tpu.memory_space<hbm>>
        %dma_wait3A_54 = arith.constant 0 : i32
        %dma_wait3A_55 = arith.constant 0 : i32
        %dma_wait3A_56 = tpu.memref_slice %arg4[%add3A_30, %dma_wait3A_54, %dma_wait3A_55] : memref<320x8x128xi32, #tpu.memory_space<hbm>> -> memref<1x8x128xi32, #tpu.memory_space<hbm>>
        %dma_wait3A_57 = tpu.memref_squeeze %dma_wait3A_56 : memref<1x8x128xi32, #tpu.memory_space<hbm>> -> memref<8x128xi32, #tpu.memory_space<hbm>>
        tpu.wait_dma2 semaphore(%run_scoped3A : memref<!tpu.dma_semaphore, #tpu.memory_space<semaphore_mem>>) src(%dma_wait3A_57 : memref<8x128xi32, #tpu.memory_space<hbm>>) dst(%arg8 : memref<8x128xi32, #tpu.memory_space<vmem>>)
        tpu.yield
      }) : () -> ()
      %dma_start3A = arith.constant 0 : i32
      %dma_start3A_31 = arith.constant 0 : i32
      %dma_start3A_32 = tpu.memref_slice %arg7[%dma_start3A, %dma_start3A_31] : memref<8x128xi32, #tpu.memory_space<vmem>> -> memref<1x128xi32, #tpu.memory_space<vmem>>
      %dma_start3A_33 = tpu.memref_squeeze %dma_start3A_32 : memref<1x128xi32, #tpu.memory_space<vmem>> -> memref<128xi32, #tpu.memory_space<vmem>>
      %dma_start3A_34 = arith.constant 0 : i32
      %dma_start3A_35 = arith.constant 0 : i32
      %dma_start3A_36 = tpu.memref_slice %arg2[%dma_start3A_34, %dma_start3A_35] : memref<10000x128xf32, #tpu.memory_space<hbm>> -> memref<10000x128xf32, #tpu.memory_space<hbm>>
      tpu.enqueue_indirect_dma source(%dma_start3A_36 : memref<10000x128xf32, #tpu.memory_space<hbm>>) target(%arg9 : memref<128x128xf32, #tpu.memory_space<vmem>>) offsets(%dma_start3A_33 : memref<128xi32, #tpu.memory_space<vmem>>) semaphore(%arg12 : memref<!tpu.dma_semaphore, #tpu.memory_space<semaphore_mem>>)
      %scan3A_37 = arith.constant 0 : i32
      %scan3A_38 = arith.constant 0 : i32
      %scan3A_39 = arith.constant 4 : i32
      %scan3A_40 = arith.addi %scan3A_38, %scan3A_39 : i32
      %scan3A_41 = arith.constant 1 : i32
      scf.for %scan3A_43 = %scan3A_38 to %scan3A_40 step %scan3A_41  : i32 {
        %mul3A_44 = arith.constant 2 : i32
        %mul3A_45 = arith.muli %mul3A_44, %scan3A_43 : i32
        %add3A_46 = arith.constant 1 : i32
        %add3A_47 = arith.addi %mul3A_45, %add3A_46 : i32
        %dma_start3A_48 = arith.constant 0 : i32
        %dma_start3A_49 = tpu.memref_slice %arg7[%add3A_47, %dma_start3A_48] : memref<8x128xi32, #tpu.memory_space<vmem>> -> memref<1x128xi32, #tpu.memory_space<vmem>>
        %dma_start3A_50 = tpu.memref_squeeze %dma_start3A_49 : memref<1x128xi32, #tpu.memory_space<vmem>> -> memref<128xi32, #tpu.memory_space<vmem>>
        %dma_start3A_51 = arith.constant 0 : i32
        %dma_start3A_52 = arith.constant 0 : i32
        %dma_start3A_53 = tpu.memref_slice %arg2[%dma_start3A_51, %dma_start3A_52] : memref<10000x128xf32, #tpu.memory_space<hbm>> -> memref<10000x128xf32, #tpu.memory_space<hbm>>
        tpu.enqueue_indirect_dma source(%dma_start3A_53 : memref<10000x128xf32, #tpu.memory_space<hbm>>) target(%arg10 : memref<128x128xf32, #tpu.memory_space<vmem>>) offsets(%dma_start3A_50 : memref<128xi32, #tpu.memory_space<vmem>>) semaphore(%arg13 : memref<!tpu.dma_semaphore, #tpu.memory_space<semaphore_mem>>)
        %dma_wait3A = arith.constant 0 : i32
        %dma_wait3A_54 = tpu.memref_slice %arg7[%mul3A_45, %dma_wait3A] : memref<8x128xi32, #tpu.memory_space<vmem>> -> memref<1x128xi32, #tpu.memory_space<vmem>>
        %dma_wait3A_55 = tpu.memref_squeeze %dma_wait3A_54 : memref<1x128xi32, #tpu.memory_space<vmem>> -> memref<128xi32, #tpu.memory_space<vmem>>
        %dma_wait3A_56 = arith.constant 0 : i32
        %dma_wait3A_57 = arith.constant 0 : i32
        %dma_wait3A_58 = tpu.memref_slice %arg2[%dma_wait3A_56, %dma_wait3A_57] : memref<10000x128xf32, #tpu.memory_space<hbm>> -> memref<10000x128xf32, #tpu.memory_space<hbm>>
        tpu.wait_indirect_dma semaphore(%arg12 : memref<!tpu.dma_semaphore, #tpu.memory_space<semaphore_mem>>) src(%dma_wait3A_58 : memref<10000x128xf32, #tpu.memory_space<hbm>>) dst(%arg9 : memref<128x128xf32, #tpu.memory_space<vmem>>)
        "tpu.region"() ({
          %run_scoped3A = tpu.sem_alloc : memref<!tpu.dma_semaphore, #tpu.memory_space<semaphore_mem>>
          %dma_start3A_69 = arith.constant 0 : i32
          %dma_start3A_70 = tpu.memref_slice %arg8[%mul3A_45, %dma_start3A_69] : memref<8x128xi32, #tpu.memory_space<vmem>> -> memref<1x128xi32, #tpu.memory_space<vmem>>
          %dma_start3A_71 = tpu.memref_squeeze %dma_start3A_70 : memref<1x128xi32, #tpu.memory_space<vmem>> -> memref<128xi32, #tpu.memory_space<vmem>>
          %dma_start3A_72 = arith.constant 0 : i32
          %dma_start3A_73 = arith.constant 0 : i32
          %dma_start3A_74 = tpu.memref_slice %arg11[%dma_start3A_72, %dma_start3A_73] : memref<10240x128xf32, #tpu.memory_space<vmem_shared>> -> memref<10240x128xf32, #tpu.memory_space<vmem_shared>>
          tpu.enqueue_indirect_dma source(%arg9 : memref<128x128xf32, #tpu.memory_space<vmem>>) target(%dma_start3A_74 : memref<10240x128xf32, #tpu.memory_space<vmem_shared>>) offsets(%dma_start3A_71 : memref<128xi32, #tpu.memory_space<vmem>>) semaphore(%run_scoped3A : memref<!tpu.dma_semaphore, #tpu.memory_space<semaphore_mem>>) {add = true}
          %dma_wait3A_75 = arith.constant 0 : i32
          %dma_wait3A_76 = tpu.memref_slice %arg8[%mul3A_45, %dma_wait3A_75] : memref<8x128xi32, #tpu.memory_space<vmem>> -> memref<1x128xi32, #tpu.memory_space<vmem>>
          %dma_wait3A_77 = tpu.memref_squeeze %dma_wait3A_76 : memref<1x128xi32, #tpu.memory_space<vmem>> -> memref<128xi32, #tpu.memory_space<vmem>>
          %dma_wait3A_78 = arith.constant 0 : i32
          %dma_wait3A_79 = arith.constant 0 : i32
          %dma_wait3A_80 = tpu.memref_slice %arg11[%dma_wait3A_78, %dma_wait3A_79] : memref<10240x128xf32, #tpu.memory_space<vmem_shared>> -> memref<10240x128xf32, #tpu.memory_space<vmem_shared>>
          tpu.wait_indirect_dma semaphore(%run_scoped3A : memref<!tpu.dma_semaphore, #tpu.memory_space<semaphore_mem>>) src(%arg9 : memref<128x128xf32, #tpu.memory_space<vmem>>) dst(%dma_wait3A_80 : memref<10240x128xf32, #tpu.memory_space<vmem_shared>>)
          tpu.yield
        }) : () -> ()
        %add3A_59 = arith.constant 1 : i32
        %add3A_60 = arith.addi %add3A_47, %add3A_59 : i32
        %lt3A = arith.constant 8 : i32
        %lt3A_61 = arith.cmpi slt, %add3A_60, %lt3A : i32
        %convert_element_type3A = arith.extui %lt3A_61 : i1 to i32
        %cond3A = arith.constant 0 : i32
        %cond3A_62 = arith.cmpi ne, %convert_element_type3A, %cond3A : i32
        scf.if %cond3A_62 {
          %add3A_69 = arith.constant 1 : i32
          %add3A_70 = arith.addi %add3A_47, %add3A_69 : i32
          %dma_start3A_71 = arith.constant 0 : i32
          %dma_start3A_72 = tpu.memref_slice %arg7[%add3A_70, %dma_start3A_71] : memref<8x128xi32, #tpu.memory_space<vmem>> -> memref<1x128xi32, #tpu.memory_space<vmem>>
          %dma_start3A_73 = tpu.memref_squeeze %dma_start3A_72 : memref<1x128xi32, #tpu.memory_space<vmem>> -> memref<128xi32, #tpu.memory_space<vmem>>
          %dma_start3A_74 = arith.constant 0 : i32
          %dma_start3A_75 = arith.constant 0 : i32
          %dma_start3A_76 = tpu.memref_slice %arg2[%dma_start3A_74, %dma_start3A_75] : memref<10000x128xf32, #tpu.memory_space<hbm>> -> memref<10000x128xf32, #tpu.memory_space<hbm>>
          tpu.enqueue_indirect_dma source(%dma_start3A_76 : memref<10000x128xf32, #tpu.memory_space<hbm>>) target(%arg9 : memref<128x128xf32, #tpu.memory_space<vmem>>) offsets(%dma_start3A_73 : memref<128xi32, #tpu.memory_space<vmem>>) semaphore(%arg12 : memref<!tpu.dma_semaphore, #tpu.memory_space<semaphore_mem>>)
        } else {
        }
        %dma_wait3A_63 = arith.constant 0 : i32
        %dma_wait3A_64 = tpu.memref_slice %arg7[%add3A_47, %dma_wait3A_63] : memref<8x128xi32, #tpu.memory_space<vmem>> -> memref<1x128xi32, #tpu.memory_space<vmem>>
        %dma_wait3A_65 = tpu.memref_squeeze %dma_wait3A_64 : memref<1x128xi32, #tpu.memory_space<vmem>> -> memref<128xi32, #tpu.memory_space<vmem>>
        %dma_wait3A_66 = arith.constant 0 : i32
        %dma_wait3A_67 = arith.constant 0 : i32
        %dma_wait3A_68 = tpu.memref_slice %arg2[%dma_wait3A_66, %dma_wait3A_67] : memref<10000x128xf32, #tpu.memory_space<hbm>> -> memref<10000x128xf32, #tpu.memory_space<hbm>>
        tpu.wait_indirect_dma semaphore(%arg13 : memref<!tpu.dma_semaphore, #tpu.memory_space<semaphore_mem>>) src(%dma_wait3A_68 : memref<10000x128xf32, #tpu.memory_space<hbm>>) dst(%arg10 : memref<128x128xf32, #tpu.memory_space<vmem>>)
        "tpu.region"() ({
          %run_scoped3A = tpu.sem_alloc : memref<!tpu.dma_semaphore, #tpu.memory_space<semaphore_mem>>
          %dma_start3A_69 = arith.constant 0 : i32
          %dma_start3A_70 = tpu.memref_slice %arg8[%add3A_47, %dma_start3A_69] : memref<8x128xi32, #tpu.memory_space<vmem>> -> memref<1x128xi32, #tpu.memory_space<vmem>>
          %dma_start3A_71 = tpu.memref_squeeze %dma_start3A_70 : memref<1x128xi32, #tpu.memory_space<vmem>> -> memref<128xi32, #tpu.memory_space<vmem>>
          %dma_start3A_72 = arith.constant 0 : i32
          %dma_start3A_73 = arith.constant 0 : i32
          %dma_start3A_74 = tpu.memref_slice %arg11[%dma_start3A_72, %dma_start3A_73] : memref<10240x128xf32, #tpu.memory_space<vmem_shared>> -> memref<10240x128xf32, #tpu.memory_space<vmem_shared>>
          tpu.enqueue_indirect_dma source(%arg10 : memref<128x128xf32, #tpu.memory_space<vmem>>) target(%dma_start3A_74 : memref<10240x128xf32, #tpu.memory_space<vmem_shared>>) offsets(%dma_start3A_71 : memref<128xi32, #tpu.memory_space<vmem>>) semaphore(%run_scoped3A : memref<!tpu.dma_semaphore, #tpu.memory_space<semaphore_mem>>) {add = true}
          %dma_wait3A_75 = arith.constant 0 : i32
          %dma_wait3A_76 = tpu.memref_slice %arg8[%add3A_47, %dma_wait3A_75] : memref<8x128xi32, #tpu.memory_space<vmem>> -> memref<1x128xi32, #tpu.memory_space<vmem>>
          %dma_wait3A_77 = tpu.memref_squeeze %dma_wait3A_76 : memref<1x128xi32, #tpu.memory_space<vmem>> -> memref<128xi32, #tpu.memory_space<vmem>>
          %dma_wait3A_78 = arith.constant 0 : i32
          %dma_wait3A_79 = arith.constant 0 : i32
          %dma_wait3A_80 = tpu.memref_slice %arg11[%dma_wait3A_78, %dma_wait3A_79] : memref<10240x128xf32, #tpu.memory_space<vmem_shared>> -> memref<10240x128xf32, #tpu.memory_space<vmem_shared>>
          tpu.wait_indirect_dma semaphore(%run_scoped3A : memref<!tpu.dma_semaphore, #tpu.memory_space<semaphore_mem>>) src(%arg10 : memref<128x128xf32, #tpu.memory_space<vmem>>) dst(%dma_wait3A_80 : memref<10240x128xf32, #tpu.memory_space<vmem_shared>>)
          tpu.yield
        }) : () -> ()
      }
      %scan3A_42 = arith.constant 4 : i32
    }
    %while3A_20 = arith.constant 1 : i32
    scf.for %while3A_28 = %while3A_18 to %while3A_14 step %while3A_20  : i32 {
      %add3A_29 = arith.addi %add3A, %while3A_28 : i32
      "tpu.region"() ({
        %run_scoped3A = tpu.sem_alloc : memref<!tpu.dma_semaphore, #tpu.memory_space<semaphore_mem>>
        %dma_start3A_43 = arith.constant 0 : i32
        %dma_start3A_44 = arith.constant 0 : i32
        %dma_start3A_45 = tpu.memref_slice %arg3[%add3A_29, %dma_start3A_43, %dma_start3A_44] : memref<320x8x128xi32, #tpu.memory_space<hbm>> -> memref<1x8x128xi32, #tpu.memory_space<hbm>>
        %dma_start3A_46 = tpu.memref_squeeze %dma_start3A_45 : memref<1x8x128xi32, #tpu.memory_space<hbm>> -> memref<8x128xi32, #tpu.memory_space<hbm>>
        %dma_start3A_47 = arith.constant 0 : i32
        %dma_start3A_48 = arith.constant 0 : i32
        %dma_start3A_49 = tpu.memref_slice %arg3[%add3A_29, %dma_start3A_47, %dma_start3A_48] : memref<320x8x128xi32, #tpu.memory_space<hbm>> -> memref<1x8x128xi32, #tpu.memory_space<hbm>>
        %dma_start3A_50 = tpu.memref_squeeze %dma_start3A_49 : memref<1x8x128xi32, #tpu.memory_space<hbm>> -> memref<8x128xi32, #tpu.memory_space<hbm>>
        tpu.enqueue_dma source(%dma_start3A_50 : memref<8x128xi32, #tpu.memory_space<hbm>>) target(%arg7 : memref<8x128xi32, #tpu.memory_space<vmem>>) target_semaphore(%run_scoped3A : memref<!tpu.dma_semaphore, #tpu.memory_space<semaphore_mem>>)
        %dma_wait3A = arith.constant 0 : i32
        %dma_wait3A_51 = arith.constant 0 : i32
        %dma_wait3A_52 = tpu.memref_slice %arg3[%add3A_29, %dma_wait3A, %dma_wait3A_51] : memref<320x8x128xi32, #tpu.memory_space<hbm>> -> memref<1x8x128xi32, #tpu.memory_space<hbm>>
        %dma_wait3A_53 = tpu.memref_squeeze %dma_wait3A_52 : memref<1x8x128xi32, #tpu.memory_space<hbm>> -> memref<8x128xi32, #tpu.memory_space<hbm>>
        %dma_wait3A_54 = arith.constant 0 : i32
        %dma_wait3A_55 = arith.constant 0 : i32
        %dma_wait3A_56 = tpu.memref_slice %arg3[%add3A_29, %dma_wait3A_54, %dma_wait3A_55] : memref<320x8x128xi32, #tpu.memory_space<hbm>> -> memref<1x8x128xi32, #tpu.memory_space<hbm>>
        %dma_wait3A_57 = tpu.memref_squeeze %dma_wait3A_56 : memref<1x8x128xi32, #tpu.memory_space<hbm>> -> memref<8x128xi32, #tpu.memory_space<hbm>>
        tpu.wait_dma2 semaphore(%run_scoped3A : memref<!tpu.dma_semaphore, #tpu.memory_space<semaphore_mem>>) src(%dma_wait3A_57 : memref<8x128xi32, #tpu.memory_space<hbm>>) dst(%arg7 : memref<8x128xi32, #tpu.memory_space<vmem>>)
        tpu.yield
      }) : () -> ()
      %add3A_30 = arith.addi %add3A, %while3A_28 : i32
      "tpu.region"() ({
        %run_scoped3A = tpu.sem_alloc : memref<!tpu.dma_semaphore, #tpu.memory_space<semaphore_mem>>
        %dma_start3A_43 = arith.constant 0 : i32
        %dma_start3A_44 = arith.constant 0 : i32
        %dma_start3A_45 = tpu.memref_slice %arg4[%add3A_30, %dma_start3A_43, %dma_start3A_44] : memref<320x8x128xi32, #tpu.memory_space<hbm>> -> memref<1x8x128xi32, #tpu.memory_space<hbm>>
        %dma_start3A_46 = tpu.memref_squeeze %dma_start3A_45 : memref<1x8x128xi32, #tpu.memory_space<hbm>> -> memref<8x128xi32, #tpu.memory_space<hbm>>
        %dma_start3A_47 = arith.constant 0 : i32
        %dma_start3A_48 = arith.constant 0 : i32
        %dma_start3A_49 = tpu.memref_slice %arg4[%add3A_30, %dma_start3A_47, %dma_start3A_48] : memref<320x8x128xi32, #tpu.memory_space<hbm>> -> memref<1x8x128xi32, #tpu.memory_space<hbm>>
        %dma_start3A_50 = tpu.memref_squeeze %dma_start3A_49 : memref<1x8x128xi32, #tpu.memory_space<hbm>> -> memref<8x128xi32, #tpu.memory_space<hbm>>
        tpu.enqueue_dma source(%dma_start3A_50 : memref<8x128xi32, #tpu.memory_space<hbm>>) target(%arg8 : memref<8x128xi32, #tpu.memory_space<vmem>>) target_semaphore(%run_scoped3A : memref<!tpu.dma_semaphore, #tpu.memory_space<semaphore_mem>>)
        %dma_wait3A = arith.constant 0 : i32
        %dma_wait3A_51 = arith.constant 0 : i32
        %dma_wait3A_52 = tpu.memref_slice %arg4[%add3A_30, %dma_wait3A, %dma_wait3A_51] : memref<320x8x128xi32, #tpu.memory_space<hbm>> -> memref<1x8x128xi32, #tpu.memory_space<hbm>>
        %dma_wait3A_53 = tpu.memref_squeeze %dma_wait3A_52 : memref<1x8x128xi32, #tpu.memory_space<hbm>> -> memref<8x128xi32, #tpu.memory_space<hbm>>
        %dma_wait3A_54 = arith.constant 0 : i32
        %dma_wait3A_55 = arith.constant 0 : i32
        %dma_wait3A_56 = tpu.memref_slice %arg4[%add3A_30, %dma_wait3A_54, %dma_wait3A_55] : memref<320x8x128xi32, #tpu.memory_space<hbm>> -> memref<1x8x128xi32, #tpu.memory_space<hbm>>
        %dma_wait3A_57 = tpu.memref_squeeze %dma_wait3A_56 : memref<1x8x128xi32, #tpu.memory_space<hbm>> -> memref<8x128xi32, #tpu.memory_space<hbm>>
        tpu.wait_dma2 semaphore(%run_scoped3A : memref<!tpu.dma_semaphore, #tpu.memory_space<semaphore_mem>>) src(%dma_wait3A_57 : memref<8x128xi32, #tpu.memory_space<hbm>>) dst(%arg8 : memref<8x128xi32, #tpu.memory_space<vmem>>)
        tpu.yield
      }) : () -> ()
      %dma_start3A = arith.constant 0 : i32
      %dma_start3A_31 = arith.constant 0 : i32
      %dma_start3A_32 = tpu.memref_slice %arg7[%dma_start3A, %dma_start3A_31] : memref<8x128xi32, #tpu.memory_space<vmem>> -> memref<1x128xi32, #tpu.memory_space<vmem>>
      %dma_start3A_33 = tpu.memref_squeeze %dma_start3A_32 : memref<1x128xi32, #tpu.memory_space<vmem>> -> memref<128xi32, #tpu.memory_space<vmem>>
      %dma_start3A_34 = arith.constant 0 : i32
      %dma_start3A_35 = arith.constant 0 : i32
      %dma_start3A_36 = tpu.memref_slice %arg2[%dma_start3A_34, %dma_start3A_35] : memref<10000x128xf32, #tpu.memory_space<hbm>> -> memref<10000x128xf32, #tpu.memory_space<hbm>>
      tpu.enqueue_indirect_dma source(%dma_start3A_36 : memref<10000x128xf32, #tpu.memory_space<hbm>>) target(%arg9 : memref<128x128xf32, #tpu.memory_space<vmem>>) offsets(%dma_start3A_33 : memref<128xi32, #tpu.memory_space<vmem>>) semaphore(%arg12 : memref<!tpu.dma_semaphore, #tpu.memory_space<semaphore_mem>>)
      %scan3A_37 = arith.constant 0 : i32
      %scan3A_38 = arith.constant 0 : i32
      %scan3A_39 = arith.constant 4 : i32
      %scan3A_40 = arith.addi %scan3A_38, %scan3A_39 : i32
      %scan3A_41 = arith.constant 1 : i32
      scf.for %scan3A_43 = %scan3A_38 to %scan3A_40 step %scan3A_41  : i32 {
        %mul3A_44 = arith.constant 2 : i32
        %mul3A_45 = arith.muli %mul3A_44, %scan3A_43 : i32
        %add3A_46 = arith.constant 1 : i32
        %add3A_47 = arith.addi %mul3A_45, %add3A_46 : i32
        %dma_start3A_48 = arith.constant 0 : i32
        %dma_start3A_49 = tpu.memref_slice %arg7[%add3A_47, %dma_start3A_48] : memref<8x128xi32, #tpu.memory_space<vmem>> -> memref<1x128xi32, #tpu.memory_space<vmem>>
        %dma_start3A_50 = tpu.memref_squeeze %dma_start3A_49 : memref<1x128xi32, #tpu.memory_space<vmem>> -> memref<128xi32, #tpu.memory_space<vmem>>
        %dma_start3A_51 = arith.constant 0 : i32
        %dma_start3A_52 = arith.constant 0 : i32
        %dma_start3A_53 = tpu.memref_slice %arg2[%dma_start3A_51, %dma_start3A_52] : memref<10000x128xf32, #tpu.memory_space<hbm>> -> memref<10000x128xf32, #tpu.memory_space<hbm>>
        tpu.enqueue_indirect_dma source(%dma_start3A_53 : memref<10000x128xf32, #tpu.memory_space<hbm>>) target(%arg10 : memref<128x128xf32, #tpu.memory_space<vmem>>) offsets(%dma_start3A_50 : memref<128xi32, #tpu.memory_space<vmem>>) semaphore(%arg13 : memref<!tpu.dma_semaphore, #tpu.memory_space<semaphore_mem>>)
        %dma_wait3A = arith.constant 0 : i32
        %dma_wait3A_54 = tpu.memref_slice %arg7[%mul3A_45, %dma_wait3A] : memref<8x128xi32, #tpu.memory_space<vmem>> -> memref<1x128xi32, #tpu.memory_space<vmem>>
        %dma_wait3A_55 = tpu.memref_squeeze %dma_wait3A_54 : memref<1x128xi32, #tpu.memory_space<vmem>> -> memref<128xi32, #tpu.memory_space<vmem>>
        %dma_wait3A_56 = arith.constant 0 : i32
        %dma_wait3A_57 = arith.constant 0 : i32
        %dma_wait3A_58 = tpu.memref_slice %arg2[%dma_wait3A_56, %dma_wait3A_57] : memref<10000x128xf32, #tpu.memory_space<hbm>> -> memref<10000x128xf32, #tpu.memory_space<hbm>>
        tpu.wait_indirect_dma semaphore(%arg12 : memref<!tpu.dma_semaphore, #tpu.memory_space<semaphore_mem>>) src(%dma_wait3A_58 : memref<10000x128xf32, #tpu.memory_space<hbm>>) dst(%arg9 : memref<128x128xf32, #tpu.memory_space<vmem>>)
        "tpu.region"() ({
          %run_scoped3A = tpu.sem_alloc : memref<!tpu.dma_semaphore, #tpu.memory_space<semaphore_mem>>
          %dma_start3A_69 = arith.constant 0 : i32
          %dma_start3A_70 = tpu.memref_slice %arg8[%mul3A_45, %dma_start3A_69] : memref<8x128xi32, #tpu.memory_space<vmem>> -> memref<1x128xi32, #tpu.memory_space<vmem>>
          %dma_start3A_71 = tpu.memref_squeeze %dma_start3A_70 : memref<1x128xi32, #tpu.memory_space<vmem>> -> memref<128xi32, #tpu.memory_space<vmem>>
          %dma_start3A_72 = arith.constant 0 : i32
          %dma_start3A_73 = arith.constant 0 : i32
          %dma_start3A_74 = tpu.memref_slice %arg11[%dma_start3A_72, %dma_start3A_73] : memref<10240x128xf32, #tpu.memory_space<vmem_shared>> -> memref<10240x128xf32, #tpu.memory_space<vmem_shared>>
          tpu.enqueue_indirect_dma source(%arg9 : memref<128x128xf32, #tpu.memory_space<vmem>>) target(%dma_start3A_74 : memref<10240x128xf32, #tpu.memory_space<vmem_shared>>) offsets(%dma_start3A_71 : memref<128xi32, #tpu.memory_space<vmem>>) semaphore(%run_scoped3A : memref<!tpu.dma_semaphore, #tpu.memory_space<semaphore_mem>>) {add = true}
          %dma_wait3A_75 = arith.constant 0 : i32
          %dma_wait3A_76 = tpu.memref_slice %arg8[%mul3A_45, %dma_wait3A_75] : memref<8x128xi32, #tpu.memory_space<vmem>> -> memref<1x128xi32, #tpu.memory_space<vmem>>
          %dma_wait3A_77 = tpu.memref_squeeze %dma_wait3A_76 : memref<1x128xi32, #tpu.memory_space<vmem>> -> memref<128xi32, #tpu.memory_space<vmem>>
          %dma_wait3A_78 = arith.constant 0 : i32
          %dma_wait3A_79 = arith.constant 0 : i32
          %dma_wait3A_80 = tpu.memref_slice %arg11[%dma_wait3A_78, %dma_wait3A_79] : memref<10240x128xf32, #tpu.memory_space<vmem_shared>> -> memref<10240x128xf32, #tpu.memory_space<vmem_shared>>
          tpu.wait_indirect_dma semaphore(%run_scoped3A : memref<!tpu.dma_semaphore, #tpu.memory_space<semaphore_mem>>) src(%arg9 : memref<128x128xf32, #tpu.memory_space<vmem>>) dst(%dma_wait3A_80 : memref<10240x128xf32, #tpu.memory_space<vmem_shared>>)
          tpu.yield
        }) : () -> ()
        %add3A_59 = arith.constant 1 : i32
        %add3A_60 = arith.addi %add3A_47, %add3A_59 : i32
        %lt3A = arith.constant 8 : i32
        %lt3A_61 = arith.cmpi slt, %add3A_60, %lt3A : i32
        %convert_element_type3A = arith.extui %lt3A_61 : i1 to i32
        %cond3A = arith.constant 0 : i32
        %cond3A_62 = arith.cmpi ne, %convert_element_type3A, %cond3A : i32
        scf.if %cond3A_62 {
          %add3A_69 = arith.constant 1 : i32
          %add3A_70 = arith.addi %add3A_47, %add3A_69 : i32
          %dma_start3A_71 = arith.constant 0 : i32
          %dma_start3A_72 = tpu.memref_slice %arg7[%add3A_70, %dma_start3A_71] : memref<8x128xi32, #tpu.memory_space<vmem>> -> memref<1x128xi32, #tpu.memory_space<vmem>>
          %dma_start3A_73 = tpu.memref_squeeze %dma_start3A_72 : memref<1x128xi32, #tpu.memory_space<vmem>> -> memref<128xi32, #tpu.memory_space<vmem>>
          %dma_start3A_74 = arith.constant 0 : i32
          %dma_start3A_75 = arith.constant 0 : i32
          %dma_start3A_76 = tpu.memref_slice %arg2[%dma_start3A_74, %dma_start3A_75] : memref<10000x128xf32, #tpu.memory_space<hbm>> -> memref<10000x128xf32, #tpu.memory_space<hbm>>
          tpu.enqueue_indirect_dma source(%dma_start3A_76 : memref<10000x128xf32, #tpu.memory_space<hbm>>) target(%arg9 : memref<128x128xf32, #tpu.memory_space<vmem>>) offsets(%dma_start3A_73 : memref<128xi32, #tpu.memory_space<vmem>>) semaphore(%arg12 : memref<!tpu.dma_semaphore, #tpu.memory_space<semaphore_mem>>)
        } else {
        }
        %dma_wait3A_63 = arith.constant 0 : i32
        %dma_wait3A_64 = tpu.memref_slice %arg7[%add3A_47, %dma_wait3A_63] : memref<8x128xi32, #tpu.memory_space<vmem>> -> memref<1x128xi32, #tpu.memory_space<vmem>>
        %dma_wait3A_65 = tpu.memref_squeeze %dma_wait3A_64 : memref<1x128xi32, #tpu.memory_space<vmem>> -> memref<128xi32, #tpu.memory_space<vmem>>
        %dma_wait3A_66 = arith.constant 0 : i32
        %dma_wait3A_67 = arith.constant 0 : i32
        %dma_wait3A_68 = tpu.memref_slice %arg2[%dma_wait3A_66, %dma_wait3A_67] : memref<10000x128xf32, #tpu.memory_space<hbm>> -> memref<10000x128xf32, #tpu.memory_space<hbm>>
        tpu.wait_indirect_dma semaphore(%arg13 : memref<!tpu.dma_semaphore, #tpu.memory_space<semaphore_mem>>) src(%dma_wait3A_68 : memref<10000x128xf32, #tpu.memory_space<hbm>>) dst(%arg10 : memref<128x128xf32, #tpu.memory_space<vmem>>)
        "tpu.region"() ({
          %run_scoped3A = tpu.sem_alloc : memref<!tpu.dma_semaphore, #tpu.memory_space<semaphore_mem>>
          %dma_start3A_69 = arith.constant 0 : i32
          %dma_start3A_70 = tpu.memref_slice %arg8[%add3A_47, %dma_start3A_69] : memref<8x128xi32, #tpu.memory_space<vmem>> -> memref<1x128xi32, #tpu.memory_space<vmem>>
          %dma_start3A_71 = tpu.memref_squeeze %dma_start3A_70 : memref<1x128xi32, #tpu.memory_space<vmem>> -> memref<128xi32, #tpu.memory_space<vmem>>
          %dma_start3A_72 = arith.constant 0 : i32
          %dma_start3A_73 = arith.constant 0 : i32
          %dma_start3A_74 = tpu.memref_slice %arg11[%dma_start3A_72, %dma_start3A_73] : memref<10240x128xf32, #tpu.memory_space<vmem_shared>> -> memref<10240x128xf32, #tpu.memory_space<vmem_shared>>
          tpu.enqueue_indirect_dma source(%arg10 : memref<128x128xf32, #tpu.memory_space<vmem>>) target(%dma_start3A_74 : memref<10240x128xf32, #tpu.memory_space<vmem_shared>>) offsets(%dma_start3A_71 : memref<128xi32, #tpu.memory_space<vmem>>) semaphore(%run_scoped3A : memref<!tpu.dma_semaphore, #tpu.memory_space<semaphore_mem>>) {add = true}
          %dma_wait3A_75 = arith.constant 0 : i32
          %dma_wait3A_76 = tpu.memref_slice %arg8[%add3A_47, %dma_wait3A_75] : memref<8x128xi32, #tpu.memory_space<vmem>> -> memref<1x128xi32, #tpu.memory_space<vmem>>
          %dma_wait3A_77 = tpu.memref_squeeze %dma_wait3A_76 : memref<1x128xi32, #tpu.memory_space<vmem>> -> memref<128xi32, #tpu.memory_space<vmem>>
          %dma_wait3A_78 = arith.constant 0 : i32
          %dma_wait3A_79 = arith.constant 0 : i32
          %dma_wait3A_80 = tpu.memref_slice %arg11[%dma_wait3A_78, %dma_wait3A_79] : memref<10240x128xf32, #tpu.memory_space<vmem_shared>> -> memref<10240x128xf32, #tpu.memory_space<vmem_shared>>
          tpu.wait_indirect_dma semaphore(%run_scoped3A : memref<!tpu.dma_semaphore, #tpu.memory_space<semaphore_mem>>) src(%arg10 : memref<128x128xf32, #tpu.memory_space<vmem>>) dst(%dma_wait3A_80 : memref<10240x128xf32, #tpu.memory_space<vmem_shared>>)
          tpu.yield
        }) : () -> ()
      }
      %scan3A_42 = arith.constant 4 : i32
    }
    %barrier3A_21 = arith.constant 0 : index
    tpu.barrier barrier_id(%barrier3A_21)
    %scan3A_22 = arith.constant 0 : i32
    %scan3A_23 = arith.constant 0 : i32
    %scan3A_24 = arith.constant 5 : i32
    %scan3A_25 = arith.addi %scan3A_23, %scan3A_24 : i32
    %scan3A_26 = arith.constant 1 : i32
    scf.for %scan3A_28 = %scan3A_23 to %scan3A_25 step %scan3A_26  : i32 {
      %mul3A_29 = arith.constant 128 : i32
      %mul3A_30 = arith.muli %scan3A_28, %mul3A_29 : i32
      %add3A_31 = arith.addi %mul3A_6, %mul3A_30 : i32
      %mul3A_32 = arith.constant 128 : i32
      %mul3A_33 = arith.muli %scan3A_28, %mul3A_32 : i32
      %add3A_34 = arith.addi %mul3A_6, %mul3A_33 : i32
      "tpu.region"() ({
        %run_scoped3A = tpu.sem_alloc : memref<!tpu.dma_semaphore, #tpu.memory_space<semaphore_mem>>
        %dma_start3A = arith.constant 0 : i32
        %dma_start3A_35 = tpu.memref_slice %arg6[%arg0, %add3A_34, %dma_start3A] : memref<2x10240x128xf32, #tpu.memory_space<hbm>> -> memref<1x128x128xf32, #tpu.memory_space<hbm>>
        %dma_start3A_36 = tpu.memref_squeeze %dma_start3A_35 : memref<1x128x128xf32, #tpu.memory_space<hbm>> -> memref<128x128xf32, #tpu.memory_space<hbm>>
        %dma_start3A_37 = arith.constant 0 : i32
        %dma_start3A_38 = tpu.memref_slice %arg11[%add3A_31, %dma_start3A_37] : memref<10240x128xf32, #tpu.memory_space<vmem_shared>> -> memref<128x128xf32, #tpu.memory_space<vmem_shared>>
        tpu.enqueue_dma source(%dma_start3A_38 : memref<128x128xf32, #tpu.memory_space<vmem_shared>>) target(%dma_start3A_36 : memref<128x128xf32, #tpu.memory_space<hbm>>) target_semaphore(%run_scoped3A : memref<!tpu.dma_semaphore, #tpu.memory_space<semaphore_mem>>)
        %dma_wait3A = arith.constant 0 : i32
        %dma_wait3A_39 = tpu.memref_slice %arg6[%arg0, %add3A_34, %dma_wait3A] : memref<2x10240x128xf32, #tpu.memory_space<hbm>> -> memref<1x128x128xf32, #tpu.memory_space<hbm>>
        %dma_wait3A_40 = tpu.memref_squeeze %dma_wait3A_39 : memref<1x128x128xf32, #tpu.memory_space<hbm>> -> memref<128x128xf32, #tpu.memory_space<hbm>>
        %dma_wait3A_41 = arith.constant 0 : i32
        %dma_wait3A_42 = tpu.memref_slice %arg11[%add3A_31, %dma_wait3A_41] : memref<10240x128xf32, #tpu.memory_space<vmem_shared>> -> memref<128x128xf32, #tpu.memory_space<vmem_shared>>
        tpu.wait_dma2 semaphore(%run_scoped3A : memref<!tpu.dma_semaphore, #tpu.memory_space<semaphore_mem>>) src(%dma_wait3A_42 : memref<128x128xf32, #tpu.memory_space<vmem_shared>>) dst(%dma_wait3A_40 : memref<128x128xf32, #tpu.memory_space<hbm>>)
        tpu.yield
      }) : () -> ()
    }
    %scan3A_27 = arith.constant 5 : i32
    return
  }
}

#map = affine_map<(d0, d1) -> (0, 0)>
#map1 = affine_map<(d0, d1) -> (0, 0, 0)>
module attributes {stable_mosaic.version = 14 : i64} {
  func.func @_scatter_body(%arg0: i32, %arg1: i32, %arg2: memref<10000x128xf32, #tpu.memory_space<hbm>>, %arg3: memref<320x8x128xi32, #tpu.memory_space<hbm>>, %arg4: memref<320x8x128xi32, #tpu.memory_space<hbm>>, %arg5: memref<128x128xf32, #tpu.memory_space<hbm>>, %arg6: memref<2x10240x128xf32, #tpu.memory_space<hbm>>, %arg7: memref<8x128xi32, #tpu.memory_space<vmem>>, %arg8: memref<8x128xi32, #tpu.memory_space<vmem>>, %arg9: memref<128x128xf32, #tpu.memory_space<vmem>>, %arg10: memref<128x128xf32, #tpu.memory_space<vmem>>, %arg11: memref<10240x128xf32, #tpu.memory_space<vmem_shared>>, %arg12: memref<!tpu.dma_semaphore, #tpu.memory_space<semaphore_mem>>, %arg13: memref<!tpu.dma_semaphore, #tpu.memory_space<semaphore_mem>>) attributes {dimension_semantics = [#tpu.dimension_semantics<core_parallel>, #tpu.dimension_semantics<subcore_parallel>], iteration_bounds = array<i64: 2, 16>, scalar_prefetch = 0 : i64, scratch_operands = 7 : i64, tpu.core_type = #tpu.core_type<sc_vector_subcore>, window_params = [{transform_indices = #map}, {transform_indices = #map1}, {transform_indices = #map1}, {transform_indices = #map}, {transform_indices = #map1}]} {
    %eq3A = arith.constant 0 : i32
    %eq3A_0 = arith.cmpi eq, %arg0, %eq3A : i32
    %jit3A = arith.constant 15 : i32
    %jit3A_1 = arith.constant 5 : i32
    %select_n3A = arith.select %eq3A_0, %jit3A, %jit3A_1 : i32
    %mul3A = arith.constant 20 : i32
    %mul3A_2 = arith.muli %arg1, %mul3A : i32
    %mul3A_3 = arith.constant 15 : i32
    %mul3A_4 = arith.muli %arg0, %mul3A_3 : i32
    %add3A = arith.addi %mul3A_2, %mul3A_4 : i32
    "tpu.region"() ({
      %run_scoped3A = tpu.sem_alloc : memref<!tpu.dma_semaphore, #tpu.memory_space<semaphore_mem>>
      tpu.enqueue_dma source(%arg5 : memref<128x128xf32, #tpu.memory_space<hbm>>) target(%arg9 : memref<128x128xf32, #tpu.memory_space<vmem>>) target_semaphore(%run_scoped3A : memref<!tpu.dma_semaphore, #tpu.memory_space<semaphore_mem>>)
      tpu.wait_dma2 semaphore(%run_scoped3A : memref<!tpu.dma_semaphore, #tpu.memory_space<semaphore_mem>>) src(%arg5 : memref<128x128xf32, #tpu.memory_space<hbm>>) dst(%arg9 : memref<128x128xf32, #tpu.memory_space<vmem>>)
      tpu.yield
    }) : () -> ()
    %mul3A_5 = arith.constant 640 : i32
    %mul3A_6 = arith.muli %arg1, %mul3A_5 : i32
    %scan3A = arith.constant 0 : i32
    %scan3A_7 = arith.constant 0 : i32
    %scan3A_8 = arith.constant 5 : i32
    %scan3A_9 = arith.addi %scan3A_7, %scan3A_8 : i32
    %scan3A_10 = arith.constant 1 : i32
    scf.for %scan3A_28 = %scan3A_7 to %scan3A_9 step %scan3A_10  : i32 {
      %mul3A_29 = arith.constant 128 : i32
      %mul3A_30 = arith.muli %scan3A_28, %mul3A_29 : i32
      %add3A_31 = arith.addi %mul3A_6, %mul3A_30 : i32
      "tpu.region"() ({
        %run_scoped3A = tpu.sem_alloc : memref<!tpu.dma_semaphore, #tpu.memory_space<semaphore_mem>>
        %dma_start3A = arith.constant 0 : i32
        %dma_start3A_32 = tpu.memref_slice %arg11[%add3A_31, %dma_start3A] : memref<10240x128xf32, #tpu.memory_space<vmem_shared>> -> memref<128x128xf32, #tpu.memory_space<vmem_shared>>
        %dma_start3A_33 = arith.constant 0 : i32
        %dma_start3A_34 = tpu.memref_slice %arg11[%add3A_31, %dma_start3A_33] : memref<10240x128xf32, #tpu.memory_space<vmem_shared>> -> memref<128x128xf32, #tpu.memory_space<vmem_shared>>
        tpu.enqueue_dma source(%arg9 : memref<128x128xf32, #tpu.memory_space<vmem>>) target(%dma_start3A_34 : memref<128x128xf32, #tpu.memory_space<vmem_shared>>) target_semaphore(%run_scoped3A : memref<!tpu.dma_semaphore, #tpu.memory_space<semaphore_mem>>)
        %dma_wait3A = arith.constant 0 : i32
        %dma_wait3A_35 = tpu.memref_slice %arg11[%add3A_31, %dma_wait3A] : memref<10240x128xf32, #tpu.memory_space<vmem_shared>> -> memref<128x128xf32, #tpu.memory_space<vmem_shared>>
        %dma_wait3A_36 = arith.constant 0 : i32
        %dma_wait3A_37 = tpu.memref_slice %arg11[%add3A_31, %dma_wait3A_36] : memref<10240x128xf32, #tpu.memory_space<vmem_shared>> -> memref<128x128xf32, #tpu.memory_space<vmem_shared>>
        tpu.wait_dma2 semaphore(%run_scoped3A : memref<!tpu.dma_semaphore, #tpu.memory_space<semaphore_mem>>) src(%arg9 : memref<128x128xf32, #tpu.memory_space<vmem>>) dst(%dma_wait3A_37 : memref<128x128xf32, #tpu.memory_space<vmem_shared>>)
        tpu.yield
      }) : () -> ()
    }
    %scan3A_11 = arith.constant 5 : i32
    %barrier3A = arith.constant 0 : index
    tpu.barrier barrier_id(%barrier3A)
    %while3A = arith.constant 0 : i32
    %while3A_12 = arith.constant 0 : i32
    %while3A_13 = arith.subi %select_n3A, %while3A_12 : i32
    %while3A_14 = arith.addi %while3A_12, %while3A_13 : i32
    %while3A_15 = arith.constant 1 : i32
    %while3A_16 = arith.divsi %while3A_13, %while3A_15 : i32
    %while3A_17 = arith.muli %while3A_16, %while3A_15 : i32
    %while3A_18 = arith.addi %while3A_12, %while3A_17 : i32
    %while3A_19 = arith.constant 1 : i32
    scf.for %while3A_28 = %while3A_12 to %while3A_18 step %while3A_19  : i32 {
      %add3A_29 = arith.addi %add3A, %while3A_28 : i32
      "tpu.region"() ({
        %run_scoped3A = tpu.sem_alloc : memref<!tpu.dma_semaphore, #tpu.memory_space<semaphore_mem>>
        %dma_start3A_43 = arith.constant 0 : i32
        %dma_start3A_44 = arith.constant 0 : i32
        %dma_start3A_45 = tpu.memref_slice %arg3[%add3A_29, %dma_start3A_43, %dma_start3A_44] : memref<320x8x128xi32, #tpu.memory_space<hbm>> -> memref<1x8x128xi32, #tpu.memory_space<hbm>>
        %dma_start3A_46 = tpu.memref_squeeze %dma_start3A_45 : memref<1x8x128xi32, #tpu.memory_space<hbm>> -> memref<8x128xi32, #tpu.memory_space<hbm>>
        %dma_start3A_47 = arith.constant 0 : i32
        %dma_start3A_48 = arith.constant 0 : i32
        %dma_start3A_49 = tpu.memref_slice %arg3[%add3A_29, %dma_start3A_47, %dma_start3A_48] : memref<320x8x128xi32, #tpu.memory_space<hbm>> -> memref<1x8x128xi32, #tpu.memory_space<hbm>>
        %dma_start3A_50 = tpu.memref_squeeze %dma_start3A_49 : memref<1x8x128xi32, #tpu.memory_space<hbm>> -> memref<8x128xi32, #tpu.memory_space<hbm>>
        tpu.enqueue_dma source(%dma_start3A_50 : memref<8x128xi32, #tpu.memory_space<hbm>>) target(%arg7 : memref<8x128xi32, #tpu.memory_space<vmem>>) target_semaphore(%run_scoped3A : memref<!tpu.dma_semaphore, #tpu.memory_space<semaphore_mem>>)
        %dma_wait3A = arith.constant 0 : i32
        %dma_wait3A_51 = arith.constant 0 : i32
        %dma_wait3A_52 = tpu.memref_slice %arg3[%add3A_29, %dma_wait3A, %dma_wait3A_51] : memref<320x8x128xi32, #tpu.memory_space<hbm>> -> memref<1x8x128xi32, #tpu.memory_space<hbm>>
        %dma_wait3A_53 = tpu.memref_squeeze %dma_wait3A_52 : memref<1x8x128xi32, #tpu.memory_space<hbm>> -> memref<8x128xi32, #tpu.memory_space<hbm>>
        %dma_wait3A_54 = arith.constant 0 : i32
        %dma_wait3A_55 = arith.constant 0 : i32
        %dma_wait3A_56 = tpu.memref_slice %arg3[%add3A_29, %dma_wait3A_54, %dma_wait3A_55] : memref<320x8x128xi32, #tpu.memory_space<hbm>> -> memref<1x8x128xi32, #tpu.memory_space<hbm>>
        %dma_wait3A_57 = tpu.memref_squeeze %dma_wait3A_56 : memref<1x8x128xi32, #tpu.memory_space<hbm>> -> memref<8x128xi32, #tpu.memory_space<hbm>>
        tpu.wait_dma2 semaphore(%run_scoped3A : memref<!tpu.dma_semaphore, #tpu.memory_space<semaphore_mem>>) src(%dma_wait3A_57 : memref<8x128xi32, #tpu.memory_space<hbm>>) dst(%arg7 : memref<8x128xi32, #tpu.memory_space<vmem>>)
        tpu.yield
      }) : () -> ()
      %add3A_30 = arith.addi %add3A, %while3A_28 : i32
      "tpu.region"() ({
        %run_scoped3A = tpu.sem_alloc : memref<!tpu.dma_semaphore, #tpu.memory_space<semaphore_mem>>
        %dma_start3A_43 = arith.constant 0 : i32
        %dma_start3A_44 = arith.constant 0 : i32
        %dma_start3A_45 = tpu.memref_slice %arg4[%add3A_30, %dma_start3A_43, %dma_start3A_44] : memref<320x8x128xi32, #tpu.memory_space<hbm>> -> memref<1x8x128xi32, #tpu.memory_space<hbm>>
        %dma_start3A_46 = tpu.memref_squeeze %dma_start3A_45 : memref<1x8x128xi32, #tpu.memory_space<hbm>> -> memref<8x128xi32, #tpu.memory_space<hbm>>
        %dma_start3A_47 = arith.constant 0 : i32
        %dma_start3A_48 = arith.constant 0 : i32
        %dma_start3A_49 = tpu.memref_slice %arg4[%add3A_30, %dma_start3A_47, %dma_start3A_48] : memref<320x8x128xi32, #tpu.memory_space<hbm>> -> memref<1x8x128xi32, #tpu.memory_space<hbm>>
        %dma_start3A_50 = tpu.memref_squeeze %dma_start3A_49 : memref<1x8x128xi32, #tpu.memory_space<hbm>> -> memref<8x128xi32, #tpu.memory_space<hbm>>
        tpu.enqueue_dma source(%dma_start3A_50 : memref<8x128xi32, #tpu.memory_space<hbm>>) target(%arg8 : memref<8x128xi32, #tpu.memory_space<vmem>>) target_semaphore(%run_scoped3A : memref<!tpu.dma_semaphore, #tpu.memory_space<semaphore_mem>>)
        %dma_wait3A = arith.constant 0 : i32
        %dma_wait3A_51 = arith.constant 0 : i32
        %dma_wait3A_52 = tpu.memref_slice %arg4[%add3A_30, %dma_wait3A, %dma_wait3A_51] : memref<320x8x128xi32, #tpu.memory_space<hbm>> -> memref<1x8x128xi32, #tpu.memory_space<hbm>>
        %dma_wait3A_53 = tpu.memref_squeeze %dma_wait3A_52 : memref<1x8x128xi32, #tpu.memory_space<hbm>> -> memref<8x128xi32, #tpu.memory_space<hbm>>
        %dma_wait3A_54 = arith.constant 0 : i32
        %dma_wait3A_55 = arith.constant 0 : i32
        %dma_wait3A_56 = tpu.memref_slice %arg4[%add3A_30, %dma_wait3A_54, %dma_wait3A_55] : memref<320x8x128xi32, #tpu.memory_space<hbm>> -> memref<1x8x128xi32, #tpu.memory_space<hbm>>
        %dma_wait3A_57 = tpu.memref_squeeze %dma_wait3A_56 : memref<1x8x128xi32, #tpu.memory_space<hbm>> -> memref<8x128xi32, #tpu.memory_space<hbm>>
        tpu.wait_dma2 semaphore(%run_scoped3A : memref<!tpu.dma_semaphore, #tpu.memory_space<semaphore_mem>>) src(%dma_wait3A_57 : memref<8x128xi32, #tpu.memory_space<hbm>>) dst(%arg8 : memref<8x128xi32, #tpu.memory_space<vmem>>)
        tpu.yield
      }) : () -> ()
      %dma_start3A = arith.constant 0 : i32
      %dma_start3A_31 = arith.constant 0 : i32
      %dma_start3A_32 = tpu.memref_slice %arg7[%dma_start3A, %dma_start3A_31] : memref<8x128xi32, #tpu.memory_space<vmem>> -> memref<1x128xi32, #tpu.memory_space<vmem>>
      %dma_start3A_33 = tpu.memref_squeeze %dma_start3A_32 : memref<1x128xi32, #tpu.memory_space<vmem>> -> memref<128xi32, #tpu.memory_space<vmem>>
      %dma_start3A_34 = arith.constant 0 : i32
      %dma_start3A_35 = arith.constant 0 : i32
      %dma_start3A_36 = tpu.memref_slice %arg2[%dma_start3A_34, %dma_start3A_35] : memref<10000x128xf32, #tpu.memory_space<hbm>> -> memref<10000x128xf32, #tpu.memory_space<hbm>>
      tpu.enqueue_indirect_dma source(%dma_start3A_36 : memref<10000x128xf32, #tpu.memory_space<hbm>>) target(%arg9 : memref<128x128xf32, #tpu.memory_space<vmem>>) offsets(%dma_start3A_33 : memref<128xi32, #tpu.memory_space<vmem>>) semaphore(%arg12 : memref<!tpu.dma_semaphore, #tpu.memory_space<semaphore_mem>>)
      %scan3A_37 = arith.constant 0 : i32
      %scan3A_38 = arith.constant 0 : i32
      %scan3A_39 = arith.constant 4 : i32
      %scan3A_40 = arith.addi %scan3A_38, %scan3A_39 : i32
      %scan3A_41 = arith.constant 1 : i32
      scf.for %scan3A_43 = %scan3A_38 to %scan3A_40 step %scan3A_41  : i32 {
        %mul3A_44 = arith.constant 2 : i32
        %mul3A_45 = arith.muli %mul3A_44, %scan3A_43 : i32
        %add3A_46 = arith.constant 1 : i32
        %add3A_47 = arith.addi %mul3A_45, %add3A_46 : i32
        %dma_start3A_48 = arith.constant 0 : i32
        %dma_start3A_49 = tpu.memref_slice %arg7[%add3A_47, %dma_start3A_48] : memref<8x128xi32, #tpu.memory_space<vmem>> -> memref<1x128xi32, #tpu.memory_space<vmem>>
        %dma_start3A_50 = tpu.memref_squeeze %dma_start3A_49 : memref<1x128xi32, #tpu.memory_space<vmem>> -> memref<128xi32, #tpu.memory_space<vmem>>
        %dma_start3A_51 = arith.constant 0 : i32
        %dma_start3A_52 = arith.constant 0 : i32
        %dma_start3A_53 = tpu.memref_slice %arg2[%dma_start3A_51, %dma_start3A_52] : memref<10000x128xf32, #tpu.memory_space<hbm>> -> memref<10000x128xf32, #tpu.memory_space<hbm>>
        tpu.enqueue_indirect_dma source(%dma_start3A_53 : memref<10000x128xf32, #tpu.memory_space<hbm>>) target(%arg10 : memref<128x128xf32, #tpu.memory_space<vmem>>) offsets(%dma_start3A_50 : memref<128xi32, #tpu.memory_space<vmem>>) semaphore(%arg13 : memref<!tpu.dma_semaphore, #tpu.memory_space<semaphore_mem>>)
        %dma_wait3A = arith.constant 0 : i32
        %dma_wait3A_54 = tpu.memref_slice %arg7[%mul3A_45, %dma_wait3A] : memref<8x128xi32, #tpu.memory_space<vmem>> -> memref<1x128xi32, #tpu.memory_space<vmem>>
        %dma_wait3A_55 = tpu.memref_squeeze %dma_wait3A_54 : memref<1x128xi32, #tpu.memory_space<vmem>> -> memref<128xi32, #tpu.memory_space<vmem>>
        %dma_wait3A_56 = arith.constant 0 : i32
        %dma_wait3A_57 = arith.constant 0 : i32
        %dma_wait3A_58 = tpu.memref_slice %arg2[%dma_wait3A_56, %dma_wait3A_57] : memref<10000x128xf32, #tpu.memory_space<hbm>> -> memref<10000x128xf32, #tpu.memory_space<hbm>>
        tpu.wait_indirect_dma semaphore(%arg12 : memref<!tpu.dma_semaphore, #tpu.memory_space<semaphore_mem>>) src(%dma_wait3A_58 : memref<10000x128xf32, #tpu.memory_space<hbm>>) dst(%arg9 : memref<128x128xf32, #tpu.memory_space<vmem>>)
        "tpu.region"() ({
          %run_scoped3A = tpu.sem_alloc : memref<!tpu.dma_semaphore, #tpu.memory_space<semaphore_mem>>
          %dma_start3A_69 = arith.constant 0 : i32
          %dma_start3A_70 = tpu.memref_slice %arg8[%mul3A_45, %dma_start3A_69] : memref<8x128xi32, #tpu.memory_space<vmem>> -> memref<1x128xi32, #tpu.memory_space<vmem>>
          %dma_start3A_71 = tpu.memref_squeeze %dma_start3A_70 : memref<1x128xi32, #tpu.memory_space<vmem>> -> memref<128xi32, #tpu.memory_space<vmem>>
          %dma_start3A_72 = arith.constant 0 : i32
          %dma_start3A_73 = arith.constant 0 : i32
          %dma_start3A_74 = tpu.memref_slice %arg11[%dma_start3A_72, %dma_start3A_73] : memref<10240x128xf32, #tpu.memory_space<vmem_shared>> -> memref<10240x128xf32, #tpu.memory_space<vmem_shared>>
          tpu.enqueue_indirect_dma source(%arg9 : memref<128x128xf32, #tpu.memory_space<vmem>>) target(%dma_start3A_74 : memref<10240x128xf32, #tpu.memory_space<vmem_shared>>) offsets(%dma_start3A_71 : memref<128xi32, #tpu.memory_space<vmem>>) semaphore(%run_scoped3A : memref<!tpu.dma_semaphore, #tpu.memory_space<semaphore_mem>>) {add = true}
          %dma_wait3A_75 = arith.constant 0 : i32
          %dma_wait3A_76 = tpu.memref_slice %arg8[%mul3A_45, %dma_wait3A_75] : memref<8x128xi32, #tpu.memory_space<vmem>> -> memref<1x128xi32, #tpu.memory_space<vmem>>
          %dma_wait3A_77 = tpu.memref_squeeze %dma_wait3A_76 : memref<1x128xi32, #tpu.memory_space<vmem>> -> memref<128xi32, #tpu.memory_space<vmem>>
          %dma_wait3A_78 = arith.constant 0 : i32
          %dma_wait3A_79 = arith.constant 0 : i32
          %dma_wait3A_80 = tpu.memref_slice %arg11[%dma_wait3A_78, %dma_wait3A_79] : memref<10240x128xf32, #tpu.memory_space<vmem_shared>> -> memref<10240x128xf32, #tpu.memory_space<vmem_shared>>
          tpu.wait_indirect_dma semaphore(%run_scoped3A : memref<!tpu.dma_semaphore, #tpu.memory_space<semaphore_mem>>) src(%arg9 : memref<128x128xf32, #tpu.memory_space<vmem>>) dst(%dma_wait3A_80 : memref<10240x128xf32, #tpu.memory_space<vmem_shared>>)
          tpu.yield
        }) : () -> ()
        %add3A_59 = arith.constant 1 : i32
        %add3A_60 = arith.addi %add3A_47, %add3A_59 : i32
        %lt3A = arith.constant 8 : i32
        %lt3A_61 = arith.cmpi slt, %add3A_60, %lt3A : i32
        %convert_element_type3A = arith.extui %lt3A_61 : i1 to i32
        %cond3A = arith.constant 0 : i32
        %cond3A_62 = arith.cmpi ne, %convert_element_type3A, %cond3A : i32
        scf.if %cond3A_62 {
          %add3A_69 = arith.constant 1 : i32
          %add3A_70 = arith.addi %add3A_47, %add3A_69 : i32
          %dma_start3A_71 = arith.constant 0 : i32
          %dma_start3A_72 = tpu.memref_slice %arg7[%add3A_70, %dma_start3A_71] : memref<8x128xi32, #tpu.memory_space<vmem>> -> memref<1x128xi32, #tpu.memory_space<vmem>>
          %dma_start3A_73 = tpu.memref_squeeze %dma_start3A_72 : memref<1x128xi32, #tpu.memory_space<vmem>> -> memref<128xi32, #tpu.memory_space<vmem>>
          %dma_start3A_74 = arith.constant 0 : i32
          %dma_start3A_75 = arith.constant 0 : i32
          %dma_start3A_76 = tpu.memref_slice %arg2[%dma_start3A_74, %dma_start3A_75] : memref<10000x128xf32, #tpu.memory_space<hbm>> -> memref<10000x128xf32, #tpu.memory_space<hbm>>
          tpu.enqueue_indirect_dma source(%dma_start3A_76 : memref<10000x128xf32, #tpu.memory_space<hbm>>) target(%arg9 : memref<128x128xf32, #tpu.memory_space<vmem>>) offsets(%dma_start3A_73 : memref<128xi32, #tpu.memory_space<vmem>>) semaphore(%arg12 : memref<!tpu.dma_semaphore, #tpu.memory_space<semaphore_mem>>)
        } else {
        }
        %dma_wait3A_63 = arith.constant 0 : i32
        %dma_wait3A_64 = tpu.memref_slice %arg7[%add3A_47, %dma_wait3A_63] : memref<8x128xi32, #tpu.memory_space<vmem>> -> memref<1x128xi32, #tpu.memory_space<vmem>>
        %dma_wait3A_65 = tpu.memref_squeeze %dma_wait3A_64 : memref<1x128xi32, #tpu.memory_space<vmem>> -> memref<128xi32, #tpu.memory_space<vmem>>
        %dma_wait3A_66 = arith.constant 0 : i32
        %dma_wait3A_67 = arith.constant 0 : i32
        %dma_wait3A_68 = tpu.memref_slice %arg2[%dma_wait3A_66, %dma_wait3A_67] : memref<10000x128xf32, #tpu.memory_space<hbm>> -> memref<10000x128xf32, #tpu.memory_space<hbm>>
        tpu.wait_indirect_dma semaphore(%arg13 : memref<!tpu.dma_semaphore, #tpu.memory_space<semaphore_mem>>) src(%dma_wait3A_68 : memref<10000x128xf32, #tpu.memory_space<hbm>>) dst(%arg10 : memref<128x128xf32, #tpu.memory_space<vmem>>)
        "tpu.region"() ({
          %run_scoped3A = tpu.sem_alloc : memref<!tpu.dma_semaphore, #tpu.memory_space<semaphore_mem>>
          %dma_start3A_69 = arith.constant 0 : i32
          %dma_start3A_70 = tpu.memref_slice %arg8[%add3A_47, %dma_start3A_69] : memref<8x128xi32, #tpu.memory_space<vmem>> -> memref<1x128xi32, #tpu.memory_space<vmem>>
          %dma_start3A_71 = tpu.memref_squeeze %dma_start3A_70 : memref<1x128xi32, #tpu.memory_space<vmem>> -> memref<128xi32, #tpu.memory_space<vmem>>
          %dma_start3A_72 = arith.constant 0 : i32
          %dma_start3A_73 = arith.constant 0 : i32
          %dma_start3A_74 = tpu.memref_slice %arg11[%dma_start3A_72, %dma_start3A_73] : memref<10240x128xf32, #tpu.memory_space<vmem_shared>> -> memref<10240x128xf32, #tpu.memory_space<vmem_shared>>
          tpu.enqueue_indirect_dma source(%arg10 : memref<128x128xf32, #tpu.memory_space<vmem>>) target(%dma_start3A_74 : memref<10240x128xf32, #tpu.memory_space<vmem_shared>>) offsets(%dma_start3A_71 : memref<128xi32, #tpu.memory_space<vmem>>) semaphore(%run_scoped3A : memref<!tpu.dma_semaphore, #tpu.memory_space<semaphore_mem>>) {add = true}
          %dma_wait3A_75 = arith.constant 0 : i32
          %dma_wait3A_76 = tpu.memref_slice %arg8[%add3A_47, %dma_wait3A_75] : memref<8x128xi32, #tpu.memory_space<vmem>> -> memref<1x128xi32, #tpu.memory_space<vmem>>
          %dma_wait3A_77 = tpu.memref_squeeze %dma_wait3A_76 : memref<1x128xi32, #tpu.memory_space<vmem>> -> memref<128xi32, #tpu.memory_space<vmem>>
          %dma_wait3A_78 = arith.constant 0 : i32
          %dma_wait3A_79 = arith.constant 0 : i32
          %dma_wait3A_80 = tpu.memref_slice %arg11[%dma_wait3A_78, %dma_wait3A_79] : memref<10240x128xf32, #tpu.memory_space<vmem_shared>> -> memref<10240x128xf32, #tpu.memory_space<vmem_shared>>
          tpu.wait_indirect_dma semaphore(%run_scoped3A : memref<!tpu.dma_semaphore, #tpu.memory_space<semaphore_mem>>) src(%arg10 : memref<128x128xf32, #tpu.memory_space<vmem>>) dst(%dma_wait3A_80 : memref<10240x128xf32, #tpu.memory_space<vmem_shared>>)
          tpu.yield
        }) : () -> ()
      }
      %scan3A_42 = arith.constant 4 : i32
    }
    %while3A_20 = arith.constant 1 : i32
    scf.for %while3A_28 = %while3A_18 to %while3A_14 step %while3A_20  : i32 {
      %add3A_29 = arith.addi %add3A, %while3A_28 : i32
      "tpu.region"() ({
        %run_scoped3A = tpu.sem_alloc : memref<!tpu.dma_semaphore, #tpu.memory_space<semaphore_mem>>
        %dma_start3A_43 = arith.constant 0 : i32
        %dma_start3A_44 = arith.constant 0 : i32
        %dma_start3A_45 = tpu.memref_slice %arg3[%add3A_29, %dma_start3A_43, %dma_start3A_44] : memref<320x8x128xi32, #tpu.memory_space<hbm>> -> memref<1x8x128xi32, #tpu.memory_space<hbm>>
        %dma_start3A_46 = tpu.memref_squeeze %dma_start3A_45 : memref<1x8x128xi32, #tpu.memory_space<hbm>> -> memref<8x128xi32, #tpu.memory_space<hbm>>
        %dma_start3A_47 = arith.constant 0 : i32
        %dma_start3A_48 = arith.constant 0 : i32
        %dma_start3A_49 = tpu.memref_slice %arg3[%add3A_29, %dma_start3A_47, %dma_start3A_48] : memref<320x8x128xi32, #tpu.memory_space<hbm>> -> memref<1x8x128xi32, #tpu.memory_space<hbm>>
        %dma_start3A_50 = tpu.memref_squeeze %dma_start3A_49 : memref<1x8x128xi32, #tpu.memory_space<hbm>> -> memref<8x128xi32, #tpu.memory_space<hbm>>
        tpu.enqueue_dma source(%dma_start3A_50 : memref<8x128xi32, #tpu.memory_space<hbm>>) target(%arg7 : memref<8x128xi32, #tpu.memory_space<vmem>>) target_semaphore(%run_scoped3A : memref<!tpu.dma_semaphore, #tpu.memory_space<semaphore_mem>>)
        %dma_wait3A = arith.constant 0 : i32
        %dma_wait3A_51 = arith.constant 0 : i32
        %dma_wait3A_52 = tpu.memref_slice %arg3[%add3A_29, %dma_wait3A, %dma_wait3A_51] : memref<320x8x128xi32, #tpu.memory_space<hbm>> -> memref<1x8x128xi32, #tpu.memory_space<hbm>>
        %dma_wait3A_53 = tpu.memref_squeeze %dma_wait3A_52 : memref<1x8x128xi32, #tpu.memory_space<hbm>> -> memref<8x128xi32, #tpu.memory_space<hbm>>
        %dma_wait3A_54 = arith.constant 0 : i32
        %dma_wait3A_55 = arith.constant 0 : i32
        %dma_wait3A_56 = tpu.memref_slice %arg3[%add3A_29, %dma_wait3A_54, %dma_wait3A_55] : memref<320x8x128xi32, #tpu.memory_space<hbm>> -> memref<1x8x128xi32, #tpu.memory_space<hbm>>
        %dma_wait3A_57 = tpu.memref_squeeze %dma_wait3A_56 : memref<1x8x128xi32, #tpu.memory_space<hbm>> -> memref<8x128xi32, #tpu.memory_space<hbm>>
        tpu.wait_dma2 semaphore(%run_scoped3A : memref<!tpu.dma_semaphore, #tpu.memory_space<semaphore_mem>>) src(%dma_wait3A_57 : memref<8x128xi32, #tpu.memory_space<hbm>>) dst(%arg7 : memref<8x128xi32, #tpu.memory_space<vmem>>)
        tpu.yield
      }) : () -> ()
      %add3A_30 = arith.addi %add3A, %while3A_28 : i32
      "tpu.region"() ({
        %run_scoped3A = tpu.sem_alloc : memref<!tpu.dma_semaphore, #tpu.memory_space<semaphore_mem>>
        %dma_start3A_43 = arith.constant 0 : i32
        %dma_start3A_44 = arith.constant 0 : i32
        %dma_start3A_45 = tpu.memref_slice %arg4[%add3A_30, %dma_start3A_43, %dma_start3A_44] : memref<320x8x128xi32, #tpu.memory_space<hbm>> -> memref<1x8x128xi32, #tpu.memory_space<hbm>>
        %dma_start3A_46 = tpu.memref_squeeze %dma_start3A_45 : memref<1x8x128xi32, #tpu.memory_space<hbm>> -> memref<8x128xi32, #tpu.memory_space<hbm>>
        %dma_start3A_47 = arith.constant 0 : i32
        %dma_start3A_48 = arith.constant 0 : i32
        %dma_start3A_49 = tpu.memref_slice %arg4[%add3A_30, %dma_start3A_47, %dma_start3A_48] : memref<320x8x128xi32, #tpu.memory_space<hbm>> -> memref<1x8x128xi32, #tpu.memory_space<hbm>>
        %dma_start3A_50 = tpu.memref_squeeze %dma_start3A_49 : memref<1x8x128xi32, #tpu.memory_space<hbm>> -> memref<8x128xi32, #tpu.memory_space<hbm>>
        tpu.enqueue_dma source(%dma_start3A_50 : memref<8x128xi32, #tpu.memory_space<hbm>>) target(%arg8 : memref<8x128xi32, #tpu.memory_space<vmem>>) target_semaphore(%run_scoped3A : memref<!tpu.dma_semaphore, #tpu.memory_space<semaphore_mem>>)
        %dma_wait3A = arith.constant 0 : i32
        %dma_wait3A_51 = arith.constant 0 : i32
        %dma_wait3A_52 = tpu.memref_slice %arg4[%add3A_30, %dma_wait3A, %dma_wait3A_51] : memref<320x8x128xi32, #tpu.memory_space<hbm>> -> memref<1x8x128xi32, #tpu.memory_space<hbm>>
        %dma_wait3A_53 = tpu.memref_squeeze %dma_wait3A_52 : memref<1x8x128xi32, #tpu.memory_space<hbm>> -> memref<8x128xi32, #tpu.memory_space<hbm>>
        %dma_wait3A_54 = arith.constant 0 : i32
        %dma_wait3A_55 = arith.constant 0 : i32
        %dma_wait3A_56 = tpu.memref_slice %arg4[%add3A_30, %dma_wait3A_54, %dma_wait3A_55] : memref<320x8x128xi32, #tpu.memory_space<hbm>> -> memref<1x8x128xi32, #tpu.memory_space<hbm>>
        %dma_wait3A_57 = tpu.memref_squeeze %dma_wait3A_56 : memref<1x8x128xi32, #tpu.memory_space<hbm>> -> memref<8x128xi32, #tpu.memory_space<hbm>>
        tpu.wait_dma2 semaphore(%run_scoped3A : memref<!tpu.dma_semaphore, #tpu.memory_space<semaphore_mem>>) src(%dma_wait3A_57 : memref<8x128xi32, #tpu.memory_space<hbm>>) dst(%arg8 : memref<8x128xi32, #tpu.memory_space<vmem>>)
        tpu.yield
      }) : () -> ()
      %dma_start3A = arith.constant 0 : i32
      %dma_start3A_31 = arith.constant 0 : i32
      %dma_start3A_32 = tpu.memref_slice %arg7[%dma_start3A, %dma_start3A_31] : memref<8x128xi32, #tpu.memory_space<vmem>> -> memref<1x128xi32, #tpu.memory_space<vmem>>
      %dma_start3A_33 = tpu.memref_squeeze %dma_start3A_32 : memref<1x128xi32, #tpu.memory_space<vmem>> -> memref<128xi32, #tpu.memory_space<vmem>>
      %dma_start3A_34 = arith.constant 0 : i32
      %dma_start3A_35 = arith.constant 0 : i32
      %dma_start3A_36 = tpu.memref_slice %arg2[%dma_start3A_34, %dma_start3A_35] : memref<10000x128xf32, #tpu.memory_space<hbm>> -> memref<10000x128xf32, #tpu.memory_space<hbm>>
      tpu.enqueue_indirect_dma source(%dma_start3A_36 : memref<10000x128xf32, #tpu.memory_space<hbm>>) target(%arg9 : memref<128x128xf32, #tpu.memory_space<vmem>>) offsets(%dma_start3A_33 : memref<128xi32, #tpu.memory_space<vmem>>) semaphore(%arg12 : memref<!tpu.dma_semaphore, #tpu.memory_space<semaphore_mem>>)
      %scan3A_37 = arith.constant 0 : i32
      %scan3A_38 = arith.constant 0 : i32
      %scan3A_39 = arith.constant 4 : i32
      %scan3A_40 = arith.addi %scan3A_38, %scan3A_39 : i32
      %scan3A_41 = arith.constant 1 : i32
      scf.for %scan3A_43 = %scan3A_38 to %scan3A_40 step %scan3A_41  : i32 {
        %mul3A_44 = arith.constant 2 : i32
        %mul3A_45 = arith.muli %mul3A_44, %scan3A_43 : i32
        %add3A_46 = arith.constant 1 : i32
        %add3A_47 = arith.addi %mul3A_45, %add3A_46 : i32
        %dma_start3A_48 = arith.constant 0 : i32
        %dma_start3A_49 = tpu.memref_slice %arg7[%add3A_47, %dma_start3A_48] : memref<8x128xi32, #tpu.memory_space<vmem>> -> memref<1x128xi32, #tpu.memory_space<vmem>>
        %dma_start3A_50 = tpu.memref_squeeze %dma_start3A_49 : memref<1x128xi32, #tpu.memory_space<vmem>> -> memref<128xi32, #tpu.memory_space<vmem>>
        %dma_start3A_51 = arith.constant 0 : i32
        %dma_start3A_52 = arith.constant 0 : i32
        %dma_start3A_53 = tpu.memref_slice %arg2[%dma_start3A_51, %dma_start3A_52] : memref<10000x128xf32, #tpu.memory_space<hbm>> -> memref<10000x128xf32, #tpu.memory_space<hbm>>
        tpu.enqueue_indirect_dma source(%dma_start3A_53 : memref<10000x128xf32, #tpu.memory_space<hbm>>) target(%arg10 : memref<128x128xf32, #tpu.memory_space<vmem>>) offsets(%dma_start3A_50 : memref<128xi32, #tpu.memory_space<vmem>>) semaphore(%arg13 : memref<!tpu.dma_semaphore, #tpu.memory_space<semaphore_mem>>)
        %dma_wait3A = arith.constant 0 : i32
        %dma_wait3A_54 = tpu.memref_slice %arg7[%mul3A_45, %dma_wait3A] : memref<8x128xi32, #tpu.memory_space<vmem>> -> memref<1x128xi32, #tpu.memory_space<vmem>>
        %dma_wait3A_55 = tpu.memref_squeeze %dma_wait3A_54 : memref<1x128xi32, #tpu.memory_space<vmem>> -> memref<128xi32, #tpu.memory_space<vmem>>
        %dma_wait3A_56 = arith.constant 0 : i32
        %dma_wait3A_57 = arith.constant 0 : i32
        %dma_wait3A_58 = tpu.memref_slice %arg2[%dma_wait3A_56, %dma_wait3A_57] : memref<10000x128xf32, #tpu.memory_space<hbm>> -> memref<10000x128xf32, #tpu.memory_space<hbm>>
        tpu.wait_indirect_dma semaphore(%arg12 : memref<!tpu.dma_semaphore, #tpu.memory_space<semaphore_mem>>) src(%dma_wait3A_58 : memref<10000x128xf32, #tpu.memory_space<hbm>>) dst(%arg9 : memref<128x128xf32, #tpu.memory_space<vmem>>)
        "tpu.region"() ({
          %run_scoped3A = tpu.sem_alloc : memref<!tpu.dma_semaphore, #tpu.memory_space<semaphore_mem>>
          %dma_start3A_69 = arith.constant 0 : i32
          %dma_start3A_70 = tpu.memref_slice %arg8[%mul3A_45, %dma_start3A_69] : memref<8x128xi32, #tpu.memory_space<vmem>> -> memref<1x128xi32, #tpu.memory_space<vmem>>
          %dma_start3A_71 = tpu.memref_squeeze %dma_start3A_70 : memref<1x128xi32, #tpu.memory_space<vmem>> -> memref<128xi32, #tpu.memory_space<vmem>>
          %dma_start3A_72 = arith.constant 0 : i32
          %dma_start3A_73 = arith.constant 0 : i32
          %dma_start3A_74 = tpu.memref_slice %arg11[%dma_start3A_72, %dma_start3A_73] : memref<10240x128xf32, #tpu.memory_space<vmem_shared>> -> memref<10240x128xf32, #tpu.memory_space<vmem_shared>>
          tpu.enqueue_indirect_dma source(%arg9 : memref<128x128xf32, #tpu.memory_space<vmem>>) target(%dma_start3A_74 : memref<10240x128xf32, #tpu.memory_space<vmem_shared>>) offsets(%dma_start3A_71 : memref<128xi32, #tpu.memory_space<vmem>>) semaphore(%run_scoped3A : memref<!tpu.dma_semaphore, #tpu.memory_space<semaphore_mem>>) {add = true}
          %dma_wait3A_75 = arith.constant 0 : i32
          %dma_wait3A_76 = tpu.memref_slice %arg8[%mul3A_45, %dma_wait3A_75] : memref<8x128xi32, #tpu.memory_space<vmem>> -> memref<1x128xi32, #tpu.memory_space<vmem>>
          %dma_wait3A_77 = tpu.memref_squeeze %dma_wait3A_76 : memref<1x128xi32, #tpu.memory_space<vmem>> -> memref<128xi32, #tpu.memory_space<vmem>>
          %dma_wait3A_78 = arith.constant 0 : i32
          %dma_wait3A_79 = arith.constant 0 : i32
          %dma_wait3A_80 = tpu.memref_slice %arg11[%dma_wait3A_78, %dma_wait3A_79] : memref<10240x128xf32, #tpu.memory_space<vmem_shared>> -> memref<10240x128xf32, #tpu.memory_space<vmem_shared>>
          tpu.wait_indirect_dma semaphore(%run_scoped3A : memref<!tpu.dma_semaphore, #tpu.memory_space<semaphore_mem>>) src(%arg9 : memref<128x128xf32, #tpu.memory_space<vmem>>) dst(%dma_wait3A_80 : memref<10240x128xf32, #tpu.memory_space<vmem_shared>>)
          tpu.yield
        }) : () -> ()
        %add3A_59 = arith.constant 1 : i32
        %add3A_60 = arith.addi %add3A_47, %add3A_59 : i32
        %lt3A = arith.constant 8 : i32
        %lt3A_61 = arith.cmpi slt, %add3A_60, %lt3A : i32
        %convert_element_type3A = arith.extui %lt3A_61 : i1 to i32
        %cond3A = arith.constant 0 : i32
        %cond3A_62 = arith.cmpi ne, %convert_element_type3A, %cond3A : i32
        scf.if %cond3A_62 {
          %add3A_69 = arith.constant 1 : i32
          %add3A_70 = arith.addi %add3A_47, %add3A_69 : i32
          %dma_start3A_71 = arith.constant 0 : i32
          %dma_start3A_72 = tpu.memref_slice %arg7[%add3A_70, %dma_start3A_71] : memref<8x128xi32, #tpu.memory_space<vmem>> -> memref<1x128xi32, #tpu.memory_space<vmem>>
          %dma_start3A_73 = tpu.memref_squeeze %dma_start3A_72 : memref<1x128xi32, #tpu.memory_space<vmem>> -> memref<128xi32, #tpu.memory_space<vmem>>
          %dma_start3A_74 = arith.constant 0 : i32
          %dma_start3A_75 = arith.constant 0 : i32
          %dma_start3A_76 = tpu.memref_slice %arg2[%dma_start3A_74, %dma_start3A_75] : memref<10000x128xf32, #tpu.memory_space<hbm>> -> memref<10000x128xf32, #tpu.memory_space<hbm>>
          tpu.enqueue_indirect_dma source(%dma_start3A_76 : memref<10000x128xf32, #tpu.memory_space<hbm>>) target(%arg9 : memref<128x128xf32, #tpu.memory_space<vmem>>) offsets(%dma_start3A_73 : memref<128xi32, #tpu.memory_space<vmem>>) semaphore(%arg12 : memref<!tpu.dma_semaphore, #tpu.memory_space<semaphore_mem>>)
        } else {
        }
        %dma_wait3A_63 = arith.constant 0 : i32
        %dma_wait3A_64 = tpu.memref_slice %arg7[%add3A_47, %dma_wait3A_63] : memref<8x128xi32, #tpu.memory_space<vmem>> -> memref<1x128xi32, #tpu.memory_space<vmem>>
        %dma_wait3A_65 = tpu.memref_squeeze %dma_wait3A_64 : memref<1x128xi32, #tpu.memory_space<vmem>> -> memref<128xi32, #tpu.memory_space<vmem>>
        %dma_wait3A_66 = arith.constant 0 : i32
        %dma_wait3A_67 = arith.constant 0 : i32
        %dma_wait3A_68 = tpu.memref_slice %arg2[%dma_wait3A_66, %dma_wait3A_67] : memref<10000x128xf32, #tpu.memory_space<hbm>> -> memref<10000x128xf32, #tpu.memory_space<hbm>>
        tpu.wait_indirect_dma semaphore(%arg13 : memref<!tpu.dma_semaphore, #tpu.memory_space<semaphore_mem>>) src(%dma_wait3A_68 : memref<10000x128xf32, #tpu.memory_space<hbm>>) dst(%arg10 : memref<128x128xf32, #tpu.memory_space<vmem>>)
        "tpu.region"() ({
          %run_scoped3A = tpu.sem_alloc : memref<!tpu.dma_semaphore, #tpu.memory_space<semaphore_mem>>
          %dma_start3A_69 = arith.constant 0 : i32
          %dma_start3A_70 = tpu.memref_slice %arg8[%add3A_47, %dma_start3A_69] : memref<8x128xi32, #tpu.memory_space<vmem>> -> memref<1x128xi32, #tpu.memory_space<vmem>>
          %dma_start3A_71 = tpu.memref_squeeze %dma_start3A_70 : memref<1x128xi32, #tpu.memory_space<vmem>> -> memref<128xi32, #tpu.memory_space<vmem>>
          %dma_start3A_72 = arith.constant 0 : i32
          %dma_start3A_73 = arith.constant 0 : i32
          %dma_start3A_74 = tpu.memref_slice %arg11[%dma_start3A_72, %dma_start3A_73] : memref<10240x128xf32, #tpu.memory_space<vmem_shared>> -> memref<10240x128xf32, #tpu.memory_space<vmem_shared>>
          tpu.enqueue_indirect_dma source(%arg10 : memref<128x128xf32, #tpu.memory_space<vmem>>) target(%dma_start3A_74 : memref<10240x128xf32, #tpu.memory_space<vmem_shared>>) offsets(%dma_start3A_71 : memref<128xi32, #tpu.memory_space<vmem>>) semaphore(%run_scoped3A : memref<!tpu.dma_semaphore, #tpu.memory_space<semaphore_mem>>) {add = true}
          %dma_wait3A_75 = arith.constant 0 : i32
          %dma_wait3A_76 = tpu.memref_slice %arg8[%add3A_47, %dma_wait3A_75] : memref<8x128xi32, #tpu.memory_space<vmem>> -> memref<1x128xi32, #tpu.memory_space<vmem>>
          %dma_wait3A_77 = tpu.memref_squeeze %dma_wait3A_76 : memref<1x128xi32, #tpu.memory_space<vmem>> -> memref<128xi32, #tpu.memory_space<vmem>>
          %dma_wait3A_78 = arith.constant 0 : i32
          %dma_wait3A_79 = arith.constant 0 : i32
          %dma_wait3A_80 = tpu.memref_slice %arg11[%dma_wait3A_78, %dma_wait3A_79] : memref<10240x128xf32, #tpu.memory_space<vmem_shared>> -> memref<10240x128xf32, #tpu.memory_space<vmem_shared>>
          tpu.wait_indirect_dma semaphore(%run_scoped3A : memref<!tpu.dma_semaphore, #tpu.memory_space<semaphore_mem>>) src(%arg10 : memref<128x128xf32, #tpu.memory_space<vmem>>) dst(%dma_wait3A_80 : memref<10240x128xf32, #tpu.memory_space<vmem_shared>>)
          tpu.yield
        }) : () -> ()
      }
      %scan3A_42 = arith.constant 4 : i32
    }
    %barrier3A_21 = arith.constant 0 : index
    tpu.barrier barrier_id(%barrier3A_21)
    %scan3A_22 = arith.constant 0 : i32
    %scan3A_23 = arith.constant 0 : i32
    %scan3A_24 = arith.constant 5 : i32
    %scan3A_25 = arith.addi %scan3A_23, %scan3A_24 : i32
    %scan3A_26 = arith.constant 1 : i32
    scf.for %scan3A_28 = %scan3A_23 to %scan3A_25 step %scan3A_26  : i32 {
      %mul3A_29 = arith.constant 128 : i32
      %mul3A_30 = arith.muli %scan3A_28, %mul3A_29 : i32
      %add3A_31 = arith.addi %mul3A_6, %mul3A_30 : i32
      %mul3A_32 = arith.constant 128 : i32
      %mul3A_33 = arith.muli %scan3A_28, %mul3A_32 : i32
      %add3A_34 = arith.addi %mul3A_6, %mul3A_33 : i32
      "tpu.region"() ({
        %run_scoped3A = tpu.sem_alloc : memref<!tpu.dma_semaphore, #tpu.memory_space<semaphore_mem>>
        %dma_start3A = arith.constant 0 : i32
        %dma_start3A_35 = tpu.memref_slice %arg6[%arg0, %add3A_34, %dma_start3A] : memref<2x10240x128xf32, #tpu.memory_space<hbm>> -> memref<1x128x128xf32, #tpu.memory_space<hbm>>
        %dma_start3A_36 = tpu.memref_squeeze %dma_start3A_35 : memref<1x128x128xf32, #tpu.memory_space<hbm>> -> memref<128x128xf32, #tpu.memory_space<hbm>>
        %dma_start3A_37 = arith.constant 0 : i32
        %dma_start3A_38 = tpu.memref_slice %arg11[%add3A_31, %dma_start3A_37] : memref<10240x128xf32, #tpu.memory_space<vmem_shared>> -> memref<128x128xf32, #tpu.memory_space<vmem_shared>>
        tpu.enqueue_dma source(%dma_start3A_38 : memref<128x128xf32, #tpu.memory_space<vmem_shared>>) target(%dma_start3A_36 : memref<128x128xf32, #tpu.memory_space<hbm>>) target_semaphore(%run_scoped3A : memref<!tpu.dma_semaphore, #tpu.memory_space<semaphore_mem>>)
        %dma_wait3A = arith.constant 0 : i32
        %dma_wait3A_39 = tpu.memref_slice %arg6[%arg0, %add3A_34, %dma_wait3A] : memref<2x10240x128xf32, #tpu.memory_space<hbm>> -> memref<1x128x128xf32, #tpu.memory_space<hbm>>
        %dma_wait3A_40 = tpu.memref_squeeze %dma_wait3A_39 : memref<1x128x128xf32, #tpu.memory_space<hbm>> -> memref<128x128xf32, #tpu.memory_space<hbm>>
        %dma_wait3A_41 = arith.constant 0 : i32
        %dma_wait3A_42 = tpu.memref_slice %arg11[%add3A_31, %dma_wait3A_41] : memref<10240x128xf32, #tpu.memory_space<vmem_shared>> -> memref<128x128xf32, #tpu.memory_space<vmem_shared>>
        tpu.wait_dma2 semaphore(%run_scoped3A : memref<!tpu.dma_semaphore, #tpu.memory_space<semaphore_mem>>) src(%dma_wait3A_42 : memref<128x128xf32, #tpu.memory_space<vmem_shared>>) dst(%dma_wait3A_40 : memref<128x128xf32, #tpu.memory_space<hbm>>)
        tpu.yield
      }) : () -> ()
    }
    %scan3A_27 = arith.constant 5 : i32
    return
  }
}

module attributes {stable_mosaic.version = 14 : i64} {
  func.func @_k0_body(%arg0: memref<10000x128xf32, #tpu.memory_space<vmem>>, %arg1: memref<128x128xf32, #tpu.memory_space<vmem>>, %arg2: memref<1x128xf32, #tpu.memory_space<vmem>>, %arg3: memref<128x128xf32, #tpu.memory_space<vmem>>, %arg4: memref<2x10240x128xf32, #tpu.memory_space<vmem>>, %arg5: memref<10000x128xf32, #tpu.memory_space<vmem>>, %arg6: memref<10000x1xf32, #tpu.memory_space<vmem>>) attributes {dimension_semantics = [], scalar_prefetch = 0 : i64, scratch_operands = 0 : i64, tpu.core_type = #tpu.core_type<tc>} {
    %get3A = arith.constant 0 : index
    %get3A_0 = arith.constant 0 : index
    %get3A_1 = vector.load %arg0[%get3A, %get3A_0] : memref<10000x128xf32, #tpu.memory_space<vmem>>, vector<10000x128xf32>
    %get3A_2 = arith.constant 0 : index
    %get3A_3 = arith.constant 0 : index
    %get3A_4 = vector.load %arg1[%get3A_2, %get3A_3] : memref<128x128xf32, #tpu.memory_space<vmem>>, vector<128x128xf32>
    %dot_general3A = arith.constant dense<0.000000e+00> : vector<10000x128xf32>
    %dot_general3A_5 = tpu.matmul %get3A_1, %get3A_4, %dot_general3A {dimension_numbers = #tpu.dot_dimension_numbers<[1], [0], [0], [1], [0, 0, 1, 1], [], []>, transpose_lhs_hint = false} : vector<10000x128xf32>, vector<128x128xf32>, vector<10000x128xf32> -> vector<10000x128xf32>
    %get3A_6 = arith.constant 0 : index
    %get3A_7 = arith.constant 0 : index
    %get3A_8 = vector.load %arg2[%get3A_6, %get3A_7] : memref<1x128xf32, #tpu.memory_space<vmem>>, vector<1x128xf32>
    %add3A = vector.broadcast %get3A_8 : vector<1x128xf32> to vector<10000x128xf32>
    %add3A_9 = arith.addf %dot_general3A_5, %add3A : vector<10000x128xf32>
    %max3A = arith.constant 0.000000e+00 : f32
    %max3A_10 = vector.broadcast %max3A : f32 to vector<10000x128xf32>
    %max3A_11 = arith.maximumf %add3A_9, %max3A_10 : vector<10000x128xf32>
    %get3A_12 = arith.constant 0 : index
    %get3A_13 = arith.constant 0 : index
    %get3A_14 = arith.constant 0 : index
    %get3A_15 = vector.load %arg4[%get3A_12, %get3A_13, %get3A_14] : memref<2x10240x128xf32, #tpu.memory_space<vmem>>, vector<1x10000x1xf32>
    %get3A_16 = vector.shape_cast %get3A_15 : vector<1x10000x1xf32> to vector<10000x1xf32>
    %get3A_17 = arith.constant 1 : index
    %get3A_18 = arith.constant 0 : index
    %get3A_19 = arith.constant 0 : index
    %get3A_20 = vector.load %arg4[%get3A_17, %get3A_18, %get3A_19] : memref<2x10240x128xf32, #tpu.memory_space<vmem>>, vector<1x10000x1xf32>
    %get3A_21 = vector.shape_cast %get3A_20 : vector<1x10000x1xf32> to vector<10000x1xf32>
    %add3A_22 = arith.addf %get3A_16, %get3A_21 : vector<10000x1xf32>
    %add3A_23 = arith.constant 1.000000e+00 : f32
    %add3A_24 = vector.broadcast %add3A_23 : f32 to vector<10000x1xf32>
    %add3A_25 = arith.addf %add3A_22, %add3A_24 : vector<10000x1xf32>
    %rsqrt3A = math.rsqrt %add3A_25 : vector<10000x1xf32>
    %swap3A = arith.constant 0 : index
    %swap3A_26 = arith.constant 0 : index
    %swap3A_27 = vector.load %arg6[%swap3A, %swap3A_26] : memref<10000x1xf32, #tpu.memory_space<vmem>>, vector<10000x1xf32>
    tpu.vector_store %arg6[%swap3A, %swap3A_26], %rsqrt3A {strides = array<i32>} : memref<10000x1xf32, #tpu.memory_space<vmem>>, vector<10000x1xf32>,
    %get3A_28 = arith.constant 0 : index
    %get3A_29 = arith.constant 0 : index
    %get3A_30 = vector.load %arg3[%get3A_28, %get3A_29] : memref<128x128xf32, #tpu.memory_space<vmem>>, vector<128x128xf32>
    %dot_general3A_31 = arith.constant dense<0.000000e+00> : vector<10000x128xf32>
    %dot_general3A_32 = tpu.matmul %max3A_11, %get3A_30, %dot_general3A_31 {dimension_numbers = #tpu.dot_dimension_numbers<[1], [0], [0], [1], [0, 0, 1, 1], [], []>, transpose_lhs_hint = false} : vector<10000x128xf32>, vector<128x128xf32>, vector<10000x128xf32> -> vector<10000x128xf32>
    %mul3A = vector.broadcast %rsqrt3A : vector<10000x1xf32> to vector<10000x128xf32>
    %mul3A_33 = arith.mulf %mul3A, %dot_general3A_32 : vector<10000x128xf32>
    %swap3A_34 = arith.constant 0 : index
    %swap3A_35 = arith.constant 0 : index
    %swap3A_36 = vector.load %arg5[%swap3A_34, %swap3A_35] : memref<10000x128xf32, #tpu.memory_space<vmem>>, vector<10000x128xf32>
    tpu.vector_store %arg5[%swap3A_34, %swap3A_35], %mul3A_33 {strides = array<i32>} : memref<10000x128xf32, #tpu.memory_space<vmem>>, vector<10000x128xf32>,
    return
  }
}

module attributes {stable_mosaic.version = 14 : i64} {
  func.func @_kmid_body(%arg0: memref<2x10240x128xf32, #tpu.memory_space<vmem>>, %arg1: memref<10000x128xf32, #tpu.memory_space<vmem>>, %arg2: memref<10000x1xf32, #tpu.memory_space<vmem>>, %arg3: memref<1x128xf32, #tpu.memory_space<vmem>>, %arg4: memref<128x128xf32, #tpu.memory_space<vmem>>, %arg5: memref<10000x128xf32, #tpu.memory_space<vmem>>) attributes {dimension_semantics = [], scalar_prefetch = 0 : i64, scratch_operands = 0 : i64, tpu.core_type = #tpu.core_type<tc>} {
    %get3A = arith.constant 0 : index
    %get3A_0 = arith.constant 0 : index
    %get3A_1 = arith.constant 0 : index
    %get3A_2 = vector.load %arg0[%get3A, %get3A_0, %get3A_1] : memref<2x10240x128xf32, #tpu.memory_space<vmem>>, vector<1x10000x128xf32>
    %get3A_3 = vector.shape_cast %get3A_2 : vector<1x10000x128xf32> to vector<10000x128xf32>
    %get3A_4 = arith.constant 1 : index
    %get3A_5 = arith.constant 0 : index
    %get3A_6 = arith.constant 0 : index
    %get3A_7 = vector.load %arg0[%get3A_4, %get3A_5, %get3A_6] : memref<2x10240x128xf32, #tpu.memory_space<vmem>>, vector<1x10000x128xf32>
    %get3A_8 = vector.shape_cast %get3A_7 : vector<1x10000x128xf32> to vector<10000x128xf32>
    %add3A = arith.addf %get3A_3, %get3A_8 : vector<10000x128xf32>
    %get3A_9 = arith.constant 0 : index
    %get3A_10 = arith.constant 0 : index
    %get3A_11 = vector.load %arg2[%get3A_9, %get3A_10] : memref<10000x1xf32, #tpu.memory_space<vmem>>, vector<10000x1xf32>
    %get3A_12 = arith.constant 0 : index
    %get3A_13 = arith.constant 0 : index
    %get3A_14 = vector.load %arg1[%get3A_12, %get3A_13] : memref<10000x128xf32, #tpu.memory_space<vmem>>, vector<10000x128xf32>
    %add3A_15 = arith.addf %add3A, %get3A_14 : vector<10000x128xf32>
    %mul3A = vector.broadcast %get3A_11 : vector<10000x1xf32> to vector<10000x128xf32>
    %mul3A_16 = arith.mulf %mul3A, %add3A_15 : vector<10000x128xf32>
    %get3A_17 = arith.constant 0 : index
    %get3A_18 = arith.constant 0 : index
    %get3A_19 = vector.load %arg3[%get3A_17, %get3A_18] : memref<1x128xf32, #tpu.memory_space<vmem>>, vector<1x128xf32>
    %add3A_20 = vector.broadcast %get3A_19 : vector<1x128xf32> to vector<10000x128xf32>
    %add3A_21 = arith.addf %mul3A_16, %add3A_20 : vector<10000x128xf32>
    %max3A = arith.constant 0.000000e+00 : f32
    %max3A_22 = vector.broadcast %max3A : f32 to vector<10000x128xf32>
    %max3A_23 = arith.maximumf %add3A_21, %max3A_22 : vector<10000x128xf32>
    %get3A_24 = arith.constant 0 : index
    %get3A_25 = arith.constant 0 : index
    %get3A_26 = vector.load %arg4[%get3A_24, %get3A_25] : memref<128x128xf32, #tpu.memory_space<vmem>>, vector<128x128xf32>
    %dot_general3A = arith.constant dense<0.000000e+00> : vector<10000x128xf32>
    %dot_general3A_27 = tpu.matmul %max3A_23, %get3A_26, %dot_general3A {dimension_numbers = #tpu.dot_dimension_numbers<[1], [0], [0], [1], [0, 0, 1, 1], [], []>, transpose_lhs_hint = false} : vector<10000x128xf32>, vector<128x128xf32>, vector<10000x128xf32> -> vector<10000x128xf32>
    %mul3A_28 = vector.broadcast %get3A_11 : vector<10000x1xf32> to vector<10000x128xf32>
    %mul3A_29 = arith.mulf %mul3A_28, %dot_general3A_27 : vector<10000x128xf32>
    %swap3A = arith.constant 0 : index
    %swap3A_30 = arith.constant 0 : index
    %swap3A_31 = vector.load %arg5[%swap3A, %swap3A_30] : memref<10000x128xf32, #tpu.memory_space<vmem>>, vector<10000x128xf32>
    tpu.vector_store %arg5[%swap3A, %swap3A_30], %mul3A_29 {strides = array<i32>} : memref<10000x128xf32, #tpu.memory_space<vmem>>, vector<10000x128xf32>,
    return
  }
}

module attributes {stable_mosaic.version = 14 : i64} {
  func.func @_kpost_body(%arg0: memref<2x10240x128xf32, #tpu.memory_space<vmem>>, %arg1: memref<10000x128xf32, #tpu.memory_space<vmem>>, %arg2: memref<10000x1xf32, #tpu.memory_space<vmem>>, %arg3: memref<1x128xf32, #tpu.memory_space<vmem>>, %arg4: memref<10000x1xi32, #tpu.memory_space<vmem>>, %arg5: memref<128x4xf32, #tpu.memory_space<vmem>>, %arg6: memref<1x4xf32, #tpu.memory_space<vmem>>, %arg7: memref<128x1xf32, #tpu.memory_space<vmem>>, %arg8: memref<1x1xf32, #tpu.memory_space<vmem>>, %arg9: memref<128x16xf32, #tpu.memory_space<vmem>>, %arg10: memref<1x16xf32, #tpu.memory_space<vmem>>, %arg11: memref<10000x128xf32, #tpu.memory_space<vmem>>, %arg12: memref<64x4xf32, #tpu.memory_space<vmem>>, %arg13: memref<10000x1xf32, #tpu.memory_space<vmem>>, %arg14: memref<64x16xf32, #tpu.memory_space<vmem>>) attributes {dimension_semantics = [], scalar_prefetch = 0 : i64, scratch_operands = 0 : i64, tpu.core_type = #tpu.core_type<tc>} {
    %get3A = arith.constant 0 : index
    %get3A_0 = arith.constant 0 : index
    %get3A_1 = arith.constant 0 : index
    %get3A_2 = vector.load %arg0[%get3A, %get3A_0, %get3A_1] : memref<2x10240x128xf32, #tpu.memory_space<vmem>>, vector<1x10000x128xf32>
    %get3A_3 = vector.shape_cast %get3A_2 : vector<1x10000x128xf32> to vector<10000x128xf32>
    %get3A_4 = arith.constant 1 : index
    %get3A_5 = arith.constant 0 : index
    %get3A_6 = arith.constant 0 : index
    %get3A_7 = vector.load %arg0[%get3A_4, %get3A_5, %get3A_6] : memref<2x10240x128xf32, #tpu.memory_space<vmem>>, vector<1x10000x128xf32>
    %get3A_8 = vector.shape_cast %get3A_7 : vector<1x10000x128xf32> to vector<10000x128xf32>
    %add3A = arith.addf %get3A_3, %get3A_8 : vector<10000x128xf32>
    %get3A_9 = arith.constant 0 : index
    %get3A_10 = arith.constant 0 : index
    %get3A_11 = vector.load %arg2[%get3A_9, %get3A_10] : memref<10000x1xf32, #tpu.memory_space<vmem>>, vector<10000x1xf32>
    %get3A_12 = arith.constant 0 : index
    %get3A_13 = arith.constant 0 : index
    %get3A_14 = vector.load %arg1[%get3A_12, %get3A_13] : memref<10000x128xf32, #tpu.memory_space<vmem>>, vector<10000x128xf32>
    %add3A_15 = arith.addf %add3A, %get3A_14 : vector<10000x128xf32>
    %mul3A = vector.broadcast %get3A_11 : vector<10000x1xf32> to vector<10000x128xf32>
    %mul3A_16 = arith.mulf %mul3A, %add3A_15 : vector<10000x128xf32>
    %get3A_17 = arith.constant 0 : index
    %get3A_18 = arith.constant 0 : index
    %get3A_19 = vector.load %arg3[%get3A_17, %get3A_18] : memref<1x128xf32, #tpu.memory_space<vmem>>, vector<1x128xf32>
    %add3A_20 = vector.broadcast %get3A_19 : vector<1x128xf32> to vector<10000x128xf32>
    %add3A_21 = arith.addf %mul3A_16, %add3A_20 : vector<10000x128xf32>
    %max3A = arith.constant 0.000000e+00 : f32
    %max3A_22 = vector.broadcast %max3A : f32 to vector<10000x128xf32>
    %max3A_23 = arith.maximumf %add3A_21, %max3A_22 : vector<10000x128xf32>
    %swap3A = arith.constant 0 : index
    %swap3A_24 = arith.constant 0 : index
    %swap3A_25 = vector.load %arg11[%swap3A, %swap3A_24] : memref<10000x128xf32, #tpu.memory_space<vmem>>, vector<10000x128xf32>
    tpu.vector_store %arg11[%swap3A, %swap3A_24], %max3A_23 {strides = array<i32>} : memref<10000x128xf32, #tpu.memory_space<vmem>>, vector<10000x128xf32>,
    %iota3A = tpu.iota {dimensions = array<i32: 1>} : vector<1x64xi32>
    %get3A_26 = arith.constant 0 : index
    %get3A_27 = arith.constant 0 : index
    %get3A_28 = vector.load %arg4[%get3A_26, %get3A_27] : memref<10000x1xi32, #tpu.memory_space<vmem>>, vector<10000x1xi32>
    %eq3A = vector.broadcast %get3A_28 : vector<10000x1xi32> to vector<10000x64xi32>
    %eq3A_29 = vector.broadcast %iota3A : vector<1x64xi32> to vector<10000x64xi32>
    %eq3A_30 = arith.cmpi eq, %eq3A, %eq3A_29 : vector<10000x64xi32>
    %convert_element_type3A = arith.extui %eq3A_30 : vector<10000x64xi1> to vector<10000x64xi32>
    %convert_element_type3A_31 = arith.sitofp %convert_element_type3A : vector<10000x64xi32> to vector<10000x64xf32>
    %dot_general3A = arith.constant dense<0.000000e+00> : vector<64x128xf32>
    %dot_general3A_32 = tpu.matmul %convert_element_type3A_31, %max3A_23, %dot_general3A {dimension_numbers = #tpu.dot_dimension_numbers<[0], [0], [1], [1], [0, 1, 1, 1], [], []>, transpose_lhs_hint = false} : vector<10000x64xf32>, vector<10000x128xf32>, vector<64x128xf32> -> vector<64x128xf32>
    %broadcast_in_dim3A = arith.constant 1.000000e+00 : f32
    %broadcast_in_dim3A_33 = vector.broadcast %broadcast_in_dim3A : f32 to vector<10000x1xf32>
    %dot_general3A_34 = arith.constant dense<0.000000e+00> : vector<64x1xf32>
    %dot_general3A_35 = tpu.matmul %convert_element_type3A_31, %broadcast_in_dim3A_33, %dot_general3A_34 {dimension_numbers = #tpu.dot_dimension_numbers<[0], [0], [1], [1], [0, 1, 1, 1], [], []>, transpose_lhs_hint = false} : vector<10000x64xf32>, vector<10000x1xf32>, vector<64x1xf32> -> vector<64x1xf32>
    %max3A_36 = arith.constant 1.000000e+00 : f32
    %max3A_37 = vector.broadcast %max3A_36 : f32 to vector<64x1xf32>
    %max3A_38 = arith.maximumf %dot_general3A_35, %max3A_37 : vector<64x1xf32>
    %div3A = vector.broadcast %max3A_38 : vector<64x1xf32> to vector<64x128xf32>
    %div3A_39 = arith.divf %dot_general3A_32, %div3A : vector<64x128xf32>
    %get3A_40 = arith.constant 0 : index
    %get3A_41 = arith.constant 0 : index
    %get3A_42 = vector.load %arg5[%get3A_40, %get3A_41] : memref<128x4xf32, #tpu.memory_space<vmem>>, vector<128x4xf32>
    %dot_general3A_43 = arith.constant dense<0.000000e+00> : vector<64x4xf32>
    %dot_general3A_44 = tpu.matmul %div3A_39, %get3A_42, %dot_general3A_43 {dimension_numbers = #tpu.dot_dimension_numbers<[1], [0], [0], [1], [0, 0, 1, 1], [], []>, transpose_lhs_hint = false} : vector<64x128xf32>, vector<128x4xf32>, vector<64x4xf32> -> vector<64x4xf32>
    %get3A_45 = arith.constant 0 : index
    %get3A_46 = arith.constant 0 : index
    %get3A_47 = vector.load %arg6[%get3A_45, %get3A_46] : memref<1x4xf32, #tpu.memory_space<vmem>>, vector<1x4xf32>
    %add3A_48 = vector.broadcast %get3A_47 : vector<1x4xf32> to vector<64x4xf32>
    %add3A_49 = arith.addf %dot_general3A_44, %add3A_48 : vector<64x4xf32>
    %swap3A_50 = arith.constant 0 : index
    %swap3A_51 = arith.constant 0 : index
    %swap3A_52 = vector.load %arg12[%swap3A_50, %swap3A_51] : memref<64x4xf32, #tpu.memory_space<vmem>>, vector<64x4xf32>
    tpu.vector_store %arg12[%swap3A_50, %swap3A_51], %add3A_49 {strides = array<i32>} : memref<64x4xf32, #tpu.memory_space<vmem>>, vector<64x4xf32>,
    %get3A_53 = arith.constant 0 : index
    %get3A_54 = arith.constant 0 : index
    %get3A_55 = vector.load %arg9[%get3A_53, %get3A_54] : memref<128x16xf32, #tpu.memory_space<vmem>>, vector<128x16xf32>
    %dot_general3A_56 = arith.constant dense<0.000000e+00> : vector<64x16xf32>
    %dot_general3A_57 = tpu.matmul %div3A_39, %get3A_55, %dot_general3A_56 {dimension_numbers = #tpu.dot_dimension_numbers<[1], [0], [0], [1], [0, 0, 1, 1], [], []>, transpose_lhs_hint = false} : vector<64x128xf32>, vector<128x16xf32>, vector<64x16xf32> -> vector<64x16xf32>
    %get3A_58 = arith.constant 0 : index
    %get3A_59 = arith.constant 0 : index
    %get3A_60 = vector.load %arg10[%get3A_58, %get3A_59] : memref<1x16xf32, #tpu.memory_space<vmem>>, vector<1x16xf32>
    %add3A_61 = vector.broadcast %get3A_60 : vector<1x16xf32> to vector<64x16xf32>
    %add3A_62 = arith.addf %dot_general3A_57, %add3A_61 : vector<64x16xf32>
    %swap3A_63 = arith.constant 0 : index
    %swap3A_64 = arith.constant 0 : index
    %swap3A_65 = vector.load %arg14[%swap3A_63, %swap3A_64] : memref<64x16xf32, #tpu.memory_space<vmem>>, vector<64x16xf32>
    tpu.vector_store %arg14[%swap3A_63, %swap3A_64], %add3A_62 {strides = array<i32>} : memref<64x16xf32, #tpu.memory_space<vmem>>, vector<64x16xf32>,
    %get3A_66 = arith.constant 0 : index
    %get3A_67 = arith.constant 0 : index
    %get3A_68 = vector.load %arg7[%get3A_66, %get3A_67] : memref<128x1xf32, #tpu.memory_space<vmem>>, vector<128x1xf32>
    %dot_general3A_69 = arith.constant dense<0.000000e+00> : vector<10000x1xf32>
    %dot_general3A_70 = tpu.matmul %max3A_23, %get3A_68, %dot_general3A_69 {dimension_numbers = #tpu.dot_dimension_numbers<[1], [0], [0], [1], [0, 0, 1, 1], [], []>, transpose_lhs_hint = false} : vector<10000x128xf32>, vector<128x1xf32>, vector<10000x1xf32> -> vector<10000x1xf32>
    %get3A_71 = arith.constant 0 : index
    %get3A_72 = arith.constant 0 : index
    %get3A_73 = vector.load %arg8[%get3A_71, %get3A_72] : memref<1x1xf32, #tpu.memory_space<vmem>>, vector<1x1xf32>
    %add3A_74 = vector.broadcast %get3A_73 : vector<1x1xf32> to vector<10000x1xf32>
    %add3A_75 = arith.addf %dot_general3A_70, %add3A_74 : vector<10000x1xf32>
    %swap3A_76 = arith.constant 0 : index
    %swap3A_77 = arith.constant 0 : index
    %swap3A_78 = vector.load %arg13[%swap3A_76, %swap3A_77] : memref<10000x1xf32, #tpu.memory_space<vmem>>, vector<10000x1xf32>
    tpu.vector_store %arg13[%swap3A_76, %swap3A_77], %add3A_75 {strides = array<i32>} : memref<10000x1xf32, #tpu.memory_space<vmem>>, vector<10000x1xf32>,
    return
  }
}

</mosaic_0001>

<sc_bundles>
// kernel: kernel.10.cloned.1.call-start
scs
__scs_entry_jumppad:
0x0: {  	(pc) =	sbr.rel $0x88, $3  }
0x1: {  	(tag) =	ssettag $0x0;
	lr =	simm.s32 $0x1  }
0x2: {  	[smem:$0x3F90] =	sst lr;
	_ =	strace $0xD0000000  }
0x3: {  	_ = 	snop  }
0x4: {  	_ = 	snop  }
0x5: {  	_ = 	snop  }
0x6: {  	_ = 	snop  }
0x7: {  	_ = 	snop  }
__scs_overlays_trampoline_lowered:
0x8: {  	[smem:$0x3F9F] =	sst s0  }
0x9: {  	[smem:$0x3FA0] =	sst s1  }
0xa: {  	[smem:$0x3FA1] =	sst s2  }
0xb: {  	[smem:$0x3FA2] =	sst s3  }
0xc: {  	[smem:$0x3FA3] =	sst s4  }
0xd: {  	[smem:$0x3FA4] =	sst s5  }
0xe: {  	[smem:$0x3FA5] =	sst s6  }
0xf: {  	[smem:$0x3FA6] =	sst s7  }
0x10: {  	[smem:$0x3FA7] =	sst s8  }
0x11: {  	[smem:$0x3FA8] =	sst s9;
	s0 =	simm.s32 @!p0 $0x0  }
0x12: {  	s1 =	sld [smem:$0x3F8E];
	s0 =	simm.s32 @p0 $0x1  }
0x13: {  	[smem:$0x3FA9] =	sst s0;
	s0 =	simm.s32 @!p1 $0x0  }
0x14: {  	s2 =	sld [smem:$0x3F8D];
	s0 =	simm.s32 @p1 $0x1  }
0x15: {  	[smem:$0x3FAA] =	sst s0;
	s0 =	simm.s32 @!p2 $0x0  }
0x16: {  	s3 =	sld [smem:$0x3FDB];
	s0 =	simm.s32 @p2 $0x1  }
0x17: {  	s4 =	simm.s32 $0x1BF5;
	[smem:$0x3FAC] =	sst s0  }
0x18: {  	s0 =	sld [smem:$0x3F8F];
	_ =	swait.ge [sflag:s4], $0x0  }
0x19: {  	s7 =	sld [smem:$0x3F90]  }
0x1a: {  	s8 =	sadd.s32 $0xFFFFE003, lr  }
0x1b: {  	s9 =	sadd.s32 $0xFFFFFEF7, lr;
	s5 =	simm.s32 $0xFFFFFFFF;
	p2 =	slt.u32 s8, $0xFFFFF086  }
0x1c: {  	p1 =	slt.u32 s9, $0xF7A;
	s5 =	simm.s32 @!p2 $0x0  }
0x1d: {  	s5 =	simm.s32 @p1 $0x1;
	p0 =	seq.s32 s7, s2  }
0x1e: {  	s7 =	smul.u32 @!p0 $0xF7A, s2;
	p2 =	seq.s32 @!p0 s5, $0x0  }
0x1f: {  	s9 =	smul.u32 $0xF7A, s1;
	s8 =	simm.s32 @!p0 $0x1BF5;
	p2 =	por !p2, p0  }
0x20: {  	[sflag:s8] =	ssyncset.s32 @!p0 $0xFFFFF086;
	s6 =	sadd.s32 @!p0 s3, s7;
	s7 =	simm.s32 @!p0 $0x108  }
0x21: {  	s3 =	sadd.s32 s3, s9;
	s6 =	sadd.s32 @!p0 $0x88, s6;
	s7 =	simm.s32 @p2 $0x1082  }
0x22: {  	[simem:s7], [sflag:s8] =	dma.local @!p0 [hbm:s6], $0xF7A  }
0x23: {  	s9 =	sor.u32 $0xD0000000, s2;
	s6 =	simm.s32 $0x108;
	_ =	swait.ge @!p0 [sflag:s8], $0x0  }
0x24: {  	s3 =	sadd.s32 $0x88, s3;
	s6 =	simm.s32 @!p1 $0x1082;
	[sflag:s4] =	ssyncset.s32 $0xFFFFF086  }
0x25: {  	[simem:s6], [sflag:s4] =	dma.local [hbm:s3], $0xF7A  }
0x26: {  	[smem:$0x3F90] =	sst s1;
	(tag) =	ssettag s2;
	_ =	strace s9  }
0x27: {  	s1 =	sld [smem:$0x3FA0]  }
0x28: {  	s2 =	sld [smem:$0x3FA1]  }
0x29: {  	s4 =	sld [smem:$0x3FA3]  }
0x2a: {  	p0 =	seq.s32 s5, $0x0;
	s5 =	sld [smem:$0x3FA4]  }
0x2b: {  	s6 =	sld [smem:$0x3FA5]  }
0x2c: {  	s7 =	sld [smem:$0x3FA6]  }
0x2d: {  	s3 =	simm.s32 $0x108;
	s8 =	sld [smem:$0x3FA7]  }
0x2e: {  	s3 =	simm.s32 @!p0 $0x1082;
	s9 =	sld [smem:$0x3FA8]  }
0x2f: {  	lr =	sadd.s32 s0, s3;
	s0 =	sld [smem:$0x3F9F]  }
0x30: {  	s3 =	sld [smem:$0x3FA2]  }
0x31: {  	[smem:$0x3FAB] =	sst s10  }
0x32: {  	s10 =	sld [smem:$0x3FA9];
	_ =	sdelay $0x3  }
0x33: {  	p0 =	seq.s32 s10, $0x1;
	s10 =	sld [smem:$0x3FAB];
	_ =	sdelay $0x3  }
0x34: {  	[smem:$0x3FAB] =	sst s10  }
0x35: {  	s10 =	sld [smem:$0x3FAA];
	_ =	sdelay $0x3  }
0x36: {  	p1 =	seq.s32 s10, $0x1;
	s10 =	sld [smem:$0x3FAB];
	_ =	sdelay $0x3  }
0x37: {  	[smem:$0x3FAB] =	sst s10  }
0x38: {  	s10 =	sld [smem:$0x3FAC]  }
0x39: {  	_ = 	snop;
	(pc) =	sbr.ind lr, $3  }
0x3a: {  	_ = 	snop  }
0x3b: {  	_ = 	snop  }
0x3c: {  	p2 =	seq.s32 s10, $0x1;
	s10 =	sld [smem:$0x3FAB]  }
0x3d: {  	_ =	shalt  }
0x3e: {  	_ =	shalt  }
0x3f: {  	_ =	shalt  }
0x40: {  	_ =	shalt  }
0x41: {  	_ =	shalt  }
0x42: {  	_ =	shalt  }
0x43: {  	_ =	shalt  }
0x44: {  	_ =	shalt  }
0x45: {  	_ =	shalt  }
0x46: {  	_ =	shalt  }
0x47: {  	_ =	shalt  }
0x48: {  	_ =	shalt  }
0x49: {  	_ =	shalt  }
0x4a: {  	_ =	shalt  }
0x4b: {  	_ =	shalt  }
0x4c: {  	_ =	shalt  }
0x4d: {  	_ =	shalt  }
0x4e: {  	_ =	shalt  }
0x4f: {  	_ =	shalt  }
0x50: {  	_ =	shalt  }
0x51: {  	_ =	shalt  }
0x52: {  	_ =	shalt  }
0x53: {  	_ =	shalt  }
0x54: {  	_ =	shalt  }
0x55: {  	_ =	shalt  }
0x56: {  	_ =	shalt  }
0x57: {  	_ =	shalt  }
0x58: {  	_ =	shalt  }
0x59: {  	_ =	shalt  }
0x5a: {  	_ =	shalt  }
0x5b: {  	_ =	shalt  }
0x5c: {  	_ =	shalt  }
0x5d: {  	_ =	shalt  }
0x5e: {  	_ =	shalt  }
0x5f: {  	_ =	shalt  }
0x60: {  	_ =	shalt  }
0x61: {  	_ =	shalt  }
0x62: {  	_ =	shalt  }
0x63: {  	_ =	shalt  }
0x64: {  	_ =	shalt  }
0x65: {  	_ =	shalt  }
0x66: {  	_ =	shalt  }
0x67: {  	_ =	shalt  }
0x68: {  	_ =	shalt  }
0x69: {  	_ =	shalt  }
0x6a: {  	_ =	shalt  }
0x6b: {  	_ =	shalt  }
0x6c: {  	_ =	shalt  }
0x6d: {  	_ =	shalt  }
0x6e: {  	_ =	shalt  }
0x6f: {  	_ =	shalt  }
0x70: {  	_ =	shalt  }
0x71: {  	_ =	shalt  }
0x72: {  	_ =	shalt  }
0x73: {  	_ =	shalt  }
0x74: {  	_ =	shalt  }
0x75: {  	_ =	shalt  }
0x76: {  	_ =	shalt  }
0x77: {  	_ =	shalt  }
0x78: {  	_ =	shalt  }
0x79: {  	_ =	shalt  }
0x7a: {  	_ =	shalt  }
0x7b: {  	_ =	shalt  }
0x7c: {  	_ =	shalt  }
0x7d: {  	_ =	shalt  }
0x7e: {  	_ =	shalt  }
0x7f: {  	_ =	shalt  }
0x80: {  	_ =	shalt  }
0x81: {  	_ =	shalt  }
0x82: {  	_ =	shalt  }
0x83: {  	_ =	shalt  }
0x84: {  	_ =	shalt  }
0x85: {  	_ =	shalt  }
0x86: {  	_ =	shalt  }
0x87: {  	_ =	shalt  }
.Lfunc_end0:
.L_simem_size_0:
called_computation_lowered:
.L_overlay_start_0:
0x88: {  	s2 =	sld [smem:$0x3FD9]  }
0x89: {  	s3 =	sld [smem:$0x3FFE];
	_ =	sdelay $0x1  }
0x8a: {  	s1 =	srdreg.scid  }
0x8b: {  	s0 =	sand.u32 $0x1, s1  }
0x8c: {  	s14 =	sshll.u32 s0, $0xA;
	s2 =	sadd.s32 s3, s2  }
0x8d: {  	s2 =	sadd.s32 s2, s14  }
0x8e: {  	[smem:$0x3FB7] =	sst s2  }
0x8f: {  	_ = 	snop  }
0x90: {  	s2 =	sld [smem:$0x3FD0];
	_ =	sdelay $0x2  }
0x91: {  	s15 =	simm.s32 $0xA;
	s4 =	simm.s32 $0x10  }
0x92: {  	[smem:s4], [sflag:s15] =	dma.local [hbm:s2], $0x1  }
0x93: {  	_ =	swait.eq [sflag:s15], $0x1  }
0x94: {  	[sflag:s15] =	ssyncset.done $0x0  }
0x95: {  	[sflag:s15] =	ssyncadd.s32 $0xFFFFFFFF  }
0x96: {  	s16 =	sld [smem:$0x13];
	(tm) =	ssettm $0x1  }
0x97: {  	s17 =	sld [smem:$0x3FFB];
	_ =	sdelay $0x3  }
0x98: {  	_ =	strace s17  }
0x99: {  	s3 =	sld [smem:$0x3FFC];
	_ =	sdelay $0x3  }
0x9a: {  	_ =	strace s3  }
0x9b: {  	s3 =	sld [smem:$0x3FFD];
	_ =	sdelay $0x3  }
0x9c: {  	_ =	strace s3  }
0x9d: {  	_ =	strace $0x8FFFFFFF  }
0x9e: {  	s18 =	sld [smem:$0x3FDB];
	_ =	sdelay $0x1  }
0x9f: {  	s19 =	simm.s32 $_scs_section_size  }
0xa0: {  	s5 =	simm.s32 $_size__tile_overlayer_lowered;
	s6 =	simm.s32 $_tile_overlayer_lowered  }
0xa1: {  	s22 =	simm.s32 $0x1BFF;
	s21 =	sshll.u32 s6, $0x1;
	s3 =	sadd.s32 s19, s18  }
0xa2: {  	s7 =	simm.s32 $0x0;
	s20 =	sshll.u32 s5, $0x1;
	s5 =	sadd.s32 s21, s3  }
0xa3: {  	[timem:s7], [sflag:s22] =	dma.local [hbm:s5], s20  }
0xa4: {  	_ =	swait.ge [sflag:s22], s20  }
0xa5: {  	s4 =	ssub.s32 $0x0, s20;
	[sflag:s22] =	ssyncset.done $0x0  }
0xa6: {  	[sflag:s22] =	ssyncadd.s32 s4;
	_ =	sdelay $0x1  }
0xa7: {  	s23 =	simm.s32 $0x1B8B  }
0xa8: {  	_ =	swait.ge [sflag:s23], $0x1  }
0xa9: {  	[sflag:s23] =	ssyncset.done $0x0  }
0xaa: {  	s25 =	simm.s32 $0x1B8E;
	s24 =	sld [smem:$0x3FFE];
	[sflag:s23] =	ssyncadd.s32 $0xFFFFFFFF  }
0xab: {  	s26 =	simm.s32 $execute0_lowered;
	[smem:$0x3FD2] =	sst s25  }
0xac: {  	s5 =	sshll.u32 s26, $0x1;
	_ =	strace $0x80000046;
	[dreg:$0x1] =	wrdreg $0xFFFFFFFF  }
0xad: {  	s28 =	simm.s32 $_size_execute0_lowered;
	s3 =	sadd.s32 s3, s5;
	[dreg:$0x0] =	wrdreg $0x0  }
0xae: {  	s5 =	sshll.u32 s28, $0x1;
	[dreg:$0x2] =	wrdreg s3  }
0xaf: {  	[dreg:$0x3] =	wrdreg s5  }
0xb0: {  	[dreg:$0x4] =	wrdreg $0xC0  }
0xb1: {  	_ =	task [dreg:s7], $0x5FFFF  }
0xb2: {  	[dreg:$0x1] =	wrdreg $0xFFFFFFFF  }
0xb3: {  	[dreg:$0x0] =	wrdreg $0x60  }
0xb4: {  	[dreg:$0x2] =	wrdreg s24  }
0xb5: {  	[dreg:$0x3] =	wrdreg s16  }
0xb6: {  	[dreg:$0x4] =	wrdreg $0x44000  }
0xb7: {  	[dreg:$0x5] =	wrdreg $0x9  }
0xb8: {  	_ =	task.clear_ibuf [dreg:s7], $0x6FFFF;
	_ =	strace $0x90000046  }
0xb9: {  	s29 =	simm.s32 $0x9;
	_ =	strace $0x80000048  }
0xba: {  	_ =	swait.ge [sflag:s29], $0x1  }
0xbb: {  	[sflag:s29] =	ssyncadd.s32 $0xFFFFFFFF  }
0xbc: {  	_ =	strace $0x90000048  }
0xbd: {  	_ =	sfence  }
0xbe: {  	s30 =	sld [smem:$0x0];
	_ =	sdelay $0x2  }
0xbf: {  	s31 =	sshll.u32 s1, $0xD;
	s1 =	sshrl.u32 s1, $0x2  }
0xc0: {  	s3 =	sand.u32 $0x4000, s31;
	s1 =	sadd.s32 s1, s30  }
0xc1: {  	s0 =	sor.u32 s3, s0;
	s1 =	sshll.u32 s1, $0x11  }
0xc2: {  	s0 =	sor.u32 s1, s0  }
0xc3: {  	s0 =	sadd.s32 $0x8F2B, s0  }
0xc4: {  	[sflag:s0] =	ssyncadd.remote.s32 $0x1  }
0xc5: {  	_ =	sfence.sel $0xFFFF  }
0xc6: {  	[dreg:$0x0] =	wrdreg $0xFFFFFFFF;
	(pc) =	sbr.abs _section_cstart, $3  }
0xc7: {  	[dreg:$0x1] =	wrdreg $0xFFFFFFFF  }
0xc8: {  	_ =	task.clear_ibuf [dreg:s7], $0x2FFFF;
	_ =	strace $0x9FFFFFFF  }
0xc9: {  	(tm) =	ssettm $0x7FFFFFFF  }
tec
execute0_lowered:
.L_overlay_start_1:
0x0: {  	(tag) =	ssettag $0x1  }
0x1: {  	s0 =	rddreg [dreg:$0x0]  }
0x2: {  	s3 =	rddreg [dreg:$0x2]  }
0x3: {  	s6 =	stileid.u32;
	s1 =	srdreg.scid  }
0x4: {  	s4 =	simm.s32 $0x0;
	s28 =	simm.s32 $0x200;
	s2 =	smul.u32 $0xA00, s6  }
0x5: {  	s29 =	simm.s32 $0x280;
	s30 =	simm.s32 $0x300;
	s15 =	smul.u32 $0x14000, s6  }
0x6: {  	s31 =	simm.s32 $0x380;
	s1 =	sand.u32 $0x1, s1;
	s6 =	smul.u32 $0x50000, s6  }
0x7: {  	[smem:$0x7FF] =	sst s4;
	s7 =	sadd.s32 $0x17E00, s0;
	s5 =	smul.u32 $0x140000, s1  }
0x8: {  	_ =	strace $0x80000047;
	[dreg:$0x4] =	wrdreg s7;
	s19 =	ssub.s32 $0x2, s1  }
0x9: {  	s1 =	smul.u32 $0x500, s1;
	s2 =	sadd.s32 s2, s0;
	s0 =	sadd.s32 $0x18600, s0  }
0xa: {  	s9 =	sshrl.u32 s19, $0x1;
	s6 =	sshrl.u32 s6, $0x2;
	s14 =	sadd.s32 $0x4000, s15  }
0xb: {  	s16 =	sadd.s32 $0x8000, s15;
	s21 =	sadd.s32 $0xC000, s15;
	s18 =	sadd.s32 $0x10000, s15  }
0xc: {  	s8 =	sadd.s32 s5, s15;
	s9 =	ssub.s32 s19, s9;
	s6 =	sadd.s32 s6, s3  }
0xd: {  	s12 =	sadd.s32 s5, s14;
	s17 =	sadd.s32 s5, s16;
	s22 =	sadd.s32 s14, s3  }
0xe: {  	s23 =	sadd.s32 s16, s3;
	s24 =	sadd.s32 s5, s21;
	s5 =	sadd.s32 s5, s18  }
0xf: {  	s26 =	sadd.s32 s18, s3;
	s1 =	sadd.s32 s1, s2;
	s18 =	simm.s32 $0x400  }
0x10: {  	s19 =	simm.s32 $0x1;
	s8 =	sshrl.u32 s8, $0x3;
	s10 =	sadd.s32 $0x8000, s6  }
0x11: {  	s11 =	sadd.s32 $0xC000, s6;
	s13 =	sshrl.u32 s12, $0x3;
	s12 =	sadd.s32 $0x10000, s6  }
0x12: {  	s17 =	sshrl.u32 s17, $0x3;
	s25 =	sshrl.u32 s24, $0x3;
	s24 =	sadd.s32 s21, s3  }
0x13: {  	s5 =	sshrl.u32 s5, $0x3;
	s21 =	simm.s32 $0x100;
	s22 =	sshrl.u32 s22, $0x3  }
0x14: {  	s23 =	sshrl.u32 s23, $0x3;
	s20 =	sadd.s32 s0, s8;
	s8 =	smax.u32 s9, $0x1  }
0x15: {  	s9 =	sadd.s32 $0x4000, s6;
	s13 =	sadd.s32 s0, s13;
	s14 =	sadd.s32 s0, s17  }
0x16: {  	s15 =	sadd.s32 s0, s25;
	s16 =	sadd.s32 s0, s5;
	s17 =	sadd.s32 $0xDE00, s1  }
0x17: {  	s24 =	sshrl.u32 s24, $0x3;
	s25 =	sshrl.u32 s26, $0x3;
	s26 =	simm.s32 $0x180  }
0x18: {  	s0 =	simm.s32 $0x0;
	[dreg:$0x5] =	wrdreg s20;
	s20 =	simm.s32 $0x80  }
.LBB2_1:
0x19: {  	s1 =	rddreg [dreg:$0x4]  }
0x1a: {  	[tilespmem:s18], [sflag:$0x1] =	stream.linear.gather [hbm4b:s1+s4], $0x4000, $0x38;
	[tilespmem:$0x18400] =	vst v63  }
0x1b: {  	_ =	swait.ge [sflag:s19], $0x4000  }
0x1c: {  	[sflag:s19] =	ssyncset.done $0x0  }
0x1d: {  	[sflag:s19] =	ssyncadd.s32 $0xFFFFC000  }
0x1e: {  	[spmem:s6] =	stream.linear.scatter [tilespmem:s18], [sflag:$0x1], $0x4000, $0x38;
	[tilespmem:$0x18400] =	vst v63  }
0x1f: {  	_ =	swait.ge [sflag:s19], $0x4000  }
0x20: {  	[sflag:s19] =	ssyncset.done $0x0  }
0x21: {  	[sflag:s19] =	ssyncadd.s32 $0xFFFFC000  }
0x22: {  	[spmem:s9] =	stream.linear.scatter [tilespmem:s18], [sflag:$0x1], $0x4000, $0x38;
	[tilespmem:$0x18400] =	vst v63  }
0x23: {  	_ =	swait.ge [sflag:s19], $0x4000  }
0x24: {  	[sflag:s19] =	ssyncset.done $0x0  }
0x25: {  	[sflag:s19] =	ssyncadd.s32 $0xFFFFC000  }
0x26: {  	[spmem:s10] =	stream.linear.scatter [tilespmem:s18], [sflag:$0x1], $0x4000, $0x38;
	[tilespmem:$0x18400] =	vst v63  }
0x27: {  	_ =	swait.ge [sflag:s19], $0x4000  }
0x28: {  	[sflag:s19] =	ssyncset.done $0x0  }
0x29: {  	[sflag:s19] =	ssyncadd.s32 $0xFFFFC000  }
0x2a: {  	[spmem:s11] =	stream.linear.scatter [tilespmem:s18], [sflag:$0x1], $0x4000, $0x38;
	[tilespmem:$0x18400] =	vst v63  }
0x2b: {  	_ =	swait.ge [sflag:s19], $0x4000  }
0x2c: {  	[sflag:s19] =	ssyncset.done $0x0  }
0x2d: {  	[sflag:s19] =	ssyncadd.s32 $0xFFFFC000  }
0x2e: {  	[spmem:s12] =	stream.linear.scatter [tilespmem:s18], [sflag:$0x1], $0x4000, $0x38;
	[tilespmem:$0x18400] =	vst v63  }
0x2f: {  	_ =	swait.ge [sflag:s19], $0x4000  }
0x30: {  	[sflag:s19] =	ssyncset.done $0x0  }
0x31: {  	[sflag:s19] =	ssyncadd.s32 $0xFFFFC000  }
0x32: {  	s5 =	rddreg [dreg:$0x1]  }
0x33: {  	[tilespmem:s18], [sflag:$0x1] =	stream.linear.gather [hbm4b:s5+s4], $0x4000, $0x38;
	[tilespmem:$0x18400] =	vst v63  }
0x34: {  	_ =	swait.ge [sflag:s19], $0x4000  }
0x35: {  	[sflag:s19] =	ssyncset.done $0x0  }
0x36: {  	[sflag:s19] =	ssyncadd.s32 $0xFFFFC000  }
0x37: {  	s7 =	sadd.s32 $0x0, s17;
	[bflag:$0x0] =	sbarrier.arrive $0xFFFF  }
0x38: {  	[tilespmem:s4], [sflag:$0x1] =	stream.linear.gather [hbm4b:s7+s4], $0x400, $0x38;
	[tilespmem:$0x18400] =	vst v63  }
0x39: {  	_ =	swait.ge [sflag:s19], $0x400  }
0x3a: {  	[sflag:s19] =	ssyncset.done $0x0  }
0x3b: {  	[sflag:s19] =	ssyncadd.s32 $0xFFFFFC00  }
0x3c: {  	[spmem:s3] =	stream.indirect.scatter.add.f32 [tilespmem:s18], [sflag:$0x1], $0x80, s4, s20, $0xb8;
	[tilespmem:$0x18400] =	vst v63  }
0x3d: {  	_ =	swait.ge [sflag:s19], $0x4000  }
0x3e: {  	[sflag:s19] =	ssyncset.done $0x0  }
0x3f: {  	[sflag:s19] =	ssyncadd.s32 $0xFFFFC000  }
0x40: {  	[spmem:s3] =	stream.indirect.scatter.add.f32 [tilespmem:s18], [sflag:$0x1], $0x80, s20, s20, $0xb8;
	[tilespmem:$0x18400] =	vst v63  }
0x41: {  	_ =	swait.ge [sflag:s19], $0x4000  }
0x42: {  	[sflag:s19] =	ssyncset.done $0x0  }
0x43: {  	[sflag:s19] =	ssyncadd.s32 $0xFFFFC000  }
0x44: {  	[spmem:s3] =	stream.indirect.scatter.add.f32 [tilespmem:s18], [sflag:$0x1], $0x80, s21, s20, $0xb8;
	[tilespmem:$0x18400] =	vst v63  }
0x45: {  	_ =	swait.ge [sflag:s19], $0x4000  }
0x46: {  	[sflag:s19] =	ssyncset.done $0x0  }
0x47: {  	[sflag:s19] =	ssyncadd.s32 $0xFFFFC000  }
0x48: {  	[spmem:s3] =	stream.indirect.scatter.add.f32 [tilespmem:s18], [sflag:$0x1], $0x80, s26, s20, $0xb8;
	[tilespmem:$0x18400] =	vst v63  }
0x49: {  	_ =	swait.ge [sflag:s19], $0x4000  }
0x4a: {  	[sflag:s19] =	ssyncset.done $0x0  }
0x4b: {  	[sflag:s19] =	ssyncadd.s32 $0xFFFFC000  }
0x4c: {  	[spmem:s3] =	stream.indirect.scatter.add.f32 [tilespmem:s18], [sflag:$0x1], $0x80, s28, s20, $0xb8;
	[tilespmem:$0x18400] =	vst v63  }
0x4d: {  	_ =	swait.ge [sflag:s19], $0x4000  }
0x4e: {  	[sflag:s19] =	ssyncset.done $0x0  }
0x4f: {  	[sflag:s19] =	ssyncadd.s32 $0xFFFFC000  }
0x50: {  	[spmem:s3] =	stream.indirect.scatter.add.f32 [tilespmem:s18], [sflag:$0x1], $0x80, s29, s20, $0xb8;
	[tilespmem:$0x18400] =	vst v63  }
0x51: {  	_ =	swait.ge [sflag:s19], $0x4000  }
0x52: {  	[sflag:s19] =	ssyncset.done $0x0  }
0x53: {  	[sflag:s19] =	ssyncadd.s32 $0xFFFFC000  }
0x54: {  	[spmem:s3] =	stream.indirect.scatter.add.f32 [tilespmem:s18], [sflag:$0x1], $0x80, s30, s20, $0xb8;
	[tilespmem:$0x18400] =	vst v63  }
0x55: {  	_ =	swait.ge [sflag:s19], $0x4000  }
0x56: {  	[sflag:s19] =	ssyncset.done $0x0  }
0x57: {  	[sflag:s19] =	ssyncadd.s32 $0xFFFFC000  }
0x58: {  	[spmem:s3] =	stream.indirect.scatter.add.f32 [tilespmem:s18], [sflag:$0x1], $0x80, s31, s20, $0xb8;
	[tilespmem:$0x18400] =	vst v63  }
0x59: {  	_ =	swait.ge [sflag:s19], $0x4000  }
0x5a: {  	s2 =	simm.s32 $0x80;
	s1 =	simm.s32 $0x100;
	[sflag:s19] =	ssyncset.done $0x0  }
.LBB2_2:
0x5b: {  	s7 =	sadd.s32 s2, s17  }
0x5c: {  	[sflag:s19] =	ssyncadd.s32 $0xFFFFC000;
	s2 =	smov.u32 s1;
	s5 =	sadd.s32 $0x80, s1  }
0x5d: {  	[tilespmem:s4], [sflag:$0x1] =	stream.linear.gather [hbm4b:s7+s4], $0x400, $0x38;
	[tilespmem:$0x18400] =	vst v63  }
0x5e: {  	p0 =	sne.s32 s1, $0x480;
	_ =	swait.ge [sflag:s19], $0x400  }
0x5f: {  	[sflag:s19] =	ssyncset.done $0x0  }
0x60: {  	[sflag:s19] =	ssyncadd.s32 $0xFFFFFC00  }
0x61: {  	[spmem:s3] =	stream.indirect.scatter.add.f32 [tilespmem:s18], [sflag:$0x1], $0x80, s4, s20, $0xb8;
	[tilespmem:$0x18400] =	vst v63  }
0x62: {  	_ =	swait.ge [sflag:s19], $0x4000  }
0x63: {  	[sflag:s19] =	ssyncset.done $0x0  }
0x64: {  	[sflag:s19] =	ssyncadd.s32 $0xFFFFC000  }
0x65: {  	[spmem:s3] =	stream.indirect.scatter.add.f32 [tilespmem:s18], [sflag:$0x1], $0x80, s20, s20, $0xb8;
	[tilespmem:$0x18400] =	vst v63  }
0x66: {  	_ =	swait.ge [sflag:s19], $0x4000  }
0x67: {  	[sflag:s19] =	ssyncset.done $0x0  }
0x68: {  	[sflag:s19] =	ssyncadd.s32 $0xFFFFC000  }
0x69: {  	[spmem:s3] =	stream.indirect.scatter.add.f32 [tilespmem:s18], [sflag:$0x1], $0x80, s21, s20, $0xb8;
	[tilespmem:$0x18400] =	vst v63  }
0x6a: {  	_ =	swait.ge [sflag:s19], $0x4000  }
0x6b: {  	[sflag:s19] =	ssyncset.done $0x0  }
0x6c: {  	[sflag:s19] =	ssyncadd.s32 $0xFFFFC000  }
0x6d: {  	[spmem:s3] =	stream.indirect.scatter.add.f32 [tilespmem:s18], [sflag:$0x1], $0x80, s26, s20, $0xb8;
	[tilespmem:$0x18400] =	vst v63  }
0x6e: {  	_ =	swait.ge [sflag:s19], $0x4000  }
0x6f: {  	[sflag:s19] =	ssyncset.done $0x0  }
0x70: {  	[sflag:s19] =	ssyncadd.s32 $0xFFFFC000  }
0x71: {  	[spmem:s3] =	stream.indirect.scatter.add.f32 [tilespmem:s18], [sflag:$0x1], $0x80, s28, s20, $0xb8;
	[tilespmem:$0x18400] =	vst v63  }
0x72: {  	_ =	swait.ge [sflag:s19], $0x4000  }
0x73: {  	[sflag:s19] =	ssyncset.done $0x0  }
0x74: {  	[sflag:s19] =	ssyncadd.s32 $0xFFFFC000  }
0x75: {  	[spmem:s3] =	stream.indirect.scatter.add.f32 [tilespmem:s18], [sflag:$0x1], $0x80, s29, s20, $0xb8;
	[tilespmem:$0x18400] =	vst v63  }
0x76: {  	_ =	swait.ge [sflag:s19], $0x4000  }
0x77: {  	[sflag:s19] =	ssyncset.done $0x0  }
0x78: {  	[sflag:s19] =	ssyncadd.s32 $0xFFFFC000  }
0x79: {  	[spmem:s3] =	stream.indirect.scatter.add.f32 [tilespmem:s18], [sflag:$0x1], $0x80, s30, s20, $0xb8;
	[tilespmem:$0x18400] =	vst v63  }
0x7a: {  	_ =	swait.ge [sflag:s19], $0x4000  }
.Ltmp0:
0x7b: {  	[sflag:s19] =	ssyncset.done $0x0;
	(pc) =	sbr.rel @p0 .LBB2_2-.Ltmp0, $4  }
0x7c: {  	[sflag:s19] =	ssyncadd.s32 $0xFFFFC000  }
0x7d: {  	[spmem:s3] =	stream.indirect.scatter.add.f32 [tilespmem:s18], [sflag:$0x1], $0x80, s31, s20, $0xb8;
	[tilespmem:$0x18400] =	vst v63  }
0x7e: {  	_ =	swait.ge [sflag:s19], $0x4000  }
0x7f: {  	s1 =	smov.u32 s5;
	[sflag:s19] =	ssyncset.done $0x0  }
0x80: {  	s1 =	sadd.s32 s2, s17;
	[sflag:s19] =	ssyncadd.s32 $0xFFFFC000  }
0x81: {  	[tilespmem:s4], [sflag:$0x1] =	stream.linear.gather [hbm4b:s1+s4], $0x400, $0x38;
	[tilespmem:$0x18400] =	vst v63  }
0x82: {  	_ =	swait.ge [sflag:s19], $0x400  }
0x83: {  	[sflag:s19] =	ssyncset.done $0x0  }
0x84: {  	[sflag:s19] =	ssyncadd.s32 $0xFFFFFC00  }
0x85: {  	[spmem:s3] =	stream.indirect.scatter.add.f32 [tilespmem:s18], [sflag:$0x1], $0x80, s4, s20, $0xb8;
	[tilespmem:$0x18400] =	vst v63  }
0x86: {  	_ =	swait.ge [sflag:s19], $0x4000  }
0x87: {  	[sflag:s19] =	ssyncset.done $0x0  }
0x88: {  	[sflag:s19] =	ssyncadd.s32 $0xFFFFC000  }
0x89: {  	[spmem:s3] =	stream.indirect.scatter.add.f32 [tilespmem:s18], [sflag:$0x1], $0x80, s20, s20, $0xb8;
	[tilespmem:$0x18400] =	vst v63  }
0x8a: {  	_ =	swait.ge [sflag:s19], $0x4000  }
0x8b: {  	[sflag:s19] =	ssyncset.done $0x0  }
0x8c: {  	[sflag:s19] =	ssyncadd.s32 $0xFFFFC000  }
0x8d: {  	[spmem:s3] =	stream.indirect.scatter.add.f32 [tilespmem:s18], [sflag:$0x1], $0x80, s21, s20, $0xb8;
	[tilespmem:$0x18400] =	vst v63  }
0x8e: {  	_ =	swait.ge [sflag:s19], $0x4000  }
0x8f: {  	[sflag:s19] =	ssyncset.done $0x0  }
0x90: {  	[sflag:s19] =	ssyncadd.s32 $0xFFFFC000  }
0x91: {  	[spmem:s3] =	stream.indirect.scatter.add.f32 [tilespmem:s18], [sflag:$0x1], $0x80, s26, s20, $0xb8;
	[tilespmem:$0x18400] =	vst v63  }
0x92: {  	_ =	swait.ge [sflag:s19], $0x4000  }
0x93: {  	[sflag:s19] =	ssyncset.done $0x0  }
0x94: {  	[sflag:s19] =	ssyncadd.s32 $0xFFFFC000  }
0x95: {  	[spmem:s3] =	stream.indirect.scatter.add.f32 [tilespmem:s18], [sflag:$0x1], $0x80, s28, s20, $0xb8;
	[tilespmem:$0x18400] =	vst v63  }
0x96: {  	_ =	swait.ge [sflag:s19], $0x4000  }
0x97: {  	[sflag:s19] =	ssyncset.done $0x0  }
0x98: {  	[sflag:s19] =	ssyncadd.s32 $0xFFFFC000  }
0x99: {  	[spmem:s3] =	stream.indirect.scatter.add.f32 [tilespmem:s18], [sflag:$0x1], $0x80, s29, s20, $0xb8;
	[tilespmem:$0x18400] =	vst v63  }
0x9a: {  	_ =	swait.ge [sflag:s19], $0x4000  }
0x9b: {  	[sflag:s19] =	ssyncset.done $0x0  }
0x9c: {  	[sflag:s19] =	ssyncadd.s32 $0xFFFFC000  }
0x9d: {  	[spmem:s3] =	stream.indirect.scatter.add.f32 [tilespmem:s18], [sflag:$0x1], $0x80, s30, s20, $0xb8;
	[tilespmem:$0x18400] =	vst v63  }
0x9e: {  	_ =	swait.ge [sflag:s19], $0x4000  }
0x9f: {  	[sflag:s19] =	ssyncset.done $0x0  }
0xa0: {  	[sflag:s19] =	ssyncadd.s32 $0xFFFFC000  }
0xa1: {  	[spmem:s3] =	stream.indirect.scatter.add.f32 [tilespmem:s18], [sflag:$0x1], $0x80, s31, s20, $0xb8;
	[tilespmem:$0x18400] =	vst v63  }
0xa2: {  	_ =	swait.ge [sflag:s19], $0x4000  }
0xa3: {  	[sflag:s19] =	ssyncset.done $0x0  }
0xa4: {  	s5 =	stileid.u32;
	[sflag:s19] =	ssyncadd.s32 $0xFFFFC000  }
0xa5: {  	s1 =	sshll.u32 s5, $0x6;
	[bflag:$0x0] =	sbarrier.arrive $0xFFFF  }
0xa6: {  	s7 =	sshrl.u32 s6, $0x3;
	s1 =	sor.u32 $0x1C01, s1;
	s5 =	rddreg [dreg:$0x5]  }
0xa7: {  	[hbm:s5], [sflag:s1] =	dma.local [spmem:s7], $0x800  }
0xa8: {  	_ =	swait.ge [sflag:s19], $0x800  }
0xa9: {  	[sflag:s19] =	ssyncset.done $0x0  }
0xaa: {  	[sflag:s19] =	ssyncadd.s32 $0xFFFFF800  }
0xab: {  	[hbm:s13], [sflag:s1] =	dma.local [spmem:s22], $0x800  }
0xac: {  	_ =	swait.ge [sflag:s19], $0x800  }
0xad: {  	[sflag:s19] =	ssyncset.done $0x0  }
0xae: {  	[sflag:s19] =	ssyncadd.s32 $0xFFFFF800  }
0xaf: {  	[hbm:s14], [sflag:s1] =	dma.local [spmem:s23], $0x800  }
0xb0: {  	_ =	swait.ge [sflag:s19], $0x800  }
0xb1: {  	[sflag:s19] =	ssyncset.done $0x0  }
0xb2: {  	[sflag:s19] =	ssyncadd.s32 $0xFFFFF800  }
0xb3: {  	[hbm:s15], [sflag:s1] =	dma.local [spmem:s24], $0x800  }
0xb4: {  	s0 =	sadd.s32 $0x1, s0;
	_ =	swait.ge [sflag:s19], $0x800  }
0xb5: {  	p0 =	sne.s32 s0, s8;
	[sflag:s19] =	ssyncset.done $0x0  }
.Ltmp1:
0xb6: {  	[sflag:s19] =	ssyncadd.s32 $0xFFFFF800;
	(pc) =	sbr.rel @p0 .LBB2_1-.Ltmp1, $4  }
0xb7: {  	[hbm:s16], [sflag:s1] =	dma.local [spmem:s25], $0x800  }
0xb8: {  	_ =	swait.ge [sflag:s19], $0x800  }
0xb9: {  	[sflag:s19] =	ssyncset.done $0x0  }
0xba: {  	[sflag:s19] =	ssyncadd.s32 $0xFFFFF800  }
0xbb: {  	_ =	sfence.sel $0x180000  }
0xbc: {  	[bflag:$0x0] =	sbarrier.arrive $0xFFFF  }
0xbd: {  	_ =	strace $0x90000047  }
0xbe: {  	s0 =	stileid.u32;
	[bflag:$0x2] =	sbarrier.arrive $0xFFFF  }
0xbf: {  	p0 =	sne.s32 s0, $0x0;
	s0 =	rddreg [dreg:$0x3]  }
0xc0: {  	s0 =	sadd.s32 @!p0 $0x100000, s0  }
0xc1: {  	[sflag:s0] =	ssyncadd.tile.s32 @!p0 $0x1;
	_ =	shalt  }
.Lfunc_end2:
_tile_overlayer_lowered:
.L_overlay_start_2:
0xc2: {  	(tag) =	ssettag $0x2  }
0xc3: {  	s0 =	rddreg [dreg:$0x0];
	s2 =	stileid.u32  }
0xc4: {  	s1 =	rddreg [dreg:$0x1];
	p0 =	sne.s32 s2, $0x0  }
0xc5: {  	s3 =	rddreg [dreg:$0x2];
	[bflag:$0x3] =	sbarrier.arrive $0xFFFF;
	s2 =	simm.s32 @!p0 $0x1C01  }
0xc6: {  	[timem:s3], [sflag:s2] =	dma.local @!p0 [hbm:s0], s1  }
0xc7: {  	s0 =	simm.s32 @!p0 $0x1  }
0xc8: {  	_ =	swait.ge @!p0 [sflag:s0], s1  }
0xc9: {  	s1 =	ssub.s32 @!p0 $0x0, s1;
	[sflag:s0] =	ssyncset.done @!p0 $0x0  }
0xca: {  	[sflag:s0] =	ssyncadd.s32 @!p0 s1  }
0xcb: {  	[bflag:$0x3] =	sbarrier.arrive $0xFFFF  }
0xcc: {  	_ =	shalt  }

// kernel: kernel.13.cloned.1.call-start
scs
__scs_entry_jumppad:
0x0: {  	(pc) =	sbr.rel $0x88, $3  }
0x1: {  	(tag) =	ssettag $0x0;
	lr =	simm.s32 $0x1  }
0x2: {  	[smem:$0x3F90] =	sst lr;
	_ =	strace $0xD0000000  }
0x3: {  	_ = 	snop  }
0x4: {  	_ = 	snop  }
0x5: {  	_ = 	snop  }
0x6: {  	_ = 	snop  }
0x7: {  	_ = 	snop  }
__scs_overlays_trampoline_lowered:
0x8: {  	[smem:$0x3F9F] =	sst s0  }
0x9: {  	[smem:$0x3FA0] =	sst s1  }
0xa: {  	[smem:$0x3FA1] =	sst s2  }
0xb: {  	[smem:$0x3FA2] =	sst s3  }
0xc: {  	[smem:$0x3FA3] =	sst s4  }
0xd: {  	[smem:$0x3FA4] =	sst s5  }
0xe: {  	[smem:$0x3FA5] =	sst s6  }
0xf: {  	[smem:$0x3FA6] =	sst s7  }
0x10: {  	[smem:$0x3FA7] =	sst s8  }
0x11: {  	[smem:$0x3FA8] =	sst s9;
	s0 =	simm.s32 @!p0 $0x0  }
0x12: {  	s1 =	sld [smem:$0x3F8E];
	s0 =	simm.s32 @p0 $0x1  }
0x13: {  	[smem:$0x3FA9] =	sst s0;
	s0 =	simm.s32 @!p1 $0x0  }
0x14: {  	s2 =	sld [smem:$0x3F8D];
	s0 =	simm.s32 @p1 $0x1  }
0x15: {  	[smem:$0x3FAA] =	sst s0;
	s0 =	simm.s32 @!p2 $0x0  }
0x16: {  	s3 =	sld [smem:$0x3FDB];
	s0 =	simm.s32 @p2 $0x1  }
0x17: {  	s4 =	simm.s32 $0x1BF5;
	[smem:$0x3FAC] =	sst s0  }
0x18: {  	s0 =	sld [smem:$0x3F8F];
	_ =	swait.ge [sflag:s4], $0x0  }
0x19: {  	s7 =	sld [smem:$0x3F90]  }
0x1a: {  	s8 =	sadd.s32 $0xFFFFE003, lr  }
0x1b: {  	s9 =	sadd.s32 $0xFFFFFEF7, lr;
	s5 =	simm.s32 $0xFFFFFFFF;
	p2 =	slt.u32 s8, $0xFFFFF086  }
0x1c: {  	p1 =	slt.u32 s9, $0xF7A;
	s5 =	simm.s32 @!p2 $0x0  }
0x1d: {  	s5 =	simm.s32 @p1 $0x1;
	p0 =	seq.s32 s7, s2  }
0x1e: {  	s7 =	smul.u32 @!p0 $0xF7A, s2;
	p2 =	seq.s32 @!p0 s5, $0x0  }
0x1f: {  	s9 =	smul.u32 $0xF7A, s1;
	s8 =	simm.s32 @!p0 $0x1BF5;
	p2 =	por !p2, p0  }
0x20: {  	[sflag:s8] =	ssyncset.s32 @!p0 $0xFFFFF086;
	s6 =	sadd.s32 @!p0 s3, s7;
	s7 =	simm.s32 @!p0 $0x108  }
0x21: {  	s3 =	sadd.s32 s3, s9;
	s6 =	sadd.s32 @!p0 $0x88, s6;
	s7 =	simm.s32 @p2 $0x1082  }
0x22: {  	[simem:s7], [sflag:s8] =	dma.local @!p0 [hbm:s6], $0xF7A  }
0x23: {  	s9 =	sor.u32 $0xD0000000, s2;
	s6 =	simm.s32 $0x108;
	_ =	swait.ge @!p0 [sflag:s8], $0x0  }
0x24: {  	s3 =	sadd.s32 $0x88, s3;
	s6 =	simm.s32 @!p1 $0x1082;
	[sflag:s4] =	ssyncset.s32 $0xFFFFF086  }
0x25: {  	[simem:s6], [sflag:s4] =	dma.local [hbm:s3], $0xF7A  }
0x26: {  	[smem:$0x3F90] =	sst s1;
	(tag) =	ssettag s2;
	_ =	strace s9  }
0x27: {  	s1 =	sld [smem:$0x3FA0]  }
0x28: {  	s2 =	sld [smem:$0x3FA1]  }
0x29: {  	s4 =	sld [smem:$0x3FA3]  }
0x2a: {  	p0 =	seq.s32 s5, $0x0;
	s5 =	sld [smem:$0x3FA4]  }
0x2b: {  	s6 =	sld [smem:$0x3FA5]  }
0x2c: {  	s7 =	sld [smem:$0x3FA6]  }
0x2d: {  	s3 =	simm.s32 $0x108;
	s8 =	sld [smem:$0x3FA7]  }
0x2e: {  	s3 =	simm.s32 @!p0 $0x1082;
	s9 =	sld [smem:$0x3FA8]  }
0x2f: {  	lr =	sadd.s32 s0, s3;
	s0 =	sld [smem:$0x3F9F]  }
0x30: {  	s3 =	sld [smem:$0x3FA2]  }
0x31: {  	[smem:$0x3FAB] =	sst s10  }
0x32: {  	s10 =	sld [smem:$0x3FA9];
	_ =	sdelay $0x3  }
0x33: {  	p0 =	seq.s32 s10, $0x1;
	s10 =	sld [smem:$0x3FAB];
	_ =	sdelay $0x3  }
0x34: {  	[smem:$0x3FAB] =	sst s10  }
0x35: {  	s10 =	sld [smem:$0x3FAA];
	_ =	sdelay $0x3  }
0x36: {  	p1 =	seq.s32 s10, $0x1;
	s10 =	sld [smem:$0x3FAB];
	_ =	sdelay $0x3  }
0x37: {  	[smem:$0x3FAB] =	sst s10  }
0x38: {  	s10 =	sld [smem:$0x3FAC]  }
0x39: {  	_ = 	snop;
	(pc) =	sbr.ind lr, $3  }
0x3a: {  	_ = 	snop  }
0x3b: {  	_ = 	snop  }
0x3c: {  	p2 =	seq.s32 s10, $0x1;
	s10 =	sld [smem:$0x3FAB]  }
0x3d: {  	_ =	shalt  }
0x3e: {  	_ =	shalt  }
0x3f: {  	_ =	shalt  }
0x40: {  	_ =	shalt  }
0x41: {  	_ =	shalt  }
0x42: {  	_ =	shalt  }
0x43: {  	_ =	shalt  }
0x44: {  	_ =	shalt  }
0x45: {  	_ =	shalt  }
0x46: {  	_ =	shalt  }
0x47: {  	_ =	shalt  }
0x48: {  	_ =	shalt  }
0x49: {  	_ =	shalt  }
0x4a: {  	_ =	shalt  }
0x4b: {  	_ =	shalt  }
0x4c: {  	_ =	shalt  }
0x4d: {  	_ =	shalt  }
0x4e: {  	_ =	shalt  }
0x4f: {  	_ =	shalt  }
0x50: {  	_ =	shalt  }
0x51: {  	_ =	shalt  }
0x52: {  	_ =	shalt  }
0x53: {  	_ =	shalt  }
0x54: {  	_ =	shalt  }
0x55: {  	_ =	shalt  }
0x56: {  	_ =	shalt  }
0x57: {  	_ =	shalt  }
0x58: {  	_ =	shalt  }
0x59: {  	_ =	shalt  }
0x5a: {  	_ =	shalt  }
0x5b: {  	_ =	shalt  }
0x5c: {  	_ =	shalt  }
0x5d: {  	_ =	shalt  }
0x5e: {  	_ =	shalt  }
0x5f: {  	_ =	shalt  }
0x60: {  	_ =	shalt  }
0x61: {  	_ =	shalt  }
0x62: {  	_ =	shalt  }
0x63: {  	_ =	shalt  }
0x64: {  	_ =	shalt  }
0x65: {  	_ =	shalt  }
0x66: {  	_ =	shalt  }
0x67: {  	_ =	shalt  }
0x68: {  	_ =	shalt  }
0x69: {  	_ =	shalt  }
0x6a: {  	_ =	shalt  }
0x6b: {  	_ =	shalt  }
0x6c: {  	_ =	shalt  }
0x6d: {  	_ =	shalt  }
0x6e: {  	_ =	shalt  }
0x6f: {  	_ =	shalt  }
0x70: {  	_ =	shalt  }
0x71: {  	_ =	shalt  }
0x72: {  	_ =	shalt  }
0x73: {  	_ =	shalt  }
0x74: {  	_ =	shalt  }
0x75: {  	_ =	shalt  }
0x76: {  	_ =	shalt  }
0x77: {  	_ =	shalt  }
0x78: {  	_ =	shalt  }
0x79: {  	_ =	shalt  }
0x7a: {  	_ =	shalt  }
0x7b: {  	_ =	shalt  }
0x7c: {  	_ =	shalt  }
0x7d: {  	_ =	shalt  }
0x7e: {  	_ =	shalt  }
0x7f: {  	_ =	shalt  }
0x80: {  	_ =	shalt  }
0x81: {  	_ =	shalt  }
0x82: {  	_ =	shalt  }
0x83: {  	_ =	shalt  }
0x84: {  	_ =	shalt  }
0x85: {  	_ =	shalt  }
0x86: {  	_ =	shalt  }
0x87: {  	_ =	shalt  }
.Lfunc_end0:
.L_simem_size_0:
called_computation.1_lowered:
.L_overlay_start_0:
0x88: {  	s2 =	sld [smem:$0x3FD9]  }
0x89: {  	s3 =	sld [smem:$0x3FFE];
	_ =	sdelay $0x1  }
0x8a: {  	s1 =	srdreg.scid  }
0x8b: {  	s0 =	sand.u32 $0x1, s1  }
0x8c: {  	s14 =	sshll.u32 s0, $0xA;
	s2 =	sadd.s32 s3, s2  }
0x8d: {  	s2 =	sadd.s32 s2, s14  }
0x8e: {  	[smem:$0x3FB7] =	sst s2  }
0x8f: {  	_ = 	snop  }
0x90: {  	s2 =	sld [smem:$0x3FD0];
	_ =	sdelay $0x2  }
0x91: {  	s15 =	simm.s32 $0xA;
	s4 =	simm.s32 $0x10  }
0x92: {  	[smem:s4], [sflag:s15] =	dma.local [hbm:s2], $0x1  }
0x93: {  	_ =	swait.eq [sflag:s15], $0x1  }
0x94: {  	[sflag:s15] =	ssyncset.done $0x0  }
0x95: {  	[sflag:s15] =	ssyncadd.s32 $0xFFFFFFFF  }
0x96: {  	s16 =	sld [smem:$0x13];
	(tm) =	ssettm $0x1  }
0x97: {  	s17 =	sld [smem:$0x3FFB];
	_ =	sdelay $0x3  }
0x98: {  	_ =	strace s17  }
0x99: {  	s3 =	sld [smem:$0x3FFC];
	_ =	sdelay $0x3  }
0x9a: {  	_ =	strace s3  }
0x9b: {  	s3 =	sld [smem:$0x3FFD];
	_ =	sdelay $0x3  }
0x9c: {  	_ =	strace s3  }
0x9d: {  	_ =	strace $0x8FFFFFFF  }
0x9e: {  	s18 =	sld [smem:$0x3FDB];
	_ =	sdelay $0x1  }
0x9f: {  	s19 =	simm.s32 $_scs_section_size  }
0xa0: {  	s5 =	simm.s32 $_size__tile_overlayer_lowered;
	s6 =	simm.s32 $_tile_overlayer_lowered  }
0xa1: {  	s22 =	simm.s32 $0x1BFF;
	s21 =	sshll.u32 s6, $0x1;
	s3 =	sadd.s32 s19, s18  }
0xa2: {  	s7 =	simm.s32 $0x0;
	s20 =	sshll.u32 s5, $0x1;
	s5 =	sadd.s32 s21, s3  }
0xa3: {  	[timem:s7], [sflag:s22] =	dma.local [hbm:s5], s20  }
0xa4: {  	_ =	swait.ge [sflag:s22], s20  }
0xa5: {  	s4 =	ssub.s32 $0x0, s20;
	[sflag:s22] =	ssyncset.done $0x0  }
0xa6: {  	[sflag:s22] =	ssyncadd.s32 s4;
	_ =	sdelay $0x1  }
0xa7: {  	s23 =	simm.s32 $0x1B8B  }
0xa8: {  	_ =	swait.ge [sflag:s23], $0x1  }
0xa9: {  	[sflag:s23] =	ssyncset.done $0x0  }
0xaa: {  	s25 =	simm.s32 $0x1B8E;
	s24 =	sld [smem:$0x3FFE];
	[sflag:s23] =	ssyncadd.s32 $0xFFFFFFFF  }
0xab: {  	s26 =	simm.s32 $execute0_lowered;
	[smem:$0x3FD2] =	sst s25  }
0xac: {  	s5 =	sshll.u32 s26, $0x1;
	_ =	strace $0x80000049;
	[dreg:$0x1] =	wrdreg $0xFFFFFFFF  }
0xad: {  	s28 =	simm.s32 $_size_execute0_lowered;
	s3 =	sadd.s32 s3, s5;
	[dreg:$0x0] =	wrdreg $0x0  }
0xae: {  	s5 =	sshll.u32 s28, $0x1;
	[dreg:$0x2] =	wrdreg s3  }
0xaf: {  	[dreg:$0x3] =	wrdreg s5  }
0xb0: {  	[dreg:$0x4] =	wrdreg $0xC0  }
0xb1: {  	_ =	task [dreg:s7], $0x5FFFF  }
0xb2: {  	[dreg:$0x1] =	wrdreg $0xFFFFFFFF  }
0xb3: {  	[dreg:$0x0] =	wrdreg $0x60  }
0xb4: {  	[dreg:$0x2] =	wrdreg s16  }
0xb5: {  	[dreg:$0x3] =	wrdreg s24  }
0xb6: {  	[dreg:$0x4] =	wrdreg $0x88000  }
0xb7: {  	[dreg:$0x5] =	wrdreg $0x9  }
0xb8: {  	_ =	task.clear_ibuf [dreg:s7], $0x6FFFF;
	_ =	strace $0x90000049  }
0xb9: {  	s29 =	simm.s32 $0x9;
	_ =	strace $0x8000004B  }
0xba: {  	_ =	swait.ge [sflag:s29], $0x1  }
0xbb: {  	[sflag:s29] =	ssyncadd.s32 $0xFFFFFFFF  }
0xbc: {  	_ =	strace $0x9000004B  }
0xbd: {  	_ =	sfence  }
0xbe: {  	s30 =	sld [smem:$0x0];
	_ =	sdelay $0x2  }
0xbf: {  	s31 =	sshll.u32 s1, $0xD;
	s1 =	sshrl.u32 s1, $0x2  }
0xc0: {  	s3 =	sand.u32 $0x4000, s31;
	s1 =	sadd.s32 s1, s30  }
0xc1: {  	s0 =	sor.u32 s3, s0;
	s1 =	sshll.u32 s1, $0x11  }
0xc2: {  	s0 =	sor.u32 s1, s0  }
0xc3: {  	s0 =	sadd.s32 $0x8F2B, s0  }
0xc4: {  	[sflag:s0] =	ssyncadd.remote.s32 $0x1  }
0xc5: {  	_ =	sfence.sel $0xFFFF  }
0xc6: {  	[dreg:$0x0] =	wrdreg $0xFFFFFFFF;
	(pc) =	sbr.abs _section_cstart, $3  }
0xc7: {  	[dreg:$0x1] =	wrdreg $0xFFFFFFFF  }
0xc8: {  	_ =	task.clear_ibuf [dreg:s7], $0x2FFFF;
	_ =	strace $0x9FFFFFFF  }
0xc9: {  	(tm) =	ssettm $0x7FFFFFFF  }
tec
execute0_lowered:
.L_overlay_start_1:
0x0: {  	(tag) =	ssettag $0x1  }
0x1: {  	s2 =	rddreg [dreg:$0x0]  }
0x2: {  	s0 =	rddreg [dreg:$0x1]  }
0x3: {  	s3 =	rddreg [dreg:$0x2]  }
0x4: {  	s10 =	stileid.u32;
	s4 =	simm.s32 $0x0;
	s5 =	srdreg.scid  }
0x5: {  	s28 =	simm.s32 $0x80;
	s29 =	simm.s32 $0x4800;
	s1 =	smul.u32 $0xA00, s10  }
0x6: {  	s30 =	simm.s32 $0x1;
	s31 =	simm.s32 $0x100;
	s9 =	smul.u32 $0x14000, s10  }
0x7: {  	[smem:$0x7FF] =	sst s4;
	s5 =	sand.u32 $0x1, s5;
	s10 =	smul.u32 $0x50000, s10  }
0x8: {  	s6 =	sadd.s32 $0x17E00, s0;
	_ =	strace $0x8000004A;
	s8 =	smul.u32 $0x140000, s5  }
0x9: {  	[dreg:$0x4] =	wrdreg s6;
	s18 =	ssub.s32 $0x2, s5;
	p0 =	seq.s32 s5, $0x0  }
0xa: {  	s6 =	simm.s32 $0xF;
	s5 =	smul.u32 $0x780, s5;
	s1 =	sadd.s32 s1, s0  }
0xb: {  	s0 =	sadd.s32 $0x18600, s0;
	s7 =	sshrl.u32 s18, $0x1;
	s10 =	sshrl.u32 s10, $0x2  }
0xc: {  	s6 =	simm.s32 @!p0 $0x5;
	s23 =	sadd.s32 $0x4000, s9;
	s26 =	sadd.s32 $0x8000, s9  }
0xd: {  	s17 =	sadd.s32 $0xC000, s9;
	s11 =	ssub.s32 s18, s7;
	s19 =	sadd.s32 s8, s9  }
0xe: {  	s7 =	sadd.s32 s10, s3;
	s25 =	sadd.s32 s8, s23;
	s15 =	sadd.s32 s8, s26  }
0xf: {  	s10 =	sadd.s32 s23, s3;
	s18 =	sadd.s32 s8, s17;
	s9 =	sadd.s32 $0x10000, s9  }
0x10: {  	s1 =	sadd.s32 s5, s1;
	s5 =	simm.s32 $0x180;
	s12 =	sshrl.u32 s19, $0x3  }
0x11: {  	s21 =	smax.u32 s11, $0x1;
	s22 =	sadd.s32 $0x4000, s7;
	s24 =	sadd.s32 $0x8000, s7  }
0x12: {  	s13 =	sadd.s32 $0xC000, s7;
	s11 =	sshrl.u32 s25, $0x3;
	[dreg:$0x6] =	wrdreg s21  }
0x13: {  	s14 =	sadd.s32 $0x10000, s7;
	s16 =	sshrl.u32 s15, $0x3;
	[dreg:$0x7] =	wrdreg s22  }
0x14: {  	s8 =	sadd.s32 s8, s9;
	s19 =	sadd.s32 s9, s3;
	[dreg:$0x8] =	wrdreg s24  }
0x15: {  	s25 =	sadd.s32 $0x3E00, s1;
	s9 =	simm.s32 $0x200;
	[dreg:$0x9] =	wrdreg s13  }
0x16: {  	s15 =	simm.s32 $0x380;
	s20 =	sadd.s32 s0, s12;
	[dreg:$0xa] =	wrdreg s14  }
0x17: {  	s11 =	sadd.s32 s0, s11;
	s12 =	sadd.s32 s26, s3;
	s13 =	sshrl.u32 s18, $0x3  }
0x18: {  	s8 =	sshrl.u32 s8, $0x3;
	s24 =	sadd.s32 $0xDE00, s1;
	s21 =	simm.s32 $0x3  }
0x19: {  	s22 =	sshrl.u32 s10, $0x3;
	s1 =	simm.s32 $0x480;
	[dreg:$0x5] =	wrdreg s20  }
0x1a: {  	s10 =	simm.s32 $0x580;
	s14 =	simm.s32 $0x680;
	[dreg:$0xb] =	wrdreg s11  }
0x1b: {  	s11 =	sadd.s32 s0, s16;
	s13 =	sadd.s32 s0, s13;
	[dreg:$0xf] =	wrdreg s22  }
0x1c: {  	s0 =	sadd.s32 s0, s8;
	s20 =	simm.s32 $0x800;
	[dreg:$0xc] =	wrdreg s11  }
0x1d: {  	s23 =	sshrl.u32 s12, $0x3;
	s8 =	simm.s32 $0x500;
	[dreg:$0xd] =	wrdreg s13  }
0x1e: {  	s12 =	simm.s32 $0x600;
	s16 =	simm.s32 $0x700;
	[dreg:$0xe] =	wrdreg s0  }
0x1f: {  	s22 =	simm.s32 $0x0;
	s11 =	sadd.s32 s17, s3;
	[dreg:$0x10] =	wrdreg s23  }
0x20: {  	s0 =	sshrl.u32 s19, $0x3;
	s13 =	simm.s32 $0x300;
	s17 =	simm.s32 $0x780  }
0x21: {  	s26 =	sshrl.u32 s11, $0x3;
	[dreg:$0x12] =	wrdreg s0;
	s0 =	simm.s32 $0x2  }
0x22: {  	s11 =	simm.s32 $0x280;
	[dreg:$0x11] =	wrdreg s26;
	s26 =	simm.s32 $0x400  }
.LBB2_1:
0x23: {  	s18 =	rddreg [dreg:$0x4]  }
0x24: {  	[tilespmem:s20], [sflag:$0x3] =	stream.linear.gather [hbm4b:s18+s4], $0x4000, $0x38;
	[tilespmem:$0x1C800] =	vst v63  }
0x25: {  	_ =	swait.ge [sflag:s21], $0x4000  }
0x26: {  	[sflag:s21] =	ssyncset.done $0x0  }
0x27: {  	[sflag:s21] =	ssyncadd.s32 $0xFFFFC000  }
0x28: {  	[spmem:s7] =	stream.linear.scatter [tilespmem:s20], [sflag:$0x3], $0x4000, $0x38;
	[tilespmem:$0x1C800] =	vst v63  }
0x29: {  	_ =	swait.ge [sflag:s21], $0x4000  }
0x2a: {  	[sflag:s21] =	ssyncset.done $0x0  }
0x2b: {  	s19 =	rddreg [dreg:$0x7];
	[sflag:s21] =	ssyncadd.s32 $0xFFFFC000  }
0x2c: {  	[spmem:s19] =	stream.linear.scatter [tilespmem:s20], [sflag:$0x3], $0x4000, $0x38;
	[tilespmem:$0x1C800] =	vst v63  }
0x2d: {  	_ =	swait.ge [sflag:s21], $0x4000  }
0x2e: {  	[sflag:s21] =	ssyncset.done $0x0  }
0x2f: {  	s23 =	rddreg [dreg:$0x8];
	[sflag:s21] =	ssyncadd.s32 $0xFFFFC000  }
0x30: {  	[spmem:s23] =	stream.linear.scatter [tilespmem:s20], [sflag:$0x3], $0x4000, $0x38;
	[tilespmem:$0x1C800] =	vst v63  }
0x31: {  	_ =	swait.ge [sflag:s21], $0x4000  }
0x32: {  	[sflag:s21] =	ssyncset.done $0x0  }
0x33: {  	s19 =	rddreg [dreg:$0x9];
	[sflag:s21] =	ssyncadd.s32 $0xFFFFC000  }
0x34: {  	[spmem:s19] =	stream.linear.scatter [tilespmem:s20], [sflag:$0x3], $0x4000, $0x38;
	[tilespmem:$0x1C800] =	vst v63  }
0x35: {  	_ =	swait.ge [sflag:s21], $0x4000  }
0x36: {  	[sflag:s21] =	ssyncset.done $0x0  }
0x37: {  	s23 =	rddreg [dreg:$0xa];
	[sflag:s21] =	ssyncadd.s32 $0xFFFFC000  }
0x38: {  	[spmem:s23] =	stream.linear.scatter [tilespmem:s20], [sflag:$0x3], $0x4000, $0x38;
	[tilespmem:$0x1C800] =	vst v63  }
0x39: {  	_ =	swait.ge [sflag:s21], $0x4000  }
0x3a: {  	[sflag:s21] =	ssyncset.done $0x0  }
0x3b: {  	[sflag:s21] =	ssyncadd.s32 $0xFFFFC000  }
0x3c: {  	[bflag:$0x0] =	sbarrier.arrive $0xFFFF  }
0x3d: {  	[tilespmem:s4], [sflag:$0x3] =	stream.linear.gather [hbm4b:s25+s4], $0x400, $0x38;
	[tilespmem:$0x1C800] =	vst v63  }
0x3e: {  	_ =	swait.ge [sflag:s21], $0x400  }
0x3f: {  	[sflag:s21] =	ssyncset.done $0x0  }
0x40: {  	[sflag:s21] =	ssyncadd.s32 $0xFFFFFC00  }
0x41: {  	[tilespmem:s26], [sflag:$0x3] =	stream.linear.gather [hbm4b:s24+s4], $0x400, $0x38;
	[tilespmem:$0x1C800] =	vst v63  }
0x42: {  	_ =	swait.ge [sflag:s21], $0x400  }
0x43: {  	[sflag:s21] =	ssyncset.done $0x0  }
0x44: {  	[sflag:s21] =	ssyncadd.s32 $0xFFFFFC00  }
0x45: {  	[tilespmem:s20], [sflag:$0x1] =	stream.indirect.gather [hbm4b:s2+s28], $0x80, s4, s28, $0xb8;
	[tilespmem:$0x1C800] =	vst v63  }
0x46: {  	_ = 	snop  }
0x47: {  	[tilespmem:s29], [sflag:$0x2] =	stream.indirect.gather [hbm4b:s2+s28], $0x80, s28, s28, $0xb8;
	[tilespmem:$0x1C800] =	vst v63  }
0x48: {  	_ =	swait.ge [sflag:s30], $0x4000  }
0x49: {  	[sflag:s30] =	ssyncset.done $0x0  }
0x4a: {  	[sflag:s30] =	ssyncadd.s32 $0xFFFFC000  }
0x4b: {  	[spmem:s3] =	stream.indirect.scatter.add.f32 [tilespmem:s20], [sflag:$0x3], $0x80, s26, s28, $0xb8;
	[tilespmem:$0x1C800] =	vst v63  }
0x4c: {  	_ =	swait.ge [sflag:s21], $0x4000  }
0x4d: {  	[sflag:s21] =	ssyncset.done $0x0  }
0x4e: {  	[sflag:s21] =	ssyncadd.s32 $0xFFFFC000  }
0x4f: {  	[tilespmem:s20], [sflag:$0x1] =	stream.indirect.gather [hbm4b:s2+s28], $0x80, s31, s28, $0xb8;
	[tilespmem:$0x1C800] =	vst v63  }
0x50: {  	_ =	swait.ge [sflag:s0], $0x4000  }
0x51: {  	[sflag:s0] =	ssyncset.done $0x0  }
0x52: {  	[sflag:s0] =	ssyncadd.s32 $0xFFFFC000  }
0x53: {  	[spmem:s3] =	stream.indirect.scatter.add.f32 [tilespmem:s29], [sflag:$0x3], $0x80, s1, s28, $0xb8;
	[tilespmem:$0x1C800] =	vst v63  }
0x54: {  	_ =	swait.ge [sflag:s21], $0x4000  }
0x55: {  	[sflag:s21] =	ssyncset.done $0x0  }
0x56: {  	[sflag:s21] =	ssyncadd.s32 $0xFFFFC000  }
0x57: {  	[tilespmem:s29], [sflag:$0x2] =	stream.indirect.gather [hbm4b:s2+s28], $0x80, s5, s28, $0xb8;
	[tilespmem:$0x1C800] =	vst v63  }
0x58: {  	_ =	swait.ge [sflag:s30], $0x4000  }
0x59: {  	[sflag:s30] =	ssyncset.done $0x0  }
0x5a: {  	[sflag:s30] =	ssyncadd.s32 $0xFFFFC000  }
0x5b: {  	[spmem:s3] =	stream.indirect.scatter.add.f32 [tilespmem:s20], [sflag:$0x3], $0x80, s8, s28, $0xb8;
	[tilespmem:$0x1C800] =	vst v63  }
0x5c: {  	_ =	swait.ge [sflag:s21], $0x4000  }
0x5d: {  	[sflag:s21] =	ssyncset.done $0x0  }
0x5e: {  	[sflag:s21] =	ssyncadd.s32 $0xFFFFC000  }
0x5f: {  	[tilespmem:s20], [sflag:$0x1] =	stream.indirect.gather [hbm4b:s2+s28], $0x80, s9, s28, $0xb8;
	[tilespmem:$0x1C800] =	vst v63  }
0x60: {  	_ =	swait.ge [sflag:s0], $0x4000  }
0x61: {  	[sflag:s0] =	ssyncset.done $0x0  }
0x62: {  	[sflag:s0] =	ssyncadd.s32 $0xFFFFC000  }
0x63: {  	[spmem:s3] =	stream.indirect.scatter.add.f32 [tilespmem:s29], [sflag:$0x3], $0x80, s10, s28, $0xb8;
	[tilespmem:$0x1C800] =	vst v63  }
0x64: {  	_ =	swait.ge [sflag:s21], $0x4000  }
0x65: {  	[sflag:s21] =	ssyncset.done $0x0  }
0x66: {  	[sflag:s21] =	ssyncadd.s32 $0xFFFFC000  }
0x67: {  	[tilespmem:s29], [sflag:$0x2] =	stream.indirect.gather [hbm4b:s2+s28], $0x80, s11, s28, $0xb8;
	[tilespmem:$0x1C800] =	vst v63  }
0x68: {  	_ =	swait.ge [sflag:s30], $0x4000  }
0x69: {  	[sflag:s30] =	ssyncset.done $0x0  }
0x6a: {  	[sflag:s30] =	ssyncadd.s32 $0xFFFFC000  }
0x6b: {  	[spmem:s3] =	stream.indirect.scatter.add.f32 [tilespmem:s20], [sflag:$0x3], $0x80, s12, s28, $0xb8;
	[tilespmem:$0x1C800] =	vst v63  }
0x6c: {  	_ =	swait.ge [sflag:s21], $0x4000  }
0x6d: {  	[sflag:s21] =	ssyncset.done $0x0  }
0x6e: {  	[sflag:s21] =	ssyncadd.s32 $0xFFFFC000  }
0x6f: {  	[tilespmem:s20], [sflag:$0x1] =	stream.indirect.gather [hbm4b:s2+s28], $0x80, s13, s28, $0xb8;
	[tilespmem:$0x1C800] =	vst v63  }
0x70: {  	_ =	swait.ge [sflag:s0], $0x4000  }
0x71: {  	[sflag:s0] =	ssyncset.done $0x0  }
0x72: {  	[sflag:s0] =	ssyncadd.s32 $0xFFFFC000  }
0x73: {  	[spmem:s3] =	stream.indirect.scatter.add.f32 [tilespmem:s29], [sflag:$0x3], $0x80, s14, s28, $0xb8;
	[tilespmem:$0x1C800] =	vst v63  }
0x74: {  	_ =	swait.ge [sflag:s21], $0x4000  }
0x75: {  	[sflag:s21] =	ssyncset.done $0x0  }
0x76: {  	[sflag:s21] =	ssyncadd.s32 $0xFFFFC000  }
0x77: {  	[tilespmem:s29], [sflag:$0x2] =	stream.indirect.gather [hbm4b:s2+s28], $0x80, s15, s28, $0xb8;
	[tilespmem:$0x1C800] =	vst v63  }
0x78: {  	_ =	swait.ge [sflag:s30], $0x4000  }
0x79: {  	[sflag:s30] =	ssyncset.done $0x0  }
0x7a: {  	[sflag:s30] =	ssyncadd.s32 $0xFFFFC000  }
0x7b: {  	[spmem:s3] =	stream.indirect.scatter.add.f32 [tilespmem:s20], [sflag:$0x3], $0x80, s16, s28, $0xb8;
	[tilespmem:$0x1C800] =	vst v63  }
0x7c: {  	_ =	swait.ge [sflag:s21], $0x4000  }
0x7d: {  	[sflag:s21] =	ssyncset.done $0x0  }
0x7e: {  	[sflag:s21] =	ssyncadd.s32 $0xFFFFC000  }
0x7f: {  	p0 =	sne.s32 s6, $0x1;
	_ =	swait.ge [sflag:s0], $0x4000  }
.Ltmp0:
0x80: {  	[sflag:s0] =	ssyncset.done $0x0;
	(pc) =	sbr.rel @!p0 .LBB2_3-.Ltmp0, $4  }
0x81: {  	[sflag:s0] =	ssyncadd.s32 $0xFFFFC000  }
0x82: {  	[spmem:s3] =	stream.indirect.scatter.add.f32 [tilespmem:s29], [sflag:$0x3], $0x80, s17, s28, $0xb8;
	[tilespmem:$0x1C800] =	vst v63  }
0x83: {  	s18 =	smov.u32 s24;
	_ =	swait.ge [sflag:s21], $0x4000  }
0x84: {  	s19 =	smov.u32 s25;
	s23 =	sadd.s32 $0xFFFFFFFF, s6;
	[sflag:s21] =	ssyncset.done $0x0  }
.LBB2_2:
0x85: {  	[sflag:s21] =	ssyncadd.s32 $0xFFFFC000;
	s18 =	sadd.s32 $0x80, s18;
	s19 =	sadd.s32 $0x80, s19  }
0x86: {  	[tilespmem:s4], [sflag:$0x3] =	stream.linear.gather [hbm4b:s19+s4], $0x400, $0x38;
	[tilespmem:$0x1C800] =	vst v63  }
0x87: {  	p0 =	sne.s32 s23, $0x1;
	s23 =	sadd.s32 $0xFFFFFFFF, s23;
	_ =	swait.ge [sflag:s21], $0x400  }
0x88: {  	[sflag:s21] =	ssyncset.done $0x0  }
0x89: {  	[sflag:s21] =	ssyncadd.s32 $0xFFFFFC00  }
0x8a: {  	[tilespmem:s26], [sflag:$0x3] =	stream.linear.gather [hbm4b:s18+s4], $0x400, $0x38;
	[tilespmem:$0x1C800] =	vst v63  }
0x8b: {  	_ =	swait.ge [sflag:s21], $0x400  }
0x8c: {  	[sflag:s21] =	ssyncset.done $0x0  }
0x8d: {  	[sflag:s21] =	ssyncadd.s32 $0xFFFFFC00  }
0x8e: {  	[tilespmem:s20], [sflag:$0x1] =	stream.indirect.gather [hbm4b:s2+s28], $0x80, s4, s28, $0xb8;
	[tilespmem:$0x1C800] =	vst v63  }
0x8f: {  	_ = 	snop  }
0x90: {  	[tilespmem:s29], [sflag:$0x2] =	stream.indirect.gather [hbm4b:s2+s28], $0x80, s28, s28, $0xb8;
	[tilespmem:$0x1C800] =	vst v63  }
0x91: {  	_ =	swait.ge [sflag:s30], $0x4000  }
0x92: {  	[sflag:s30] =	ssyncset.done $0x0  }
0x93: {  	[sflag:s30] =	ssyncadd.s32 $0xFFFFC000  }
0x94: {  	[spmem:s3] =	stream.indirect.scatter.add.f32 [tilespmem:s20], [sflag:$0x3], $0x80, s26, s28, $0xb8;
	[tilespmem:$0x1C800] =	vst v63  }
0x95: {  	_ =	swait.ge [sflag:s21], $0x4000  }
0x96: {  	[sflag:s21] =	ssyncset.done $0x0  }
0x97: {  	[sflag:s21] =	ssyncadd.s32 $0xFFFFC000  }
0x98: {  	[tilespmem:s20], [sflag:$0x1] =	stream.indirect.gather [hbm4b:s2+s28], $0x80, s31, s28, $0xb8;
	[tilespmem:$0x1C800] =	vst v63  }
0x99: {  	_ =	swait.ge [sflag:s0], $0x4000  }
0x9a: {  	[sflag:s0] =	ssyncset.done $0x0  }
0x9b: {  	[sflag:s0] =	ssyncadd.s32 $0xFFFFC000  }
0x9c: {  	[spmem:s3] =	stream.indirect.scatter.add.f32 [tilespmem:s29], [sflag:$0x3], $0x80, s1, s28, $0xb8;
	[tilespmem:$0x1C800] =	vst v63  }
0x9d: {  	_ =	swait.ge [sflag:s21], $0x4000  }
0x9e: {  	[sflag:s21] =	ssyncset.done $0x0  }
0x9f: {  	[sflag:s21] =	ssyncadd.s32 $0xFFFFC000  }
0xa0: {  	[tilespmem:s29], [sflag:$0x2] =	stream.indirect.gather [hbm4b:s2+s28], $0x80, s5, s28, $0xb8;
	[tilespmem:$0x1C800] =	vst v63  }
0xa1: {  	_ =	swait.ge [sflag:s30], $0x4000  }
0xa2: {  	[sflag:s30] =	ssyncset.done $0x0  }
0xa3: {  	[sflag:s30] =	ssyncadd.s32 $0xFFFFC000  }
0xa4: {  	[spmem:s3] =	stream.indirect.scatter.add.f32 [tilespmem:s20], [sflag:$0x3], $0x80, s8, s28, $0xb8;
	[tilespmem:$0x1C800] =	vst v63  }
0xa5: {  	_ =	swait.ge [sflag:s21], $0x4000  }
0xa6: {  	[sflag:s21] =	ssyncset.done $0x0  }
0xa7: {  	[sflag:s21] =	ssyncadd.s32 $0xFFFFC000  }
0xa8: {  	[tilespmem:s20], [sflag:$0x1] =	stream.indirect.gather [hbm4b:s2+s28], $0x80, s9, s28, $0xb8;
	[tilespmem:$0x1C800] =	vst v63  }
0xa9: {  	_ =	swait.ge [sflag:s0], $0x4000  }
0xaa: {  	[sflag:s0] =	ssyncset.done $0x0  }
0xab: {  	[sflag:s0] =	ssyncadd.s32 $0xFFFFC000  }
0xac: {  	[spmem:s3] =	stream.indirect.scatter.add.f32 [tilespmem:s29], [sflag:$0x3], $0x80, s10, s28, $0xb8;
	[tilespmem:$0x1C800] =	vst v63  }
0xad: {  	_ =	swait.ge [sflag:s21], $0x4000  }
0xae: {  	[sflag:s21] =	ssyncset.done $0x0  }
0xaf: {  	[sflag:s21] =	ssyncadd.s32 $0xFFFFC000  }
0xb0: {  	[tilespmem:s29], [sflag:$0x2] =	stream.indirect.gather [hbm4b:s2+s28], $0x80, s11, s28, $0xb8;
	[tilespmem:$0x1C800] =	vst v63  }
0xb1: {  	_ =	swait.ge [sflag:s30], $0x4000  }
0xb2: {  	[sflag:s30] =	ssyncset.done $0x0  }
0xb3: {  	[sflag:s30] =	ssyncadd.s32 $0xFFFFC000  }
0xb4: {  	[spmem:s3] =	stream.indirect.scatter.add.f32 [tilespmem:s20], [sflag:$0x3], $0x80, s12, s28, $0xb8;
	[tilespmem:$0x1C800] =	vst v63  }
0xb5: {  	_ =	swait.ge [sflag:s21], $0x4000  }
0xb6: {  	[sflag:s21] =	ssyncset.done $0x0  }
0xb7: {  	[sflag:s21] =	ssyncadd.s32 $0xFFFFC000  }
0xb8: {  	[tilespmem:s20], [sflag:$0x1] =	stream.indirect.gather [hbm4b:s2+s28], $0x80, s13, s28, $0xb8;
	[tilespmem:$0x1C800] =	vst v63  }
0xb9: {  	_ =	swait.ge [sflag:s0], $0x4000  }
0xba: {  	[sflag:s0] =	ssyncset.done $0x0  }
0xbb: {  	[sflag:s0] =	ssyncadd.s32 $0xFFFFC000  }
0xbc: {  	[spmem:s3] =	stream.indirect.scatter.add.f32 [tilespmem:s29], [sflag:$0x3], $0x80, s14, s28, $0xb8;
	[tilespmem:$0x1C800] =	vst v63  }
0xbd: {  	_ =	swait.ge [sflag:s21], $0x4000  }
0xbe: {  	[sflag:s21] =	ssyncset.done $0x0  }
0xbf: {  	[sflag:s21] =	ssyncadd.s32 $0xFFFFC000  }
0xc0: {  	[tilespmem:s29], [sflag:$0x2] =	stream.indirect.gather [hbm4b:s2+s28], $0x80, s15, s28, $0xb8;
	[tilespmem:$0x1C800] =	vst v63  }
0xc1: {  	_ =	swait.ge [sflag:s30], $0x4000  }
0xc2: {  	[sflag:s30] =	ssyncset.done $0x0  }
0xc3: {  	[sflag:s30] =	ssyncadd.s32 $0xFFFFC000  }
0xc4: {  	[spmem:s3] =	stream.indirect.scatter.add.f32 [tilespmem:s20], [sflag:$0x3], $0x80, s16, s28, $0xb8;
	[tilespmem:$0x1C800] =	vst v63  }
0xc5: {  	_ =	swait.ge [sflag:s21], $0x4000  }
0xc6: {  	[sflag:s21] =	ssyncset.done $0x0  }
0xc7: {  	[sflag:s21] =	ssyncadd.s32 $0xFFFFC000  }
0xc8: {  	_ =	swait.ge [sflag:s0], $0x4000  }
.Ltmp1:
0xc9: {  	[sflag:s0] =	ssyncset.done $0x0;
	(pc) =	sbr.rel @p0 .LBB2_2-.Ltmp1, $4  }
0xca: {  	[sflag:s0] =	ssyncadd.s32 $0xFFFFC000  }
0xcb: {  	[spmem:s3] =	stream.indirect.scatter.add.f32 [tilespmem:s29], [sflag:$0x3], $0x80, s17, s28, $0xb8;
	[tilespmem:$0x1C800] =	vst v63  }
0xcc: {  	_ =	swait.ge [sflag:s21], $0x4000  }
0xcd: {  	[sflag:s21] =	ssyncset.done $0x0  }
.LBB2_3:
0xce: {  	[sflag:s21] =	ssyncadd.s32 $0xFFFFC000;
	s18 =	stileid.u32  }
0xcf: {  	s18 =	sshll.u32 s18, $0x6;
	[bflag:$0x0] =	sbarrier.arrive $0xFFFF  }
0xd0: {  	s19 =	sshrl.u32 s7, $0x3;
	s18 =	sor.u32 $0x1C03, s18;
	s23 =	rddreg [dreg:$0x5]  }
0xd1: {  	[hbm:s23], [sflag:s18] =	dma.local [spmem:s19], $0x800  }
0xd2: {  	_ =	swait.ge [sflag:s21], $0x800  }
0xd3: {  	[sflag:s21] =	ssyncset.done $0x0;
	s19 =	rddreg [dreg:$0xb]  }
0xd4: {  	s23 =	rddreg [dreg:$0xf];
	[sflag:s21] =	ssyncadd.s32 $0xFFFFF800  }
0xd5: {  	[hbm:s19], [sflag:s18] =	dma.local [spmem:s23], $0x800  }
0xd6: {  	_ =	swait.ge [sflag:s21], $0x800  }
0xd7: {  	[sflag:s21] =	ssyncset.done $0x0;
	s19 =	rddreg [dreg:$0xc]  }
0xd8: {  	s23 =	rddreg [dreg:$0x10];
	[sflag:s21] =	ssyncadd.s32 $0xFFFFF800  }
0xd9: {  	[hbm:s19], [sflag:s18] =	dma.local [spmem:s23], $0x800  }
0xda: {  	_ =	swait.ge [sflag:s21], $0x800  }
0xdb: {  	[sflag:s21] =	ssyncset.done $0x0;
	s19 =	rddreg [dreg:$0xd]  }
0xdc: {  	s23 =	rddreg [dreg:$0x11];
	[sflag:s21] =	ssyncadd.s32 $0xFFFFF800  }
0xdd: {  	[hbm:s19], [sflag:s18] =	dma.local [spmem:s23], $0x800  }
0xde: {  	_ =	swait.ge [sflag:s21], $0x800  }
0xdf: {  	[sflag:s21] =	ssyncset.done $0x0;
	s19 =	rddreg [dreg:$0xe]  }
0xe0: {  	s23 =	rddreg [dreg:$0x12];
	[sflag:s21] =	ssyncadd.s32 $0xFFFFF800  }
0xe1: {  	[hbm:s19], [sflag:s18] =	dma.local [spmem:s23], $0x800  }
0xe2: {  	_ =	swait.ge [sflag:s21], $0x800  }
0xe3: {  	s22 =	sadd.s32 $0x1, s22;
	s23 =	rddreg [dreg:$0x6]  }
0xe4: {  	p0 =	sne.s32 s22, s23  }
.Ltmp2:
0xe5: {  	_ = 	snop;
	(pc) =	sbr.rel @p0 .LBB2_1-.Ltmp2, $3  }
0xe6: {  	_ =	sdelay $0x1  }
0xe7: {  	[sflag:s21] =	ssyncset.done $0x0  }
0xe8: {  	[sflag:s21] =	ssyncadd.s32 $0xFFFFF800  }
0xe9: {  	_ =	sfence.sel $0x180000  }
0xea: {  	[bflag:$0x0] =	sbarrier.arrive $0xFFFF  }
0xeb: {  	_ =	strace $0x9000004A  }
0xec: {  	s0 =	stileid.u32;
	[bflag:$0x2] =	sbarrier.arrive $0xFFFF  }
0xed: {  	p0 =	sne.s32 s0, $0x0;
	s0 =	rddreg [dreg:$0x3]  }
0xee: {  	s0 =	sadd.s32 @!p0 $0x100000, s0  }
0xef: {  	[sflag:s0] =	ssyncadd.tile.s32 @!p0 $0x1;
	_ =	shalt  }
.Lfunc_end2:
_tile_overlayer_lowered:
.L_overlay_start_2:
0xf0: {  	(tag) =	ssettag $0x2  }
0xf1: {  	s0 =	rddreg [dreg:$0x0];
	s2 =	stileid.u32  }
0xf2: {  	s1 =	rddreg [dreg:$0x1];
	p0 =	sne.s32 s2, $0x0  }
0xf3: {  	s3 =	rddreg [dreg:$0x2];
	[bflag:$0x3] =	sbarrier.arrive $0xFFFF;
	s2 =	simm.s32 @!p0 $0x1C03  }
0xf4: {  	[timem:s3], [sflag:s2] =	dma.local @!p0 [hbm:s0], s1  }
0xf5: {  	s0 =	simm.s32 @!p0 $0x3  }
0xf6: {  	_ =	swait.ge @!p0 [sflag:s0], s1  }
0xf7: {  	s1 =	ssub.s32 @!p0 $0x0, s1;
	[sflag:s0] =	ssyncset.done @!p0 $0x0  }
0xf8: {  	[sflag:s0] =	ssyncadd.s32 @!p0 s1  }
0xf9: {  	[bflag:$0x3] =	sbarrier.arrive $0xFFFF  }
0xfa: {  	_ =	shalt  }

// kernel: kernel.16.cloned.1.call-start
scs
__scs_entry_jumppad:
0x0: {  	(pc) =	sbr.rel $0x88, $3  }
0x1: {  	(tag) =	ssettag $0x0;
	lr =	simm.s32 $0x1  }
0x2: {  	[smem:$0x3F90] =	sst lr;
	_ =	strace $0xD0000000  }
0x3: {  	_ = 	snop  }
0x4: {  	_ = 	snop  }
0x5: {  	_ = 	snop  }
0x6: {  	_ = 	snop  }
0x7: {  	_ = 	snop  }
__scs_overlays_trampoline_lowered:
0x8: {  	[smem:$0x3F9F] =	sst s0  }
0x9: {  	[smem:$0x3FA0] =	sst s1  }
0xa: {  	[smem:$0x3FA1] =	sst s2  }
0xb: {  	[smem:$0x3FA2] =	sst s3  }
0xc: {  	[smem:$0x3FA3] =	sst s4  }
0xd: {  	[smem:$0x3FA4] =	sst s5  }
0xe: {  	[smem:$0x3FA5] =	sst s6  }
0xf: {  	[smem:$0x3FA6] =	sst s7  }
0x10: {  	[smem:$0x3FA7] =	sst s8  }
0x11: {  	[smem:$0x3FA8] =	sst s9;
	s0 =	simm.s32 @!p0 $0x0  }
0x12: {  	s1 =	sld [smem:$0x3F8E];
	s0 =	simm.s32 @p0 $0x1  }
0x13: {  	[smem:$0x3FA9] =	sst s0;
	s0 =	simm.s32 @!p1 $0x0  }
0x14: {  	s2 =	sld [smem:$0x3F8D];
	s0 =	simm.s32 @p1 $0x1  }
0x15: {  	[smem:$0x3FAA] =	sst s0;
	s0 =	simm.s32 @!p2 $0x0  }
0x16: {  	s3 =	sld [smem:$0x3FDB];
	s0 =	simm.s32 @p2 $0x1  }
0x17: {  	s4 =	simm.s32 $0x1BF5;
	[smem:$0x3FAC] =	sst s0  }
0x18: {  	s0 =	sld [smem:$0x3F8F];
	_ =	swait.ge [sflag:s4], $0x0  }
0x19: {  	s7 =	sld [smem:$0x3F90]  }
0x1a: {  	s8 =	sadd.s32 $0xFFFFE003, lr  }
0x1b: {  	s9 =	sadd.s32 $0xFFFFFEF7, lr;
	s5 =	simm.s32 $0xFFFFFFFF;
	p2 =	slt.u32 s8, $0xFFFFF086  }
0x1c: {  	p1 =	slt.u32 s9, $0xF7A;
	s5 =	simm.s32 @!p2 $0x0  }
0x1d: {  	s5 =	simm.s32 @p1 $0x1;
	p0 =	seq.s32 s7, s2  }
0x1e: {  	s7 =	smul.u32 @!p0 $0xF7A, s2;
	p2 =	seq.s32 @!p0 s5, $0x0  }
0x1f: {  	s9 =	smul.u32 $0xF7A, s1;
	s8 =	simm.s32 @!p0 $0x1BF5;
	p2 =	por !p2, p0  }
0x20: {  	[sflag:s8] =	ssyncset.s32 @!p0 $0xFFFFF086;
	s6 =	sadd.s32 @!p0 s3, s7;
	s7 =	simm.s32 @!p0 $0x108  }
0x21: {  	s3 =	sadd.s32 s3, s9;
	s6 =	sadd.s32 @!p0 $0x88, s6;
	s7 =	simm.s32 @p2 $0x1082  }
0x22: {  	[simem:s7], [sflag:s8] =	dma.local @!p0 [hbm:s6], $0xF7A  }
0x23: {  	s9 =	sor.u32 $0xD0000000, s2;
	s6 =	simm.s32 $0x108;
	_ =	swait.ge @!p0 [sflag:s8], $0x0  }
0x24: {  	s3 =	sadd.s32 $0x88, s3;
	s6 =	simm.s32 @!p1 $0x1082;
	[sflag:s4] =	ssyncset.s32 $0xFFFFF086  }
0x25: {  	[simem:s6], [sflag:s4] =	dma.local [hbm:s3], $0xF7A  }
0x26: {  	[smem:$0x3F90] =	sst s1;
	(tag) =	ssettag s2;
	_ =	strace s9  }
0x27: {  	s1 =	sld [smem:$0x3FA0]  }
0x28: {  	s2 =	sld [smem:$0x3FA1]  }
0x29: {  	s4 =	sld [smem:$0x3FA3]  }
0x2a: {  	p0 =	seq.s32 s5, $0x0;
	s5 =	sld [smem:$0x3FA4]  }
0x2b: {  	s6 =	sld [smem:$0x3FA5]  }
0x2c: {  	s7 =	sld [smem:$0x3FA6]  }
0x2d: {  	s3 =	simm.s32 $0x108;
	s8 =	sld [smem:$0x3FA7]  }
0x2e: {  	s3 =	simm.s32 @!p0 $0x1082;
	s9 =	sld [smem:$0x3FA8]  }
0x2f: {  	lr =	sadd.s32 s0, s3;
	s0 =	sld [smem:$0x3F9F]  }
0x30: {  	s3 =	sld [smem:$0x3FA2]  }
0x31: {  	[smem:$0x3FAB] =	sst s10  }
0x32: {  	s10 =	sld [smem:$0x3FA9];
	_ =	sdelay $0x3  }
0x33: {  	p0 =	seq.s32 s10, $0x1;
	s10 =	sld [smem:$0x3FAB];
	_ =	sdelay $0x3  }
0x34: {  	[smem:$0x3FAB] =	sst s10  }
0x35: {  	s10 =	sld [smem:$0x3FAA];
	_ =	sdelay $0x3  }
0x36: {  	p1 =	seq.s32 s10, $0x1;
	s10 =	sld [smem:$0x3FAB];
	_ =	sdelay $0x3  }
0x37: {  	[smem:$0x3FAB] =	sst s10  }
0x38: {  	s10 =	sld [smem:$0x3FAC]  }
0x39: {  	_ = 	snop;
	(pc) =	sbr.ind lr, $3  }
0x3a: {  	_ = 	snop  }
0x3b: {  	_ = 	snop  }
0x3c: {  	p2 =	seq.s32 s10, $0x1;
	s10 =	sld [smem:$0x3FAB]  }
0x3d: {  	_ =	shalt  }
0x3e: {  	_ =	shalt  }
0x3f: {  	_ =	shalt  }
0x40: {  	_ =	shalt  }
0x41: {  	_ =	shalt  }
0x42: {  	_ =	shalt  }
0x43: {  	_ =	shalt  }
0x44: {  	_ =	shalt  }
0x45: {  	_ =	shalt  }
0x46: {  	_ =	shalt  }
0x47: {  	_ =	shalt  }
0x48: {  	_ =	shalt  }
0x49: {  	_ =	shalt  }
0x4a: {  	_ =	shalt  }
0x4b: {  	_ =	shalt  }
0x4c: {  	_ =	shalt  }
0x4d: {  	_ =	shalt  }
0x4e: {  	_ =	shalt  }
0x4f: {  	_ =	shalt  }
0x50: {  	_ =	shalt  }
0x51: {  	_ =	shalt  }
0x52: {  	_ =	shalt  }
0x53: {  	_ =	shalt  }
0x54: {  	_ =	shalt  }
0x55: {  	_ =	shalt  }
0x56: {  	_ =	shalt  }
0x57: {  	_ =	shalt  }
0x58: {  	_ =	shalt  }
0x59: {  	_ =	shalt  }
0x5a: {  	_ =	shalt  }
0x5b: {  	_ =	shalt  }
0x5c: {  	_ =	shalt  }
0x5d: {  	_ =	shalt  }
0x5e: {  	_ =	shalt  }
0x5f: {  	_ =	shalt  }
0x60: {  	_ =	shalt  }
0x61: {  	_ =	shalt  }
0x62: {  	_ =	shalt  }
0x63: {  	_ =	shalt  }
0x64: {  	_ =	shalt  }
0x65: {  	_ =	shalt  }
0x66: {  	_ =	shalt  }
0x67: {  	_ =	shalt  }
0x68: {  	_ =	shalt  }
0x69: {  	_ =	shalt  }
0x6a: {  	_ =	shalt  }
0x6b: {  	_ =	shalt  }
0x6c: {  	_ =	shalt  }
0x6d: {  	_ =	shalt  }
0x6e: {  	_ =	shalt  }
0x6f: {  	_ =	shalt  }
0x70: {  	_ =	shalt  }
0x71: {  	_ =	shalt  }
0x72: {  	_ =	shalt  }
0x73: {  	_ =	shalt  }
0x74: {  	_ =	shalt  }
0x75: {  	_ =	shalt  }
0x76: {  	_ =	shalt  }
0x77: {  	_ =	shalt  }
0x78: {  	_ =	shalt  }
0x79: {  	_ =	shalt  }
0x7a: {  	_ =	shalt  }
0x7b: {  	_ =	shalt  }
0x7c: {  	_ =	shalt  }
0x7d: {  	_ =	shalt  }
0x7e: {  	_ =	shalt  }
0x7f: {  	_ =	shalt  }
0x80: {  	_ =	shalt  }
0x81: {  	_ =	shalt  }
0x82: {  	_ =	shalt  }
0x83: {  	_ =	shalt  }
0x84: {  	_ =	shalt  }
0x85: {  	_ =	shalt  }
0x86: {  	_ =	shalt  }
0x87: {  	_ =	shalt  }
.Lfunc_end0:
.L_simem_size_0:
called_computation.2_lowered:
.L_overlay_start_0:
0x88: {  	s2 =	sld [smem:$0x3FD9]  }
0x89: {  	s3 =	sld [smem:$0x3FFE];
	_ =	sdelay $0x1  }
0x8a: {  	s1 =	srdreg.scid  }
0x8b: {  	s0 =	sand.u32 $0x1, s1  }
0x8c: {  	s14 =	sshll.u32 s0, $0xA;
	s2 =	sadd.s32 s3, s2  }
0x8d: {  	s2 =	sadd.s32 s2, s14  }
0x8e: {  	[smem:$0x3FB7] =	sst s2  }
0x8f: {  	_ = 	snop  }
0x90: {  	s2 =	sld [smem:$0x3FD0];
	_ =	sdelay $0x2  }
0x91: {  	s15 =	simm.s32 $0xA;
	s4 =	simm.s32 $0x10  }
0x92: {  	[smem:s4], [sflag:s15] =	dma.local [hbm:s2], $0x1  }
0x93: {  	_ =	swait.eq [sflag:s15], $0x1  }
0x94: {  	[sflag:s15] =	ssyncset.done $0x0  }
0x95: {  	[sflag:s15] =	ssyncadd.s32 $0xFFFFFFFF  }
0x96: {  	s16 =	sld [smem:$0x13];
	(tm) =	ssettm $0x1  }
0x97: {  	s17 =	sld [smem:$0x3FFB];
	_ =	sdelay $0x3  }
0x98: {  	_ =	strace s17  }
0x99: {  	s3 =	sld [smem:$0x3FFC];
	_ =	sdelay $0x3  }
0x9a: {  	_ =	strace s3  }
0x9b: {  	s3 =	sld [smem:$0x3FFD];
	_ =	sdelay $0x3  }
0x9c: {  	_ =	strace s3  }
0x9d: {  	_ =	strace $0x8FFFFFFF  }
0x9e: {  	s18 =	sld [smem:$0x3FDB];
	_ =	sdelay $0x1  }
0x9f: {  	s19 =	simm.s32 $_scs_section_size  }
0xa0: {  	s5 =	simm.s32 $_size__tile_overlayer_lowered;
	s6 =	simm.s32 $_tile_overlayer_lowered  }
0xa1: {  	s22 =	simm.s32 $0x1BFF;
	s21 =	sshll.u32 s6, $0x1;
	s3 =	sadd.s32 s19, s18  }
0xa2: {  	s7 =	simm.s32 $0x0;
	s20 =	sshll.u32 s5, $0x1;
	s5 =	sadd.s32 s21, s3  }
0xa3: {  	[timem:s7], [sflag:s22] =	dma.local [hbm:s5], s20  }
0xa4: {  	_ =	swait.ge [sflag:s22], s20  }
0xa5: {  	s4 =	ssub.s32 $0x0, s20;
	[sflag:s22] =	ssyncset.done $0x0  }
0xa6: {  	[sflag:s22] =	ssyncadd.s32 s4;
	_ =	sdelay $0x1  }
0xa7: {  	s23 =	simm.s32 $0x1B8B  }
0xa8: {  	_ =	swait.ge [sflag:s23], $0x1  }
0xa9: {  	[sflag:s23] =	ssyncset.done $0x0  }
0xaa: {  	s25 =	simm.s32 $0x1B8E;
	s24 =	sld [smem:$0x3FFE];
	[sflag:s23] =	ssyncadd.s32 $0xFFFFFFFF  }
0xab: {  	s26 =	simm.s32 $execute0_lowered;
	[smem:$0x3FD2] =	sst s25  }
0xac: {  	s5 =	sshll.u32 s26, $0x1;
	_ =	strace $0x8000004C;
	[dreg:$0x1] =	wrdreg $0xFFFFFFFF  }
0xad: {  	s28 =	simm.s32 $_size_execute0_lowered;
	s3 =	sadd.s32 s3, s5;
	[dreg:$0x0] =	wrdreg $0x0  }
0xae: {  	s5 =	sshll.u32 s28, $0x1;
	[dreg:$0x2] =	wrdreg s3  }
0xaf: {  	[dreg:$0x3] =	wrdreg s5  }
0xb0: {  	[dreg:$0x4] =	wrdreg $0xC0  }
0xb1: {  	_ =	task [dreg:s7], $0x5FFFF  }
0xb2: {  	[dreg:$0x1] =	wrdreg $0xFFFFFFFF  }
0xb3: {  	[dreg:$0x0] =	wrdreg $0x60  }
0xb4: {  	[dreg:$0x2] =	wrdreg s16  }
0xb5: {  	[dreg:$0x3] =	wrdreg s24  }
0xb6: {  	[dreg:$0x4] =	wrdreg $0x88000  }
0xb7: {  	[dreg:$0x5] =	wrdreg $0x9  }
0xb8: {  	_ =	task.clear_ibuf [dreg:s7], $0x6FFFF;
	_ =	strace $0x9000004C  }
0xb9: {  	s29 =	simm.s32 $0x9;
	_ =	strace $0x8000004E  }
0xba: {  	_ =	swait.ge [sflag:s29], $0x1  }
0xbb: {  	[sflag:s29] =	ssyncadd.s32 $0xFFFFFFFF  }
0xbc: {  	_ =	strace $0x9000004E  }
0xbd: {  	_ =	sfence  }
0xbe: {  	s30 =	sld [smem:$0x0];
	_ =	sdelay $0x2  }
0xbf: {  	s31 =	sshll.u32 s1, $0xD;
	s1 =	sshrl.u32 s1, $0x2  }
0xc0: {  	s3 =	sand.u32 $0x4000, s31;
	s1 =	sadd.s32 s1, s30  }
0xc1: {  	s0 =	sor.u32 s3, s0;
	s1 =	sshll.u32 s1, $0x11  }
0xc2: {  	s0 =	sor.u32 s1, s0  }
0xc3: {  	s0 =	sadd.s32 $0x8F2B, s0  }
0xc4: {  	[sflag:s0] =	ssyncadd.remote.s32 $0x1  }
0xc5: {  	_ =	sfence.sel $0xFFFF  }
0xc6: {  	[dreg:$0x0] =	wrdreg $0xFFFFFFFF;
	(pc) =	sbr.abs _section_cstart, $3  }
0xc7: {  	[dreg:$0x1] =	wrdreg $0xFFFFFFFF  }
0xc8: {  	_ =	task.clear_ibuf [dreg:s7], $0x2FFFF;
	_ =	strace $0x9FFFFFFF  }
0xc9: {  	(tm) =	ssettm $0x7FFFFFFF  }
tec
execute0_lowered:
.L_overlay_start_1:
0x0: {  	(tag) =	ssettag $0x1  }
0x1: {  	s2 =	rddreg [dreg:$0x0]  }
0x2: {  	s0 =	rddreg [dreg:$0x1]  }
0x3: {  	s3 =	rddreg [dreg:$0x2]  }
0x4: {  	s10 =	stileid.u32;
	s4 =	simm.s32 $0x0;
	s5 =	srdreg.scid  }
0x5: {  	s28 =	simm.s32 $0x80;
	s29 =	simm.s32 $0x4800;
	s1 =	smul.u32 $0xA00, s10  }
0x6: {  	s30 =	simm.s32 $0x1;
	s31 =	simm.s32 $0x100;
	s9 =	smul.u32 $0x14000, s10  }
0x7: {  	[smem:$0x7FF] =	sst s4;
	s5 =	sand.u32 $0x1, s5;
	s10 =	smul.u32 $0x50000, s10  }
0x8: {  	s6 =	sadd.s32 $0x17E00, s0;
	_ =	strace $0x8000004D;
	s8 =	smul.u32 $0x140000, s5  }
0x9: {  	[dreg:$0x4] =	wrdreg s6;
	s18 =	ssub.s32 $0x2, s5;
	p0 =	seq.s32 s5, $0x0  }
0xa: {  	s6 =	simm.s32 $0xF;
	s5 =	smul.u32 $0x780, s5;
	s1 =	sadd.s32 s1, s0  }
0xb: {  	s0 =	sadd.s32 $0x18600, s0;
	s7 =	sshrl.u32 s18, $0x1;
	s10 =	sshrl.u32 s10, $0x2  }
0xc: {  	s6 =	simm.s32 @!p0 $0x5;
	s23 =	sadd.s32 $0x4000, s9;
	s26 =	sadd.s32 $0x8000, s9  }
0xd: {  	s17 =	sadd.s32 $0xC000, s9;
	s11 =	ssub.s32 s18, s7;
	s19 =	sadd.s32 s8, s9  }
0xe: {  	s7 =	sadd.s32 s10, s3;
	s25 =	sadd.s32 s8, s23;
	s15 =	sadd.s32 s8, s26  }
0xf: {  	s10 =	sadd.s32 s23, s3;
	s18 =	sadd.s32 s8, s17;
	s9 =	sadd.s32 $0x10000, s9  }
0x10: {  	s1 =	sadd.s32 s5, s1;
	s5 =	simm.s32 $0x180;
	s12 =	sshrl.u32 s19, $0x3  }
0x11: {  	s21 =	smax.u32 s11, $0x1;
	s22 =	sadd.s32 $0x4000, s7;
	s24 =	sadd.s32 $0x8000, s7  }
0x12: {  	s13 =	sadd.s32 $0xC000, s7;
	s11 =	sshrl.u32 s25, $0x3;
	[dreg:$0x6] =	wrdreg s21  }
0x13: {  	s14 =	sadd.s32 $0x10000, s7;
	s16 =	sshrl.u32 s15, $0x3;
	[dreg:$0x7] =	wrdreg s22  }
0x14: {  	s8 =	sadd.s32 s8, s9;
	s19 =	sadd.s32 s9, s3;
	[dreg:$0x8] =	wrdreg s24  }
0x15: {  	s25 =	sadd.s32 $0x3E00, s1;
	s9 =	simm.s32 $0x200;
	[dreg:$0x9] =	wrdreg s13  }
0x16: {  	s15 =	simm.s32 $0x380;
	s20 =	sadd.s32 s0, s12;
	[dreg:$0xa] =	wrdreg s14  }
0x17: {  	s11 =	sadd.s32 s0, s11;
	s12 =	sadd.s32 s26, s3;
	s13 =	sshrl.u32 s18, $0x3  }
0x18: {  	s8 =	sshrl.u32 s8, $0x3;
	s24 =	sadd.s32 $0xDE00, s1;
	s21 =	simm.s32 $0x3  }
0x19: {  	s22 =	sshrl.u32 s10, $0x3;
	s1 =	simm.s32 $0x480;
	[dreg:$0x5] =	wrdreg s20  }
0x1a: {  	s10 =	simm.s32 $0x580;
	s14 =	simm.s32 $0x680;
	[dreg:$0xb] =	wrdreg s11  }
0x1b: {  	s11 =	sadd.s32 s0, s16;
	s13 =	sadd.s32 s0, s13;
	[dreg:$0xf] =	wrdreg s22  }
0x1c: {  	s0 =	sadd.s32 s0, s8;
	s20 =	simm.s32 $0x800;
	[dreg:$0xc] =	wrdreg s11  }
0x1d: {  	s23 =	sshrl.u32 s12, $0x3;
	s8 =	simm.s32 $0x500;
	[dreg:$0xd] =	wrdreg s13  }
0x1e: {  	s12 =	simm.s32 $0x600;
	s16 =	simm.s32 $0x700;
	[dreg:$0xe] =	wrdreg s0  }
0x1f: {  	s22 =	simm.s32 $0x0;
	s11 =	sadd.s32 s17, s3;
	[dreg:$0x10] =	wrdreg s23  }
0x20: {  	s0 =	sshrl.u32 s19, $0x3;
	s13 =	simm.s32 $0x300;
	s17 =	simm.s32 $0x780  }
0x21: {  	s26 =	sshrl.u32 s11, $0x3;
	[dreg:$0x12] =	wrdreg s0;
	s0 =	simm.s32 $0x2  }
0x22: {  	s11 =	simm.s32 $0x280;
	[dreg:$0x11] =	wrdreg s26;
	s26 =	simm.s32 $0x400  }
.LBB2_1:
0x23: {  	s18 =	rddreg [dreg:$0x4]  }
0x24: {  	[tilespmem:s20], [sflag:$0x3] =	stream.linear.gather [hbm4b:s18+s4], $0x4000, $0x38;
	[tilespmem:$0x1C800] =	vst v63  }
0x25: {  	_ =	swait.ge [sflag:s21], $0x4000  }
0x26: {  	[sflag:s21] =	ssyncset.done $0x0  }
0x27: {  	[sflag:s21] =	ssyncadd.s32 $0xFFFFC000  }
0x28: {  	[spmem:s7] =	stream.linear.scatter [tilespmem:s20], [sflag:$0x3], $0x4000, $0x38;
	[tilespmem:$0x1C800] =	vst v63  }
0x29: {  	_ =	swait.ge [sflag:s21], $0x4000  }
0x2a: {  	[sflag:s21] =	ssyncset.done $0x0  }
0x2b: {  	s19 =	rddreg [dreg:$0x7];
	[sflag:s21] =	ssyncadd.s32 $0xFFFFC000  }
0x2c: {  	[spmem:s19] =	stream.linear.scatter [tilespmem:s20], [sflag:$0x3], $0x4000, $0x38;
	[tilespmem:$0x1C800] =	vst v63  }
0x2d: {  	_ =	swait.ge [sflag:s21], $0x4000  }
0x2e: {  	[sflag:s21] =	ssyncset.done $0x0  }
0x2f: {  	s23 =	rddreg [dreg:$0x8];
	[sflag:s21] =	ssyncadd.s32 $0xFFFFC000  }
0x30: {  	[spmem:s23] =	stream.linear.scatter [tilespmem:s20], [sflag:$0x3], $0x4000, $0x38;
	[tilespmem:$0x1C800] =	vst v63  }
0x31: {  	_ =	swait.ge [sflag:s21], $0x4000  }
0x32: {  	[sflag:s21] =	ssyncset.done $0x0  }
0x33: {  	s19 =	rddreg [dreg:$0x9];
	[sflag:s21] =	ssyncadd.s32 $0xFFFFC000  }
0x34: {  	[spmem:s19] =	stream.linear.scatter [tilespmem:s20], [sflag:$0x3], $0x4000, $0x38;
	[tilespmem:$0x1C800] =	vst v63  }
0x35: {  	_ =	swait.ge [sflag:s21], $0x4000  }
0x36: {  	[sflag:s21] =	ssyncset.done $0x0  }
0x37: {  	s23 =	rddreg [dreg:$0xa];
	[sflag:s21] =	ssyncadd.s32 $0xFFFFC000  }
0x38: {  	[spmem:s23] =	stream.linear.scatter [tilespmem:s20], [sflag:$0x3], $0x4000, $0x38;
	[tilespmem:$0x1C800] =	vst v63  }
0x39: {  	_ =	swait.ge [sflag:s21], $0x4000  }
0x3a: {  	[sflag:s21] =	ssyncset.done $0x0  }
0x3b: {  	[sflag:s21] =	ssyncadd.s32 $0xFFFFC000  }
0x3c: {  	[bflag:$0x0] =	sbarrier.arrive $0xFFFF  }
0x3d: {  	[tilespmem:s4], [sflag:$0x3] =	stream.linear.gather [hbm4b:s25+s4], $0x400, $0x38;
	[tilespmem:$0x1C800] =	vst v63  }
0x3e: {  	_ =	swait.ge [sflag:s21], $0x400  }
0x3f: {  	[sflag:s21] =	ssyncset.done $0x0  }
0x40: {  	[sflag:s21] =	ssyncadd.s32 $0xFFFFFC00  }
0x41: {  	[tilespmem:s26], [sflag:$0x3] =	stream.linear.gather [hbm4b:s24+s4], $0x400, $0x38;
	[tilespmem:$0x1C800] =	vst v63  }
0x42: {  	_ =	swait.ge [sflag:s21], $0x400  }
0x43: {  	[sflag:s21] =	ssyncset.done $0x0  }
0x44: {  	[sflag:s21] =	ssyncadd.s32 $0xFFFFFC00  }
0x45: {  	[tilespmem:s20], [sflag:$0x1] =	stream.indirect.gather [hbm4b:s2+s28], $0x80, s4, s28, $0xb8;
	[tilespmem:$0x1C800] =	vst v63  }
0x46: {  	_ = 	snop  }
0x47: {  	[tilespmem:s29], [sflag:$0x2] =	stream.indirect.gather [hbm4b:s2+s28], $0x80, s28, s28, $0xb8;
	[tilespmem:$0x1C800] =	vst v63  }
0x48: {  	_ =	swait.ge [sflag:s30], $0x4000  }
0x49: {  	[sflag:s30] =	ssyncset.done $0x0  }
0x4a: {  	[sflag:s30] =	ssyncadd.s32 $0xFFFFC000  }
0x4b: {  	[spmem:s3] =	stream.indirect.scatter.add.f32 [tilespmem:s20], [sflag:$0x3], $0x80, s26, s28, $0xb8;
	[tilespmem:$0x1C800] =	vst v63  }
0x4c: {  	_ =	swait.ge [sflag:s21], $0x4000  }
0x4d: {  	[sflag:s21] =	ssyncset.done $0x0  }
0x4e: {  	[sflag:s21] =	ssyncadd.s32 $0xFFFFC000  }
0x4f: {  	[tilespmem:s20], [sflag:$0x1] =	stream.indirect.gather [hbm4b:s2+s28], $0x80, s31, s28, $0xb8;
	[tilespmem:$0x1C800] =	vst v63  }
0x50: {  	_ =	swait.ge [sflag:s0], $0x4000  }
0x51: {  	[sflag:s0] =	ssyncset.done $0x0  }
0x52: {  	[sflag:s0] =	ssyncadd.s32 $0xFFFFC000  }
0x53: {  	[spmem:s3] =	stream.indirect.scatter.add.f32 [tilespmem:s29], [sflag:$0x3], $0x80, s1, s28, $0xb8;
	[tilespmem:$0x1C800] =	vst v63  }
0x54: {  	_ =	swait.ge [sflag:s21], $0x4000  }
0x55: {  	[sflag:s21] =	ssyncset.done $0x0  }
0x56: {  	[sflag:s21] =	ssyncadd.s32 $0xFFFFC000  }
0x57: {  	[tilespmem:s29], [sflag:$0x2] =	stream.indirect.gather [hbm4b:s2+s28], $0x80, s5, s28, $0xb8;
	[tilespmem:$0x1C800] =	vst v63  }
0x58: {  	_ =	swait.ge [sflag:s30], $0x4000  }
0x59: {  	[sflag:s30] =	ssyncset.done $0x0  }
0x5a: {  	[sflag:s30] =	ssyncadd.s32 $0xFFFFC000  }
0x5b: {  	[spmem:s3] =	stream.indirect.scatter.add.f32 [tilespmem:s20], [sflag:$0x3], $0x80, s8, s28, $0xb8;
	[tilespmem:$0x1C800] =	vst v63  }
0x5c: {  	_ =	swait.ge [sflag:s21], $0x4000  }
0x5d: {  	[sflag:s21] =	ssyncset.done $0x0  }
0x5e: {  	[sflag:s21] =	ssyncadd.s32 $0xFFFFC000  }
0x5f: {  	[tilespmem:s20], [sflag:$0x1] =	stream.indirect.gather [hbm4b:s2+s28], $0x80, s9, s28, $0xb8;
	[tilespmem:$0x1C800] =	vst v63  }
0x60: {  	_ =	swait.ge [sflag:s0], $0x4000  }
0x61: {  	[sflag:s0] =	ssyncset.done $0x0  }
0x62: {  	[sflag:s0] =	ssyncadd.s32 $0xFFFFC000  }
0x63: {  	[spmem:s3] =	stream.indirect.scatter.add.f32 [tilespmem:s29], [sflag:$0x3], $0x80, s10, s28, $0xb8;
	[tilespmem:$0x1C800] =	vst v63  }
0x64: {  	_ =	swait.ge [sflag:s21], $0x4000  }
0x65: {  	[sflag:s21] =	ssyncset.done $0x0  }
0x66: {  	[sflag:s21] =	ssyncadd.s32 $0xFFFFC000  }
0x67: {  	[tilespmem:s29], [sflag:$0x2] =	stream.indirect.gather [hbm4b:s2+s28], $0x80, s11, s28, $0xb8;
	[tilespmem:$0x1C800] =	vst v63  }
0x68: {  	_ =	swait.ge [sflag:s30], $0x4000  }
0x69: {  	[sflag:s30] =	ssyncset.done $0x0  }
0x6a: {  	[sflag:s30] =	ssyncadd.s32 $0xFFFFC000  }
0x6b: {  	[spmem:s3] =	stream.indirect.scatter.add.f32 [tilespmem:s20], [sflag:$0x3], $0x80, s12, s28, $0xb8;
	[tilespmem:$0x1C800] =	vst v63  }
0x6c: {  	_ =	swait.ge [sflag:s21], $0x4000  }
0x6d: {  	[sflag:s21] =	ssyncset.done $0x0  }
0x6e: {  	[sflag:s21] =	ssyncadd.s32 $0xFFFFC000  }
0x6f: {  	[tilespmem:s20], [sflag:$0x1] =	stream.indirect.gather [hbm4b:s2+s28], $0x80, s13, s28, $0xb8;
	[tilespmem:$0x1C800] =	vst v63  }
0x70: {  	_ =	swait.ge [sflag:s0], $0x4000  }
0x71: {  	[sflag:s0] =	ssyncset.done $0x0  }
0x72: {  	[sflag:s0] =	ssyncadd.s32 $0xFFFFC000  }
0x73: {  	[spmem:s3] =	stream.indirect.scatter.add.f32 [tilespmem:s29], [sflag:$0x3], $0x80, s14, s28, $0xb8;
	[tilespmem:$0x1C800] =	vst v63  }
0x74: {  	_ =	swait.ge [sflag:s21], $0x4000  }
0x75: {  	[sflag:s21] =	ssyncset.done $0x0  }
0x76: {  	[sflag:s21] =	ssyncadd.s32 $0xFFFFC000  }
0x77: {  	[tilespmem:s29], [sflag:$0x2] =	stream.indirect.gather [hbm4b:s2+s28], $0x80, s15, s28, $0xb8;
	[tilespmem:$0x1C800] =	vst v63  }
0x78: {  	_ =	swait.ge [sflag:s30], $0x4000  }
0x79: {  	[sflag:s30] =	ssyncset.done $0x0  }
0x7a: {  	[sflag:s30] =	ssyncadd.s32 $0xFFFFC000  }
0x7b: {  	[spmem:s3] =	stream.indirect.scatter.add.f32 [tilespmem:s20], [sflag:$0x3], $0x80, s16, s28, $0xb8;
	[tilespmem:$0x1C800] =	vst v63  }
0x7c: {  	_ =	swait.ge [sflag:s21], $0x4000  }
0x7d: {  	[sflag:s21] =	ssyncset.done $0x0  }
0x7e: {  	[sflag:s21] =	ssyncadd.s32 $0xFFFFC000  }
0x7f: {  	p0 =	sne.s32 s6, $0x1;
	_ =	swait.ge [sflag:s0], $0x4000  }
.Ltmp0:
0x80: {  	[sflag:s0] =	ssyncset.done $0x0;
	(pc) =	sbr.rel @!p0 .LBB2_3-.Ltmp0, $4  }
0x81: {  	[sflag:s0] =	ssyncadd.s32 $0xFFFFC000  }
0x82: {  	[spmem:s3] =	stream.indirect.scatter.add.f32 [tilespmem:s29], [sflag:$0x3], $0x80, s17, s28, $0xb8;
	[tilespmem:$0x1C800] =	vst v63  }
0x83: {  	s18 =	smov.u32 s24;
	_ =	swait.ge [sflag:s21], $0x4000  }
0x84: {  	s19 =	smov.u32 s25;
	s23 =	sadd.s32 $0xFFFFFFFF, s6;
	[sflag:s21] =	ssyncset.done $0x0  }
.LBB2_2:
0x85: {  	[sflag:s21] =	ssyncadd.s32 $0xFFFFC000;
	s18 =	sadd.s32 $0x80, s18;
	s19 =	sadd.s32 $0x80, s19  }
0x86: {  	[tilespmem:s4], [sflag:$0x3] =	stream.linear.gather [hbm4b:s19+s4], $0x400, $0x38;
	[tilespmem:$0x1C800] =	vst v63  }
0x87: {  	p0 =	sne.s32 s23, $0x1;
	s23 =	sadd.s32 $0xFFFFFFFF, s23;
	_ =	swait.ge [sflag:s21], $0x400  }
0x88: {  	[sflag:s21] =	ssyncset.done $0x0  }
0x89: {  	[sflag:s21] =	ssyncadd.s32 $0xFFFFFC00  }
0x8a: {  	[tilespmem:s26], [sflag:$0x3] =	stream.linear.gather [hbm4b:s18+s4], $0x400, $0x38;
	[tilespmem:$0x1C800] =	vst v63  }
0x8b: {  	_ =	swait.ge [sflag:s21], $0x400  }
0x8c: {  	[sflag:s21] =	ssyncset.done $0x0  }
0x8d: {  	[sflag:s21] =	ssyncadd.s32 $0xFFFFFC00  }
0x8e: {  	[tilespmem:s20], [sflag:$0x1] =	stream.indirect.gather [hbm4b:s2+s28], $0x80, s4, s28, $0xb8;
	[tilespmem:$0x1C800] =	vst v63  }
0x8f: {  	_ = 	snop  }
0x90: {  	[tilespmem:s29], [sflag:$0x2] =	stream.indirect.gather [hbm4b:s2+s28], $0x80, s28, s28, $0xb8;
	[tilespmem:$0x1C800] =	vst v63  }
0x91: {  	_ =	swait.ge [sflag:s30], $0x4000  }
0x92: {  	[sflag:s30] =	ssyncset.done $0x0  }
0x93: {  	[sflag:s30] =	ssyncadd.s32 $0xFFFFC000  }
0x94: {  	[spmem:s3] =	stream.indirect.scatter.add.f32 [tilespmem:s20], [sflag:$0x3], $0x80, s26, s28, $0xb8;
	[tilespmem:$0x1C800] =	vst v63  }
0x95: {  	_ =	swait.ge [sflag:s21], $0x4000  }
0x96: {  	[sflag:s21] =	ssyncset.done $0x0  }
0x97: {  	[sflag:s21] =	ssyncadd.s32 $0xFFFFC000  }
0x98: {  	[tilespmem:s20], [sflag:$0x1] =	stream.indirect.gather [hbm4b:s2+s28], $0x80, s31, s28, $0xb8;
	[tilespmem:$0x1C800] =	vst v63  }
0x99: {  	_ =	swait.ge [sflag:s0], $0x4000  }
0x9a: {  	[sflag:s0] =	ssyncset.done $0x0  }
0x9b: {  	[sflag:s0] =	ssyncadd.s32 $0xFFFFC000  }
0x9c: {  	[spmem:s3] =	stream.indirect.scatter.add.f32 [tilespmem:s29], [sflag:$0x3], $0x80, s1, s28, $0xb8;
	[tilespmem:$0x1C800] =	vst v63  }
0x9d: {  	_ =	swait.ge [sflag:s21], $0x4000  }
0x9e: {  	[sflag:s21] =	ssyncset.done $0x0  }
0x9f: {  	[sflag:s21] =	ssyncadd.s32 $0xFFFFC000  }
0xa0: {  	[tilespmem:s29], [sflag:$0x2] =	stream.indirect.gather [hbm4b:s2+s28], $0x80, s5, s28, $0xb8;
	[tilespmem:$0x1C800] =	vst v63  }
0xa1: {  	_ =	swait.ge [sflag:s30], $0x4000  }
0xa2: {  	[sflag:s30] =	ssyncset.done $0x0  }
0xa3: {  	[sflag:s30] =	ssyncadd.s32 $0xFFFFC000  }
0xa4: {  	[spmem:s3] =	stream.indirect.scatter.add.f32 [tilespmem:s20], [sflag:$0x3], $0x80, s8, s28, $0xb8;
	[tilespmem:$0x1C800] =	vst v63  }
0xa5: {  	_ =	swait.ge [sflag:s21], $0x4000  }
0xa6: {  	[sflag:s21] =	ssyncset.done $0x0  }
0xa7: {  	[sflag:s21] =	ssyncadd.s32 $0xFFFFC000  }
0xa8: {  	[tilespmem:s20], [sflag:$0x1] =	stream.indirect.gather [hbm4b:s2+s28], $0x80, s9, s28, $0xb8;
	[tilespmem:$0x1C800] =	vst v63  }
0xa9: {  	_ =	swait.ge [sflag:s0], $0x4000  }
0xaa: {  	[sflag:s0] =	ssyncset.done $0x0  }
0xab: {  	[sflag:s0] =	ssyncadd.s32 $0xFFFFC000  }
0xac: {  	[spmem:s3] =	stream.indirect.scatter.add.f32 [tilespmem:s29], [sflag:$0x3], $0x80, s10, s28, $0xb8;
	[tilespmem:$0x1C800] =	vst v63  }
0xad: {  	_ =	swait.ge [sflag:s21], $0x4000  }
0xae: {  	[sflag:s21] =	ssyncset.done $0x0  }
0xaf: {  	[sflag:s21] =	ssyncadd.s32 $0xFFFFC000  }
0xb0: {  	[tilespmem:s29], [sflag:$0x2] =	stream.indirect.gather [hbm4b:s2+s28], $0x80, s11, s28, $0xb8;
	[tilespmem:$0x1C800] =	vst v63  }
0xb1: {  	_ =	swait.ge [sflag:s30], $0x4000  }
0xb2: {  	[sflag:s30] =	ssyncset.done $0x0  }
0xb3: {  	[sflag:s30] =	ssyncadd.s32 $0xFFFFC000  }
0xb4: {  	[spmem:s3] =	stream.indirect.scatter.add.f32 [tilespmem:s20], [sflag:$0x3], $0x80, s12, s28, $0xb8;
	[tilespmem:$0x1C800] =	vst v63  }
0xb5: {  	_ =	swait.ge [sflag:s21], $0x4000  }
0xb6: {  	[sflag:s21] =	ssyncset.done $0x0  }
0xb7: {  	[sflag:s21] =	ssyncadd.s32 $0xFFFFC000  }
0xb8: {  	[tilespmem:s20], [sflag:$0x1] =	stream.indirect.gather [hbm4b:s2+s28], $0x80, s13, s28, $0xb8;
	[tilespmem:$0x1C800] =	vst v63  }
0xb9: {  	_ =	swait.ge [sflag:s0], $0x4000  }
0xba: {  	[sflag:s0] =	ssyncset.done $0x0  }
0xbb: {  	[sflag:s0] =	ssyncadd.s32 $0xFFFFC000  }
0xbc: {  	[spmem:s3] =	stream.indirect.scatter.add.f32 [tilespmem:s29], [sflag:$0x3], $0x80, s14, s28, $0xb8;
	[tilespmem:$0x1C800] =	vst v63  }
0xbd: {  	_ =	swait.ge [sflag:s21], $0x4000  }
0xbe: {  	[sflag:s21] =	ssyncset.done $0x0  }
0xbf: {  	[sflag:s21] =	ssyncadd.s32 $0xFFFFC000  }
0xc0: {  	[tilespmem:s29], [sflag:$0x2] =	stream.indirect.gather [hbm4b:s2+s28], $0x80, s15, s28, $0xb8;
	[tilespmem:$0x1C800] =	vst v63  }
0xc1: {  	_ =	swait.ge [sflag:s30], $0x4000  }
0xc2: {  	[sflag:s30] =	ssyncset.done $0x0  }
0xc3: {  	[sflag:s30] =	ssyncadd.s32 $0xFFFFC000  }
0xc4: {  	[spmem:s3] =	stream.indirect.scatter.add.f32 [tilespmem:s20], [sflag:$0x3], $0x80, s16, s28, $0xb8;
	[tilespmem:$0x1C800] =	vst v63  }
0xc5: {  	_ =	swait.ge [sflag:s21], $0x4000  }
0xc6: {  	[sflag:s21] =	ssyncset.done $0x0  }
0xc7: {  	[sflag:s21] =	ssyncadd.s32 $0xFFFFC000  }
0xc8: {  	_ =	swait.ge [sflag:s0], $0x4000  }
.Ltmp1:
0xc9: {  	[sflag:s0] =	ssyncset.done $0x0;
	(pc) =	sbr.rel @p0 .LBB2_2-.Ltmp1, $4  }
0xca: {  	[sflag:s0] =	ssyncadd.s32 $0xFFFFC000  }
0xcb: {  	[spmem:s3] =	stream.indirect.scatter.add.f32 [tilespmem:s29], [sflag:$0x3], $0x80, s17, s28, $0xb8;
	[tilespmem:$0x1C800] =	vst v63  }
0xcc: {  	_ =	swait.ge [sflag:s21], $0x4000  }
0xcd: {  	[sflag:s21] =	ssyncset.done $0x0  }
.LBB2_3:
0xce: {  	[sflag:s21] =	ssyncadd.s32 $0xFFFFC000;
	s18 =	stileid.u32  }
0xcf: {  	s18 =	sshll.u32 s18, $0x6;
	[bflag:$0x0] =	sbarrier.arrive $0xFFFF  }
0xd0: {  	s19 =	sshrl.u32 s7, $0x3;
	s18 =	sor.u32 $0x1C03, s18;
	s23 =	rddreg [dreg:$0x5]  }
0xd1: {  	[hbm:s23], [sflag:s18] =	dma.local [spmem:s19], $0x800  }
0xd2: {  	_ =	swait.ge [sflag:s21], $0x800  }
0xd3: {  	[sflag:s21] =	ssyncset.done $0x0;
	s19 =	rddreg [dreg:$0xb]  }
0xd4: {  	s23 =	rddreg [dreg:$0xf];
	[sflag:s21] =	ssyncadd.s32 $0xFFFFF800  }
0xd5: {  	[hbm:s19], [sflag:s18] =	dma.local [spmem:s23], $0x800  }
0xd6: {  	_ =	swait.ge [sflag:s21], $0x800  }
0xd7: {  	[sflag:s21] =	ssyncset.done $0x0;
	s19 =	rddreg [dreg:$0xc]  }
0xd8: {  	s23 =	rddreg [dreg:$0x10];
	[sflag:s21] =	ssyncadd.s32 $0xFFFFF800  }
0xd9: {  	[hbm:s19], [sflag:s18] =	dma.local [spmem:s23], $0x800  }
0xda: {  	_ =	swait.ge [sflag:s21], $0x800  }
0xdb: {  	[sflag:s21] =	ssyncset.done $0x0;
	s19 =	rddreg [dreg:$0xd]  }
0xdc: {  	s23 =	rddreg [dreg:$0x11];
	[sflag:s21] =	ssyncadd.s32 $0xFFFFF800  }
0xdd: {  	[hbm:s19], [sflag:s18] =	dma.local [spmem:s23], $0x800  }
0xde: {  	_ =	swait.ge [sflag:s21], $0x800  }
0xdf: {  	[sflag:s21] =	ssyncset.done $0x0;
	s19 =	rddreg [dreg:$0xe]  }
0xe0: {  	s23 =	rddreg [dreg:$0x12];
	[sflag:s21] =	ssyncadd.s32 $0xFFFFF800  }
0xe1: {  	[hbm:s19], [sflag:s18] =	dma.local [spmem:s23], $0x800  }
0xe2: {  	_ =	swait.ge [sflag:s21], $0x800  }
0xe3: {  	s22 =	sadd.s32 $0x1, s22;
	s23 =	rddreg [dreg:$0x6]  }
0xe4: {  	p0 =	sne.s32 s22, s23  }
.Ltmp2:
0xe5: {  	_ = 	snop;
	(pc) =	sbr.rel @p0 .LBB2_1-.Ltmp2, $3  }
0xe6: {  	_ =	sdelay $0x1  }
0xe7: {  	[sflag:s21] =	ssyncset.done $0x0  }
0xe8: {  	[sflag:s21] =	ssyncadd.s32 $0xFFFFF800  }
0xe9: {  	_ =	sfence.sel $0x180000  }
0xea: {  	[bflag:$0x0] =	sbarrier.arrive $0xFFFF  }
0xeb: {  	_ =	strace $0x9000004D  }
0xec: {  	s0 =	stileid.u32;
	[bflag:$0x2] =	sbarrier.arrive $0xFFFF  }
0xed: {  	p0 =	sne.s32 s0, $0x0;
	s0 =	rddreg [dreg:$0x3]  }
0xee: {  	s0 =	sadd.s32 @!p0 $0x100000, s0  }
0xef: {  	[sflag:s0] =	ssyncadd.tile.s32 @!p0 $0x1;
	_ =	shalt  }
.Lfunc_end2:
_tile_overlayer_lowered:
.L_overlay_start_2:
0xf0: {  	(tag) =	ssettag $0x2  }
0xf1: {  	s0 =	rddreg [dreg:$0x0];
	s2 =	stileid.u32  }
0xf2: {  	s1 =	rddreg [dreg:$0x1];
	p0 =	sne.s32 s2, $0x0  }
0xf3: {  	s3 =	rddreg [dreg:$0x2];
	[bflag:$0x3] =	sbarrier.arrive $0xFFFF;
	s2 =	simm.s32 @!p0 $0x1C03  }
0xf4: {  	[timem:s3], [sflag:s2] =	dma.local @!p0 [hbm:s0], s1  }
0xf5: {  	s0 =	simm.s32 @!p0 $0x3  }
0xf6: {  	_ =	swait.ge @!p0 [sflag:s0], s1  }
0xf7: {  	s1 =	ssub.s32 @!p0 $0x0, s1;
	[sflag:s0] =	ssyncset.done @!p0 $0x0  }
0xf8: {  	[sflag:s0] =	ssyncadd.s32 @!p0 s1  }
0xf9: {  	[bflag:$0x3] =	sbarrier.arrive $0xFFFF  }
0xfa: {  	_ =	shalt  }

// kernel: kernel.19.cloned.1.call-start
scs
__scs_entry_jumppad:
0x0: {  	(pc) =	sbr.rel $0x88, $3  }
0x1: {  	(tag) =	ssettag $0x0;
	lr =	simm.s32 $0x1  }
0x2: {  	[smem:$0x3F90] =	sst lr;
	_ =	strace $0xD0000000  }
0x3: {  	_ = 	snop  }
0x4: {  	_ = 	snop  }
0x5: {  	_ = 	snop  }
0x6: {  	_ = 	snop  }
0x7: {  	_ = 	snop  }
__scs_overlays_trampoline_lowered:
0x8: {  	[smem:$0x3F9F] =	sst s0  }
0x9: {  	[smem:$0x3FA0] =	sst s1  }
0xa: {  	[smem:$0x3FA1] =	sst s2  }
0xb: {  	[smem:$0x3FA2] =	sst s3  }
0xc: {  	[smem:$0x3FA3] =	sst s4  }
0xd: {  	[smem:$0x3FA4] =	sst s5  }
0xe: {  	[smem:$0x3FA5] =	sst s6  }
0xf: {  	[smem:$0x3FA6] =	sst s7  }
0x10: {  	[smem:$0x3FA7] =	sst s8  }
0x11: {  	[smem:$0x3FA8] =	sst s9;
	s0 =	simm.s32 @!p0 $0x0  }
0x12: {  	s1 =	sld [smem:$0x3F8E];
	s0 =	simm.s32 @p0 $0x1  }
0x13: {  	[smem:$0x3FA9] =	sst s0;
	s0 =	simm.s32 @!p1 $0x0  }
0x14: {  	s2 =	sld [smem:$0x3F8D];
	s0 =	simm.s32 @p1 $0x1  }
0x15: {  	[smem:$0x3FAA] =	sst s0;
	s0 =	simm.s32 @!p2 $0x0  }
0x16: {  	s3 =	sld [smem:$0x3FDB];
	s0 =	simm.s32 @p2 $0x1  }
0x17: {  	s4 =	simm.s32 $0x1BF5;
	[smem:$0x3FAC] =	sst s0  }
0x18: {  	s0 =	sld [smem:$0x3F8F];
	_ =	swait.ge [sflag:s4], $0x0  }
0x19: {  	s7 =	sld [smem:$0x3F90]  }
0x1a: {  	s8 =	sadd.s32 $0xFFFFE003, lr  }
0x1b: {  	s9 =	sadd.s32 $0xFFFFFEF7, lr;
	s5 =	simm.s32 $0xFFFFFFFF;
	p2 =	slt.u32 s8, $0xFFFFF086  }
0x1c: {  	p1 =	slt.u32 s9, $0xF7A;
	s5 =	simm.s32 @!p2 $0x0  }
0x1d: {  	s5 =	simm.s32 @p1 $0x1;
	p0 =	seq.s32 s7, s2  }
0x1e: {  	s7 =	smul.u32 @!p0 $0xF7A, s2;
	p2 =	seq.s32 @!p0 s5, $0x0  }
0x1f: {  	s9 =	smul.u32 $0xF7A, s1;
	s8 =	simm.s32 @!p0 $0x1BF5;
	p2 =	por !p2, p0  }
0x20: {  	[sflag:s8] =	ssyncset.s32 @!p0 $0xFFFFF086;
	s6 =	sadd.s32 @!p0 s3, s7;
	s7 =	simm.s32 @!p0 $0x108  }
0x21: {  	s3 =	sadd.s32 s3, s9;
	s6 =	sadd.s32 @!p0 $0x88, s6;
	s7 =	simm.s32 @p2 $0x1082  }
0x22: {  	[simem:s7], [sflag:s8] =	dma.local @!p0 [hbm:s6], $0xF7A  }
0x23: {  	s9 =	sor.u32 $0xD0000000, s2;
	s6 =	simm.s32 $0x108;
	_ =	swait.ge @!p0 [sflag:s8], $0x0  }
0x24: {  	s3 =	sadd.s32 $0x88, s3;
	s6 =	simm.s32 @!p1 $0x1082;
	[sflag:s4] =	ssyncset.s32 $0xFFFFF086  }
0x25: {  	[simem:s6], [sflag:s4] =	dma.local [hbm:s3], $0xF7A  }
0x26: {  	[smem:$0x3F90] =	sst s1;
	(tag) =	ssettag s2;
	_ =	strace s9  }
0x27: {  	s1 =	sld [smem:$0x3FA0]  }
0x28: {  	s2 =	sld [smem:$0x3FA1]  }
0x29: {  	s4 =	sld [smem:$0x3FA3]  }
0x2a: {  	p0 =	seq.s32 s5, $0x0;
	s5 =	sld [smem:$0x3FA4]  }
0x2b: {  	s6 =	sld [smem:$0x3FA5]  }
0x2c: {  	s7 =	sld [smem:$0x3FA6]  }
0x2d: {  	s3 =	simm.s32 $0x108;
	s8 =	sld [smem:$0x3FA7]  }
0x2e: {  	s3 =	simm.s32 @!p0 $0x1082;
	s9 =	sld [smem:$0x3FA8]  }
0x2f: {  	lr =	sadd.s32 s0, s3;
	s0 =	sld [smem:$0x3F9F]  }
0x30: {  	s3 =	sld [smem:$0x3FA2]  }
0x31: {  	[smem:$0x3FAB] =	sst s10  }
0x32: {  	s10 =	sld [smem:$0x3FA9];
	_ =	sdelay $0x3  }
0x33: {  	p0 =	seq.s32 s10, $0x1;
	s10 =	sld [smem:$0x3FAB];
	_ =	sdelay $0x3  }
0x34: {  	[smem:$0x3FAB] =	sst s10  }
0x35: {  	s10 =	sld [smem:$0x3FAA];
	_ =	sdelay $0x3  }
0x36: {  	p1 =	seq.s32 s10, $0x1;
	s10 =	sld [smem:$0x3FAB];
	_ =	sdelay $0x3  }
0x37: {  	[smem:$0x3FAB] =	sst s10  }
0x38: {  	s10 =	sld [smem:$0x3FAC]  }
0x39: {  	_ = 	snop;
	(pc) =	sbr.ind lr, $3  }
0x3a: {  	_ = 	snop  }
0x3b: {  	_ = 	snop  }
0x3c: {  	p2 =	seq.s32 s10, $0x1;
	s10 =	sld [smem:$0x3FAB]  }
0x3d: {  	_ =	shalt  }
0x3e: {  	_ =	shalt  }
0x3f: {  	_ =	shalt  }
0x40: {  	_ =	shalt  }
0x41: {  	_ =	shalt  }
0x42: {  	_ =	shalt  }
0x43: {  	_ =	shalt  }
0x44: {  	_ =	shalt  }
0x45: {  	_ =	shalt  }
0x46: {  	_ =	shalt  }
0x47: {  	_ =	shalt  }
0x48: {  	_ =	shalt  }
0x49: {  	_ =	shalt  }
0x4a: {  	_ =	shalt  }
0x4b: {  	_ =	shalt  }
0x4c: {  	_ =	shalt  }
0x4d: {  	_ =	shalt  }
0x4e: {  	_ =	shalt  }
0x4f: {  	_ =	shalt  }
0x50: {  	_ =	shalt  }
0x51: {  	_ =	shalt  }
0x52: {  	_ =	shalt  }
0x53: {  	_ =	shalt  }
0x54: {  	_ =	shalt  }
0x55: {  	_ =	shalt  }
0x56: {  	_ =	shalt  }
0x57: {  	_ =	shalt  }
0x58: {  	_ =	shalt  }
0x59: {  	_ =	shalt  }
0x5a: {  	_ =	shalt  }
0x5b: {  	_ =	shalt  }
0x5c: {  	_ =	shalt  }
0x5d: {  	_ =	shalt  }
0x5e: {  	_ =	shalt  }
0x5f: {  	_ =	shalt  }
0x60: {  	_ =	shalt  }
0x61: {  	_ =	shalt  }
0x62: {  	_ =	shalt  }
0x63: {  	_ =	shalt  }
0x64: {  	_ =	shalt  }
0x65: {  	_ =	shalt  }
0x66: {  	_ =	shalt  }
0x67: {  	_ =	shalt  }
0x68: {  	_ =	shalt  }
0x69: {  	_ =	shalt  }
0x6a: {  	_ =	shalt  }
0x6b: {  	_ =	shalt  }
0x6c: {  	_ =	shalt  }
0x6d: {  	_ =	shalt  }
0x6e: {  	_ =	shalt  }
0x6f: {  	_ =	shalt  }
0x70: {  	_ =	shalt  }
0x71: {  	_ =	shalt  }
0x72: {  	_ =	shalt  }
0x73: {  	_ =	shalt  }
0x74: {  	_ =	shalt  }
0x75: {  	_ =	shalt  }
0x76: {  	_ =	shalt  }
0x77: {  	_ =	shalt  }
0x78: {  	_ =	shalt  }
0x79: {  	_ =	shalt  }
0x7a: {  	_ =	shalt  }
0x7b: {  	_ =	shalt  }
0x7c: {  	_ =	shalt  }
0x7d: {  	_ =	shalt  }
0x7e: {  	_ =	shalt  }
0x7f: {  	_ =	shalt  }
0x80: {  	_ =	shalt  }
0x81: {  	_ =	shalt  }
0x82: {  	_ =	shalt  }
0x83: {  	_ =	shalt  }
0x84: {  	_ =	shalt  }
0x85: {  	_ =	shalt  }
0x86: {  	_ =	shalt  }
0x87: {  	_ =	shalt  }
.Lfunc_end0:
.L_simem_size_0:
called_computation.3_lowered:
.L_overlay_start_0:
0x88: {  	s2 =	sld [smem:$0x3FD9]  }
0x89: {  	s3 =	sld [smem:$0x3FFE];
	_ =	sdelay $0x1  }
0x8a: {  	s1 =	srdreg.scid  }
0x8b: {  	s0 =	sand.u32 $0x1, s1  }
0x8c: {  	s14 =	sshll.u32 s0, $0xA;
	s2 =	sadd.s32 s3, s2  }
0x8d: {  	s2 =	sadd.s32 s2, s14  }
0x8e: {  	[smem:$0x3FB7] =	sst s2  }
0x8f: {  	_ = 	snop  }
0x90: {  	s2 =	sld [smem:$0x3FD0];
	_ =	sdelay $0x2  }
0x91: {  	s15 =	simm.s32 $0xA;
	s4 =	simm.s32 $0x10  }
0x92: {  	[smem:s4], [sflag:s15] =	dma.local [hbm:s2], $0x1  }
0x93: {  	_ =	swait.eq [sflag:s15], $0x1  }
0x94: {  	[sflag:s15] =	ssyncset.done $0x0  }
0x95: {  	[sflag:s15] =	ssyncadd.s32 $0xFFFFFFFF  }
0x96: {  	s16 =	sld [smem:$0x13];
	(tm) =	ssettm $0x1  }
0x97: {  	s17 =	sld [smem:$0x3FFB];
	_ =	sdelay $0x3  }
0x98: {  	_ =	strace s17  }
0x99: {  	s3 =	sld [smem:$0x3FFC];
	_ =	sdelay $0x3  }
0x9a: {  	_ =	strace s3  }
0x9b: {  	s3 =	sld [smem:$0x3FFD];
	_ =	sdelay $0x3  }
0x9c: {  	_ =	strace s3  }
0x9d: {  	_ =	strace $0x8FFFFFFF  }
0x9e: {  	s18 =	sld [smem:$0x3FDB];
	_ =	sdelay $0x1  }
0x9f: {  	s19 =	simm.s32 $_scs_section_size  }
0xa0: {  	s5 =	simm.s32 $_size__tile_overlayer_lowered;
	s6 =	simm.s32 $_tile_overlayer_lowered  }
0xa1: {  	s22 =	simm.s32 $0x1BFF;
	s21 =	sshll.u32 s6, $0x1;
	s3 =	sadd.s32 s19, s18  }
0xa2: {  	s7 =	simm.s32 $0x0;
	s20 =	sshll.u32 s5, $0x1;
	s5 =	sadd.s32 s21, s3  }
0xa3: {  	[timem:s7], [sflag:s22] =	dma.local [hbm:s5], s20  }
0xa4: {  	_ =	swait.ge [sflag:s22], s20  }
0xa5: {  	s4 =	ssub.s32 $0x0, s20;
	[sflag:s22] =	ssyncset.done $0x0  }
0xa6: {  	[sflag:s22] =	ssyncadd.s32 s4;
	_ =	sdelay $0x1  }
0xa7: {  	s23 =	simm.s32 $0x1B8B  }
0xa8: {  	_ =	swait.ge [sflag:s23], $0x1  }
0xa9: {  	[sflag:s23] =	ssyncset.done $0x0  }
0xaa: {  	s25 =	simm.s32 $0x1B8E;
	s24 =	sld [smem:$0x3FFE];
	[sflag:s23] =	ssyncadd.s32 $0xFFFFFFFF  }
0xab: {  	s26 =	simm.s32 $execute0_lowered;
	[smem:$0x3FD2] =	sst s25  }
0xac: {  	s5 =	sshll.u32 s26, $0x1;
	_ =	strace $0x8000004F;
	[dreg:$0x1] =	wrdreg $0xFFFFFFFF  }
0xad: {  	s28 =	simm.s32 $_size_execute0_lowered;
	s3 =	sadd.s32 s3, s5;
	[dreg:$0x0] =	wrdreg $0x0  }
0xae: {  	s5 =	sshll.u32 s28, $0x1;
	[dreg:$0x2] =	wrdreg s3  }
0xaf: {  	[dreg:$0x3] =	wrdreg s5  }
0xb0: {  	[dreg:$0x4] =	wrdreg $0xC0  }
0xb1: {  	_ =	task [dreg:s7], $0x5FFFF  }
0xb2: {  	[dreg:$0x1] =	wrdreg $0xFFFFFFFF  }
0xb3: {  	[dreg:$0x0] =	wrdreg $0x60  }
0xb4: {  	[dreg:$0x2] =	wrdreg s16  }
0xb5: {  	[dreg:$0x3] =	wrdreg s24  }
0xb6: {  	[dreg:$0x4] =	wrdreg $0x88000  }
0xb7: {  	[dreg:$0x5] =	wrdreg $0x9  }
0xb8: {  	_ =	task.clear_ibuf [dreg:s7], $0x6FFFF;
	_ =	strace $0x9000004F  }
0xb9: {  	s29 =	simm.s32 $0x9;
	_ =	strace $0x80000051  }
0xba: {  	_ =	swait.ge [sflag:s29], $0x1  }
0xbb: {  	[sflag:s29] =	ssyncadd.s32 $0xFFFFFFFF  }
0xbc: {  	_ =	strace $0x90000051  }
0xbd: {  	_ =	sfence  }
0xbe: {  	s30 =	sld [smem:$0x0];
	_ =	sdelay $0x2  }
0xbf: {  	s31 =	sshll.u32 s1, $0xD;
	s1 =	sshrl.u32 s1, $0x2  }
0xc0: {  	s3 =	sand.u32 $0x4000, s31;
	s1 =	sadd.s32 s1, s30  }
0xc1: {  	s0 =	sor.u32 s3, s0;
	s1 =	sshll.u32 s1, $0x11  }
0xc2: {  	s0 =	sor.u32 s1, s0  }
0xc3: {  	s0 =	sadd.s32 $0x8F2B, s0  }
0xc4: {  	[sflag:s0] =	ssyncadd.remote.s32 $0x1  }
0xc5: {  	_ =	sfence.sel $0xFFFF  }
0xc6: {  	[dreg:$0x0] =	wrdreg $0xFFFFFFFF;
	(pc) =	sbr.abs _section_cstart, $3  }
0xc7: {  	[dreg:$0x1] =	wrdreg $0xFFFFFFFF  }
0xc8: {  	_ =	task.clear_ibuf [dreg:s7], $0x2FFFF;
	_ =	strace $0x9FFFFFFF  }
0xc9: {  	(tm) =	ssettm $0x7FFFFFFF  }
tec
execute0_lowered:
.L_overlay_start_1:
0x0: {  	(tag) =	ssettag $0x1  }
0x1: {  	s2 =	rddreg [dreg:$0x0]  }
0x2: {  	s0 =	rddreg [dreg:$0x1]  }
0x3: {  	s3 =	rddreg [dreg:$0x2]  }
0x4: {  	s10 =	stileid.u32;
	s4 =	simm.s32 $0x0;
	s5 =	srdreg.scid  }
0x5: {  	s28 =	simm.s32 $0x80;
	s29 =	simm.s32 $0x4800;
	s1 =	smul.u32 $0xA00, s10  }
0x6: {  	s30 =	simm.s32 $0x1;
	s31 =	simm.s32 $0x100;
	s9 =	smul.u32 $0x14000, s10  }
0x7: {  	[smem:$0x7FF] =	sst s4;
	s5 =	sand.u32 $0x1, s5;
	s10 =	smul.u32 $0x50000, s10  }
0x8: {  	s6 =	sadd.s32 $0x17E00, s0;
	_ =	strace $0x80000050;
	s8 =	smul.u32 $0x140000, s5  }
0x9: {  	[dreg:$0x4] =	wrdreg s6;
	s18 =	ssub.s32 $0x2, s5;
	p0 =	seq.s32 s5, $0x0  }
0xa: {  	s6 =	simm.s32 $0xF;
	s5 =	smul.u32 $0x780, s5;
	s1 =	sadd.s32 s1, s0  }
0xb: {  	s0 =	sadd.s32 $0x18600, s0;
	s7 =	sshrl.u32 s18, $0x1;
	s10 =	sshrl.u32 s10, $0x2  }
0xc: {  	s6 =	simm.s32 @!p0 $0x5;
	s23 =	sadd.s32 $0x4000, s9;
	s26 =	sadd.s32 $0x8000, s9  }
0xd: {  	s17 =	sadd.s32 $0xC000, s9;
	s11 =	ssub.s32 s18, s7;
	s19 =	sadd.s32 s8, s9  }
0xe: {  	s7 =	sadd.s32 s10, s3;
	s25 =	sadd.s32 s8, s23;
	s15 =	sadd.s32 s8, s26  }
0xf: {  	s10 =	sadd.s32 s23, s3;
	s18 =	sadd.s32 s8, s17;
	s9 =	sadd.s32 $0x10000, s9  }
0x10: {  	s1 =	sadd.s32 s5, s1;
	s5 =	simm.s32 $0x180;
	s12 =	sshrl.u32 s19, $0x3  }
0x11: {  	s21 =	smax.u32 s11, $0x1;
	s22 =	sadd.s32 $0x4000, s7;
	s24 =	sadd.s32 $0x8000, s7  }
0x12: {  	s13 =	sadd.s32 $0xC000, s7;
	s11 =	sshrl.u32 s25, $0x3;
	[dreg:$0x6] =	wrdreg s21  }
0x13: {  	s14 =	sadd.s32 $0x10000, s7;
	s16 =	sshrl.u32 s15, $0x3;
	[dreg:$0x7] =	wrdreg s22  }
0x14: {  	s8 =	sadd.s32 s8, s9;
	s19 =	sadd.s32 s9, s3;
	[dreg:$0x8] =	wrdreg s24  }
0x15: {  	s25 =	sadd.s32 $0x3E00, s1;
	s9 =	simm.s32 $0x200;
	[dreg:$0x9] =	wrdreg s13  }
0x16: {  	s15 =	simm.s32 $0x380;
	s20 =	sadd.s32 s0, s12;
	[dreg:$0xa] =	wrdreg s14  }
0x17: {  	s11 =	sadd.s32 s0, s11;
	s12 =	sadd.s32 s26, s3;
	s13 =	sshrl.u32 s18, $0x3  }
0x18: {  	s8 =	sshrl.u32 s8, $0x3;
	s24 =	sadd.s32 $0xDE00, s1;
	s21 =	simm.s32 $0x3  }
0x19: {  	s22 =	sshrl.u32 s10, $0x3;
	s1 =	simm.s32 $0x480;
	[dreg:$0x5] =	wrdreg s20  }
0x1a: {  	s10 =	simm.s32 $0x580;
	s14 =	simm.s32 $0x680;
	[dreg:$0xb] =	wrdreg s11  }
0x1b: {  	s11 =	sadd.s32 s0, s16;
	s13 =	sadd.s32 s0, s13;
	[dreg:$0xf] =	wrdreg s22  }
0x1c: {  	s0 =	sadd.s32 s0, s8;
	s20 =	simm.s32 $0x800;
	[dreg:$0xc] =	wrdreg s11  }
0x1d: {  	s23 =	sshrl.u32 s12, $0x3;
	s8 =	simm.s32 $0x500;
	[dreg:$0xd] =	wrdreg s13  }
0x1e: {  	s12 =	simm.s32 $0x600;
	s16 =	simm.s32 $0x700;
	[dreg:$0xe] =	wrdreg s0  }
0x1f: {  	s22 =	simm.s32 $0x0;
	s11 =	sadd.s32 s17, s3;
	[dreg:$0x10] =	wrdreg s23  }
0x20: {  	s0 =	sshrl.u32 s19, $0x3;
	s13 =	simm.s32 $0x300;
	s17 =	simm.s32 $0x780  }
0x21: {  	s26 =	sshrl.u32 s11, $0x3;
	[dreg:$0x12] =	wrdreg s0;
	s0 =	simm.s32 $0x2  }
0x22: {  	s11 =	simm.s32 $0x280;
	[dreg:$0x11] =	wrdreg s26;
	s26 =	simm.s32 $0x400  }
.LBB2_1:
0x23: {  	s18 =	rddreg [dreg:$0x4]  }
0x24: {  	[tilespmem:s20], [sflag:$0x3] =	stream.linear.gather [hbm4b:s18+s4], $0x4000, $0x38;
	[tilespmem:$0x1C800] =	vst v63  }
0x25: {  	_ =	swait.ge [sflag:s21], $0x4000  }
0x26: {  	[sflag:s21] =	ssyncset.done $0x0  }
0x27: {  	[sflag:s21] =	ssyncadd.s32 $0xFFFFC000  }
0x28: {  	[spmem:s7] =	stream.linear.scatter [tilespmem:s20], [sflag:$0x3], $0x4000, $0x38;
	[tilespmem:$0x1C800] =	vst v63  }
0x29: {  	_ =	swait.ge [sflag:s21], $0x4000  }
0x2a: {  	[sflag:s21] =	ssyncset.done $0x0  }
0x2b: {  	s19 =	rddreg [dreg:$0x7];
	[sflag:s21] =	ssyncadd.s32 $0xFFFFC000  }
0x2c: {  	[spmem:s19] =	stream.linear.scatter [tilespmem:s20], [sflag:$0x3], $0x4000, $0x38;
	[tilespmem:$0x1C800] =	vst v63  }
0x2d: {  	_ =	swait.ge [sflag:s21], $0x4000  }
0x2e: {  	[sflag:s21] =	ssyncset.done $0x0  }
0x2f: {  	s23 =	rddreg [dreg:$0x8];
	[sflag:s21] =	ssyncadd.s32 $0xFFFFC000  }
0x30: {  	[spmem:s23] =	stream.linear.scatter [tilespmem:s20], [sflag:$0x3], $0x4000, $0x38;
	[tilespmem:$0x1C800] =	vst v63  }
0x31: {  	_ =	swait.ge [sflag:s21], $0x4000  }
0x32: {  	[sflag:s21] =	ssyncset.done $0x0  }
0x33: {  	s19 =	rddreg [dreg:$0x9];
	[sflag:s21] =	ssyncadd.s32 $0xFFFFC000  }
0x34: {  	[spmem:s19] =	stream.linear.scatter [tilespmem:s20], [sflag:$0x3], $0x4000, $0x38;
	[tilespmem:$0x1C800] =	vst v63  }
0x35: {  	_ =	swait.ge [sflag:s21], $0x4000  }
0x36: {  	[sflag:s21] =	ssyncset.done $0x0  }
0x37: {  	s23 =	rddreg [dreg:$0xa];
	[sflag:s21] =	ssyncadd.s32 $0xFFFFC000  }
0x38: {  	[spmem:s23] =	stream.linear.scatter [tilespmem:s20], [sflag:$0x3], $0x4000, $0x38;
	[tilespmem:$0x1C800] =	vst v63  }
0x39: {  	_ =	swait.ge [sflag:s21], $0x4000  }
0x3a: {  	[sflag:s21] =	ssyncset.done $0x0  }
0x3b: {  	[sflag:s21] =	ssyncadd.s32 $0xFFFFC000  }
0x3c: {  	[bflag:$0x0] =	sbarrier.arrive $0xFFFF  }
0x3d: {  	[tilespmem:s4], [sflag:$0x3] =	stream.linear.gather [hbm4b:s25+s4], $0x400, $0x38;
	[tilespmem:$0x1C800] =	vst v63  }
0x3e: {  	_ =	swait.ge [sflag:s21], $0x400  }
0x3f: {  	[sflag:s21] =	ssyncset.done $0x0  }
0x40: {  	[sflag:s21] =	ssyncadd.s32 $0xFFFFFC00  }
0x41: {  	[tilespmem:s26], [sflag:$0x3] =	stream.linear.gather [hbm4b:s24+s4], $0x400, $0x38;
	[tilespmem:$0x1C800] =	vst v63  }
0x42: {  	_ =	swait.ge [sflag:s21], $0x400  }
0x43: {  	[sflag:s21] =	ssyncset.done $0x0  }
0x44: {  	[sflag:s21] =	ssyncadd.s32 $0xFFFFFC00  }
0x45: {  	[tilespmem:s20], [sflag:$0x1] =	stream.indirect.gather [hbm4b:s2+s28], $0x80, s4, s28, $0xb8;
	[tilespmem:$0x1C800] =	vst v63  }
0x46: {  	_ = 	snop  }
0x47: {  	[tilespmem:s29], [sflag:$0x2] =	stream.indirect.gather [hbm4b:s2+s28], $0x80, s28, s28, $0xb8;
	[tilespmem:$0x1C800] =	vst v63  }
0x48: {  	_ =	swait.ge [sflag:s30], $0x4000  }
0x49: {  	[sflag:s30] =	ssyncset.done $0x0  }
0x4a: {  	[sflag:s30] =	ssyncadd.s32 $0xFFFFC000  }
0x4b: {  	[spmem:s3] =	stream.indirect.scatter.add.f32 [tilespmem:s20], [sflag:$0x3], $0x80, s26, s28, $0xb8;
	[tilespmem:$0x1C800] =	vst v63  }
0x4c: {  	_ =	swait.ge [sflag:s21], $0x4000  }
0x4d: {  	[sflag:s21] =	ssyncset.done $0x0  }
0x4e: {  	[sflag:s21] =	ssyncadd.s32 $0xFFFFC000  }
0x4f: {  	[tilespmem:s20], [sflag:$0x1] =	stream.indirect.gather [hbm4b:s2+s28], $0x80, s31, s28, $0xb8;
	[tilespmem:$0x1C800] =	vst v63  }
0x50: {  	_ =	swait.ge [sflag:s0], $0x4000  }
0x51: {  	[sflag:s0] =	ssyncset.done $0x0  }
0x52: {  	[sflag:s0] =	ssyncadd.s32 $0xFFFFC000  }
0x53: {  	[spmem:s3] =	stream.indirect.scatter.add.f32 [tilespmem:s29], [sflag:$0x3], $0x80, s1, s28, $0xb8;
	[tilespmem:$0x1C800] =	vst v63  }
0x54: {  	_ =	swait.ge [sflag:s21], $0x4000  }
0x55: {  	[sflag:s21] =	ssyncset.done $0x0  }
0x56: {  	[sflag:s21] =	ssyncadd.s32 $0xFFFFC000  }
0x57: {  	[tilespmem:s29], [sflag:$0x2] =	stream.indirect.gather [hbm4b:s2+s28], $0x80, s5, s28, $0xb8;
	[tilespmem:$0x1C800] =	vst v63  }
0x58: {  	_ =	swait.ge [sflag:s30], $0x4000  }
0x59: {  	[sflag:s30] =	ssyncset.done $0x0  }
0x5a: {  	[sflag:s30] =	ssyncadd.s32 $0xFFFFC000  }
0x5b: {  	[spmem:s3] =	stream.indirect.scatter.add.f32 [tilespmem:s20], [sflag:$0x3], $0x80, s8, s28, $0xb8;
	[tilespmem:$0x1C800] =	vst v63  }
0x5c: {  	_ =	swait.ge [sflag:s21], $0x4000  }
0x5d: {  	[sflag:s21] =	ssyncset.done $0x0  }
0x5e: {  	[sflag:s21] =	ssyncadd.s32 $0xFFFFC000  }
0x5f: {  	[tilespmem:s20], [sflag:$0x1] =	stream.indirect.gather [hbm4b:s2+s28], $0x80, s9, s28, $0xb8;
	[tilespmem:$0x1C800] =	vst v63  }
0x60: {  	_ =	swait.ge [sflag:s0], $0x4000  }
0x61: {  	[sflag:s0] =	ssyncset.done $0x0  }
0x62: {  	[sflag:s0] =	ssyncadd.s32 $0xFFFFC000  }
0x63: {  	[spmem:s3] =	stream.indirect.scatter.add.f32 [tilespmem:s29], [sflag:$0x3], $0x80, s10, s28, $0xb8;
	[tilespmem:$0x1C800] =	vst v63  }
0x64: {  	_ =	swait.ge [sflag:s21], $0x4000  }
0x65: {  	[sflag:s21] =	ssyncset.done $0x0  }
0x66: {  	[sflag:s21] =	ssyncadd.s32 $0xFFFFC000  }
0x67: {  	[tilespmem:s29], [sflag:$0x2] =	stream.indirect.gather [hbm4b:s2+s28], $0x80, s11, s28, $0xb8;
	[tilespmem:$0x1C800] =	vst v63  }
0x68: {  	_ =	swait.ge [sflag:s30], $0x4000  }
0x69: {  	[sflag:s30] =	ssyncset.done $0x0  }
0x6a: {  	[sflag:s30] =	ssyncadd.s32 $0xFFFFC000  }
0x6b: {  	[spmem:s3] =	stream.indirect.scatter.add.f32 [tilespmem:s20], [sflag:$0x3], $0x80, s12, s28, $0xb8;
	[tilespmem:$0x1C800] =	vst v63  }
0x6c: {  	_ =	swait.ge [sflag:s21], $0x4000  }
0x6d: {  	[sflag:s21] =	ssyncset.done $0x0  }
0x6e: {  	[sflag:s21] =	ssyncadd.s32 $0xFFFFC000  }
0x6f: {  	[tilespmem:s20], [sflag:$0x1] =	stream.indirect.gather [hbm4b:s2+s28], $0x80, s13, s28, $0xb8;
	[tilespmem:$0x1C800] =	vst v63  }
0x70: {  	_ =	swait.ge [sflag:s0], $0x4000  }
0x71: {  	[sflag:s0] =	ssyncset.done $0x0  }
0x72: {  	[sflag:s0] =	ssyncadd.s32 $0xFFFFC000  }
0x73: {  	[spmem:s3] =	stream.indirect.scatter.add.f32 [tilespmem:s29], [sflag:$0x3], $0x80, s14, s28, $0xb8;
	[tilespmem:$0x1C800] =	vst v63  }
0x74: {  	_ =	swait.ge [sflag:s21], $0x4000  }
0x75: {  	[sflag:s21] =	ssyncset.done $0x0  }
0x76: {  	[sflag:s21] =	ssyncadd.s32 $0xFFFFC000  }
0x77: {  	[tilespmem:s29], [sflag:$0x2] =	stream.indirect.gather [hbm4b:s2+s28], $0x80, s15, s28, $0xb8;
	[tilespmem:$0x1C800] =	vst v63  }
0x78: {  	_ =	swait.ge [sflag:s30], $0x4000  }
0x79: {  	[sflag:s30] =	ssyncset.done $0x0  }
0x7a: {  	[sflag:s30] =	ssyncadd.s32 $0xFFFFC000  }
0x7b: {  	[spmem:s3] =	stream.indirect.scatter.add.f32 [tilespmem:s20], [sflag:$0x3], $0x80, s16, s28, $0xb8;
	[tilespmem:$0x1C800] =	vst v63  }
0x7c: {  	_ =	swait.ge [sflag:s21], $0x4000  }
0x7d: {  	[sflag:s21] =	ssyncset.done $0x0  }
0x7e: {  	[sflag:s21] =	ssyncadd.s32 $0xFFFFC000  }
0x7f: {  	p0 =	sne.s32 s6, $0x1;
	_ =	swait.ge [sflag:s0], $0x4000  }
.Ltmp0:
0x80: {  	[sflag:s0] =	ssyncset.done $0x0;
	(pc) =	sbr.rel @!p0 .LBB2_3-.Ltmp0, $4  }
0x81: {  	[sflag:s0] =	ssyncadd.s32 $0xFFFFC000  }
0x82: {  	[spmem:s3] =	stream.indirect.scatter.add.f32 [tilespmem:s29], [sflag:$0x3], $0x80, s17, s28, $0xb8;
	[tilespmem:$0x1C800] =	vst v63  }
0x83: {  	s18 =	smov.u32 s24;
	_ =	swait.ge [sflag:s21], $0x4000  }
0x84: {  	s19 =	smov.u32 s25;
	s23 =	sadd.s32 $0xFFFFFFFF, s6;
	[sflag:s21] =	ssyncset.done $0x0  }
.LBB2_2:
0x85: {  	[sflag:s21] =	ssyncadd.s32 $0xFFFFC000;
	s18 =	sadd.s32 $0x80, s18;
	s19 =	sadd.s32 $0x80, s19  }
0x86: {  	[tilespmem:s4], [sflag:$0x3] =	stream.linear.gather [hbm4b:s19+s4], $0x400, $0x38;
	[tilespmem:$0x1C800] =	vst v63  }
0x87: {  	p0 =	sne.s32 s23, $0x1;
	s23 =	sadd.s32 $0xFFFFFFFF, s23;
	_ =	swait.ge [sflag:s21], $0x400  }
0x88: {  	[sflag:s21] =	ssyncset.done $0x0  }
0x89: {  	[sflag:s21] =	ssyncadd.s32 $0xFFFFFC00  }
0x8a: {  	[tilespmem:s26], [sflag:$0x3] =	stream.linear.gather [hbm4b:s18+s4], $0x400, $0x38;
	[tilespmem:$0x1C800] =	vst v63  }
0x8b: {  	_ =	swait.ge [sflag:s21], $0x400  }
0x8c: {  	[sflag:s21] =	ssyncset.done $0x0  }
0x8d: {  	[sflag:s21] =	ssyncadd.s32 $0xFFFFFC00  }
0x8e: {  	[tilespmem:s20], [sflag:$0x1] =	stream.indirect.gather [hbm4b:s2+s28], $0x80, s4, s28, $0xb8;
	[tilespmem:$0x1C800] =	vst v63  }
0x8f: {  	_ = 	snop  }
0x90: {  	[tilespmem:s29], [sflag:$0x2] =	stream.indirect.gather [hbm4b:s2+s28], $0x80, s28, s28, $0xb8;
	[tilespmem:$0x1C800] =	vst v63  }
0x91: {  	_ =	swait.ge [sflag:s30], $0x4000  }
0x92: {  	[sflag:s30] =	ssyncset.done $0x0  }
0x93: {  	[sflag:s30] =	ssyncadd.s32 $0xFFFFC000  }
0x94: {  	[spmem:s3] =	stream.indirect.scatter.add.f32 [tilespmem:s20], [sflag:$0x3], $0x80, s26, s28, $0xb8;
	[tilespmem:$0x1C800] =	vst v63  }
0x95: {  	_ =	swait.ge [sflag:s21], $0x4000  }
0x96: {  	[sflag:s21] =	ssyncset.done $0x0  }
0x97: {  	[sflag:s21] =	ssyncadd.s32 $0xFFFFC000  }
0x98: {  	[tilespmem:s20], [sflag:$0x1] =	stream.indirect.gather [hbm4b:s2+s28], $0x80, s31, s28, $0xb8;
	[tilespmem:$0x1C800] =	vst v63  }
0x99: {  	_ =	swait.ge [sflag:s0], $0x4000  }
0x9a: {  	[sflag:s0] =	ssyncset.done $0x0  }
0x9b: {  	[sflag:s0] =	ssyncadd.s32 $0xFFFFC000  }
0x9c: {  	[spmem:s3] =	stream.indirect.scatter.add.f32 [tilespmem:s29], [sflag:$0x3], $0x80, s1, s28, $0xb8;
	[tilespmem:$0x1C800] =	vst v63  }
0x9d: {  	_ =	swait.ge [sflag:s21], $0x4000  }
0x9e: {  	[sflag:s21] =	ssyncset.done $0x0  }
0x9f: {  	[sflag:s21] =	ssyncadd.s32 $0xFFFFC000  }
0xa0: {  	[tilespmem:s29], [sflag:$0x2] =	stream.indirect.gather [hbm4b:s2+s28], $0x80, s5, s28, $0xb8;
	[tilespmem:$0x1C800] =	vst v63  }
0xa1: {  	_ =	swait.ge [sflag:s30], $0x4000  }
0xa2: {  	[sflag:s30] =	ssyncset.done $0x0  }
0xa3: {  	[sflag:s30] =	ssyncadd.s32 $0xFFFFC000  }
0xa4: {  	[spmem:s3] =	stream.indirect.scatter.add.f32 [tilespmem:s20], [sflag:$0x3], $0x80, s8, s28, $0xb8;
	[tilespmem:$0x1C800] =	vst v63  }
0xa5: {  	_ =	swait.ge [sflag:s21], $0x4000  }
0xa6: {  	[sflag:s21] =	ssyncset.done $0x0  }
0xa7: {  	[sflag:s21] =	ssyncadd.s32 $0xFFFFC000  }
0xa8: {  	[tilespmem:s20], [sflag:$0x1] =	stream.indirect.gather [hbm4b:s2+s28], $0x80, s9, s28, $0xb8;
	[tilespmem:$0x1C800] =	vst v63  }
0xa9: {  	_ =	swait.ge [sflag:s0], $0x4000  }
0xaa: {  	[sflag:s0] =	ssyncset.done $0x0  }
0xab: {  	[sflag:s0] =	ssyncadd.s32 $0xFFFFC000  }
0xac: {  	[spmem:s3] =	stream.indirect.scatter.add.f32 [tilespmem:s29], [sflag:$0x3], $0x80, s10, s28, $0xb8;
	[tilespmem:$0x1C800] =	vst v63  }
0xad: {  	_ =	swait.ge [sflag:s21], $0x4000  }
0xae: {  	[sflag:s21] =	ssyncset.done $0x0  }
0xaf: {  	[sflag:s21] =	ssyncadd.s32 $0xFFFFC000  }
0xb0: {  	[tilespmem:s29], [sflag:$0x2] =	stream.indirect.gather [hbm4b:s2+s28], $0x80, s11, s28, $0xb8;
	[tilespmem:$0x1C800] =	vst v63  }
0xb1: {  	_ =	swait.ge [sflag:s30], $0x4000  }
0xb2: {  	[sflag:s30] =	ssyncset.done $0x0  }
0xb3: {  	[sflag:s30] =	ssyncadd.s32 $0xFFFFC000  }
0xb4: {  	[spmem:s3] =	stream.indirect.scatter.add.f32 [tilespmem:s20], [sflag:$0x3], $0x80, s12, s28, $0xb8;
	[tilespmem:$0x1C800] =	vst v63  }
0xb5: {  	_ =	swait.ge [sflag:s21], $0x4000  }
0xb6: {  	[sflag:s21] =	ssyncset.done $0x0  }
0xb7: {  	[sflag:s21] =	ssyncadd.s32 $0xFFFFC000  }
0xb8: {  	[tilespmem:s20], [sflag:$0x1] =	stream.indirect.gather [hbm4b:s2+s28], $0x80, s13, s28, $0xb8;
	[tilespmem:$0x1C800] =	vst v63  }
0xb9: {  	_ =	swait.ge [sflag:s0], $0x4000  }
0xba: {  	[sflag:s0] =	ssyncset.done $0x0  }
0xbb: {  	[sflag:s0] =	ssyncadd.s32 $0xFFFFC000  }
0xbc: {  	[spmem:s3] =	stream.indirect.scatter.add.f32 [tilespmem:s29], [sflag:$0x3], $0x80, s14, s28, $0xb8;
	[tilespmem:$0x1C800] =	vst v63  }
0xbd: {  	_ =	swait.ge [sflag:s21], $0x4000  }
0xbe: {  	[sflag:s21] =	ssyncset.done $0x0  }
0xbf: {  	[sflag:s21] =	ssyncadd.s32 $0xFFFFC000  }
0xc0: {  	[tilespmem:s29], [sflag:$0x2] =	stream.indirect.gather [hbm4b:s2+s28], $0x80, s15, s28, $0xb8;
	[tilespmem:$0x1C800] =	vst v63  }
0xc1: {  	_ =	swait.ge [sflag:s30], $0x4000  }
0xc2: {  	[sflag:s30] =	ssyncset.done $0x0  }
0xc3: {  	[sflag:s30] =	ssyncadd.s32 $0xFFFFC000  }
0xc4: {  	[spmem:s3] =	stream.indirect.scatter.add.f32 [tilespmem:s20], [sflag:$0x3], $0x80, s16, s28, $0xb8;
	[tilespmem:$0x1C800] =	vst v63  }
0xc5: {  	_ =	swait.ge [sflag:s21], $0x4000  }
0xc6: {  	[sflag:s21] =	ssyncset.done $0x0  }
0xc7: {  	[sflag:s21] =	ssyncadd.s32 $0xFFFFC000  }
0xc8: {  	_ =	swait.ge [sflag:s0], $0x4000  }
.Ltmp1:
0xc9: {  	[sflag:s0] =	ssyncset.done $0x0;
	(pc) =	sbr.rel @p0 .LBB2_2-.Ltmp1, $4  }
0xca: {  	[sflag:s0] =	ssyncadd.s32 $0xFFFFC000  }
0xcb: {  	[spmem:s3] =	stream.indirect.scatter.add.f32 [tilespmem:s29], [sflag:$0x3], $0x80, s17, s28, $0xb8;
	[tilespmem:$0x1C800] =	vst v63  }
0xcc: {  	_ =	swait.ge [sflag:s21], $0x4000  }
0xcd: {  	[sflag:s21] =	ssyncset.done $0x0  }
.LBB2_3:
0xce: {  	[sflag:s21] =	ssyncadd.s32 $0xFFFFC000;
	s18 =	stileid.u32  }
0xcf: {  	s18 =	sshll.u32 s18, $0x6;
	[bflag:$0x0] =	sbarrier.arrive $0xFFFF  }
0xd0: {  	s19 =	sshrl.u32 s7, $0x3;
	s18 =	sor.u32 $0x1C03, s18;
	s23 =	rddreg [dreg:$0x5]  }
0xd1: {  	[hbm:s23], [sflag:s18] =	dma.local [spmem:s19], $0x800  }
0xd2: {  	_ =	swait.ge [sflag:s21], $0x800  }
0xd3: {  	[sflag:s21] =	ssyncset.done $0x0;
	s19 =	rddreg [dreg:$0xb]  }
0xd4: {  	s23 =	rddreg [dreg:$0xf];
	[sflag:s21] =	ssyncadd.s32 $0xFFFFF800  }
0xd5: {  	[hbm:s19], [sflag:s18] =	dma.local [spmem:s23], $0x800  }
0xd6: {  	_ =	swait.ge [sflag:s21], $0x800  }
0xd7: {  	[sflag:s21] =	ssyncset.done $0x0;
	s19 =	rddreg [dreg:$0xc]  }
0xd8: {  	s23 =	rddreg [dreg:$0x10];
	[sflag:s21] =	ssyncadd.s32 $0xFFFFF800  }
0xd9: {  	[hbm:s19], [sflag:s18] =	dma.local [spmem:s23], $0x800  }
0xda: {  	_ =	swait.ge [sflag:s21], $0x800  }
0xdb: {  	[sflag:s21] =	ssyncset.done $0x0;
	s19 =	rddreg [dreg:$0xd]  }
0xdc: {  	s23 =	rddreg [dreg:$0x11];
	[sflag:s21] =	ssyncadd.s32 $0xFFFFF800  }
0xdd: {  	[hbm:s19], [sflag:s18] =	dma.local [spmem:s23], $0x800  }
0xde: {  	_ =	swait.ge [sflag:s21], $0x800  }
0xdf: {  	[sflag:s21] =	ssyncset.done $0x0;
	s19 =	rddreg [dreg:$0xe]  }
0xe0: {  	s23 =	rddreg [dreg:$0x12];
	[sflag:s21] =	ssyncadd.s32 $0xFFFFF800  }
0xe1: {  	[hbm:s19], [sflag:s18] =	dma.local [spmem:s23], $0x800  }
0xe2: {  	_ =	swait.ge [sflag:s21], $0x800  }
0xe3: {  	s22 =	sadd.s32 $0x1, s22;
	s23 =	rddreg [dreg:$0x6]  }
0xe4: {  	p0 =	sne.s32 s22, s23  }
.Ltmp2:
0xe5: {  	_ = 	snop;
	(pc) =	sbr.rel @p0 .LBB2_1-.Ltmp2, $3  }
0xe6: {  	_ =	sdelay $0x1  }
0xe7: {  	[sflag:s21] =	ssyncset.done $0x0  }
0xe8: {  	[sflag:s21] =	ssyncadd.s32 $0xFFFFF800  }
0xe9: {  	_ =	sfence.sel $0x180000  }
0xea: {  	[bflag:$0x0] =	sbarrier.arrive $0xFFFF  }
0xeb: {  	_ =	strace $0x90000050  }
0xec: {  	s0 =	stileid.u32;
	[bflag:$0x2] =	sbarrier.arrive $0xFFFF  }
0xed: {  	p0 =	sne.s32 s0, $0x0;
	s0 =	rddreg [dreg:$0x3]  }
0xee: {  	s0 =	sadd.s32 @!p0 $0x100000, s0  }
0xef: {  	[sflag:s0] =	ssyncadd.tile.s32 @!p0 $0x1;
	_ =	shalt  }
.Lfunc_end2:
_tile_overlayer_lowered:
.L_overlay_start_2:
0xf0: {  	(tag) =	ssettag $0x2  }
0xf1: {  	s0 =	rddreg [dreg:$0x0];
	s2 =	stileid.u32  }
0xf2: {  	s1 =	rddreg [dreg:$0x1];
	p0 =	sne.s32 s2, $0x0  }
0xf3: {  	s3 =	rddreg [dreg:$0x2];
	[bflag:$0x3] =	sbarrier.arrive $0xFFFF;
	s2 =	simm.s32 @!p0 $0x1C03  }
0xf4: {  	[timem:s3], [sflag:s2] =	dma.local @!p0 [hbm:s0], s1  }
0xf5: {  	s0 =	simm.s32 @!p0 $0x3  }
0xf6: {  	_ =	swait.ge @!p0 [sflag:s0], s1  }
0xf7: {  	s1 =	ssub.s32 @!p0 $0x0, s1;
	[sflag:s0] =	ssyncset.done @!p0 $0x0  }
0xf8: {  	[sflag:s0] =	ssyncadd.s32 @!p0 s1  }
0xf9: {  	[bflag:$0x3] =	sbarrier.arrive $0xFFFF  }
0xfa: {  	_ =	shalt  }

</sc_bundles>
